<compile_context>
chip_gen: v7x
topology: tpu7x:2x2x1
jax: 0.10.2.dev20260603
libtpu: 0.0.44.dev20260713+nightly
codegen_flags: <defaults>
</compile_context>

<pallas_src>
import functools

import jax
import jax.numpy as jnp
from jax import lax
from jax.experimental import pallas as pl
from jax.experimental.pallas import tpu as pltpu
from jax.experimental.pallas import tpu_sc as plsc

N = 10000
D = 128
E = 320000
LAYERS = 3

NC, NS = 2, 16
NW = NC * NS
CHUNK = 128
KCH0 = 120
KCH1 = 40
KCHMAX = KCH0
KCHD = (KCH0 + KCH1) // NC
GCH = 40
E_PAD = CHUNK * NS * (KCH0 + KCH1)
N_PAD = 10240
RPT = N_PAD // NS
DEGW = 128

_mesh = plsc.VectorSubcoreMesh(
    core_axis_name="c", subcore_axis_name="s", num_cores=NC, num_subcores=NS
)


@functools.partial(
    pl.kernel,
    out_type=jax.ShapeDtypeStruct((NC, N_PAD, DEGW), jnp.float32),
    mesh=_mesh,
    scratch_types=[
        pltpu.VMEM((KCHD, CHUNK), jnp.int32),
        pltpu.VMEM((CHUNK, DEGW), jnp.float32),
        pltpu.VMEM_SHARED((N_PAD, DEGW), jnp.float32),
    ],
)
def _deg_kernel(coli, zdeg, ones_hbm, degp, cidx, ones_v, dacc):
    c = lax.axis_index("c")
    s = lax.axis_index("s")
    w = s * NC + c
    pltpu.sync_copy(zdeg.at[pl.ds(s * RPT, RPT), :], dacc.at[pl.ds(s * RPT, RPT), :])
    pltpu.sync_copy(coli.at[pl.ds(w * KCHD, KCHD), :], cidx)
    pltpu.sync_copy(ones_hbm, ones_v)
    plsc.subcore_barrier()

    def body(j, carry):
        pltpu.sync_copy(ones_v, dacc.at[cidx.at[j]], add=True)
        return carry

    lax.fori_loop(0, KCHD, body, 0)
    plsc.subcore_barrier()
    pltpu.sync_copy(
        dacc.at[pl.ds(s * RPT, RPT), :], degp.at[c, pl.ds(s * RPT, RPT), :]
    )


@functools.partial(
    pl.kernel,
    out_type=jax.ShapeDtypeStruct((NC, N_PAD, D), jnp.float32),
    mesh=_mesh,
    scratch_types=[
        pltpu.VMEM((GCH, CHUNK), jnp.int32),
        pltpu.VMEM((GCH, CHUNK), jnp.int32),
        pltpu.VMEM((CHUNK, D), jnp.float32),
        pltpu.VMEM((CHUNK, D), jnp.float32),
        pltpu.VMEM_SHARED((N_PAD, D), jnp.float32),
        pltpu.SemaphoreType.DMA,
        pltpu.SemaphoreType.DMA,
    ],
)
def _scatter_kernel(z_hbm, rowi, coli, zrows, part, ridx, cidx, gbuf0, gbuf1,
                    acc, sem0, sem1):
    c = lax.axis_index("c")
    s = lax.axis_index("s")
    pltpu.sync_copy(zrows.at[pl.ds(s * RPT, RPT), :], acc.at[pl.ds(s * RPT, RPT), :])
    plsc.subcore_barrier()

    kch = jnp.where(c == 0, KCH0, KCH1)
    wbase = jnp.where(c == 0, s * KCH0, NS * KCH0 + s * KCH1)

    for g in range(KCHMAX // GCH):

        @pl.when(g * GCH < kch)
        def _():
            pltpu.sync_copy(rowi.at[pl.ds(wbase + g * GCH, GCH), :], ridx)
            pltpu.sync_copy(coli.at[pl.ds(wbase + g * GCH, GCH), :], cidx)
            pltpu.async_copy(z_hbm.at[ridx.at[0]], gbuf0, sem0)

            def body(i, carry2):
                j = 2 * i
                pltpu.async_copy(z_hbm.at[ridx.at[j + 1]], gbuf1, sem1)
                pltpu.make_async_copy(z_hbm.at[ridx.at[j]], gbuf0, sem0).wait()
                pltpu.sync_copy(gbuf0, acc.at[cidx.at[j]], add=True)

                @pl.when(j + 2 < GCH)
                def _():
                    pltpu.async_copy(z_hbm.at[ridx.at[j + 2]], gbuf0, sem0)

                pltpu.make_async_copy(z_hbm.at[ridx.at[j + 1]], gbuf1, sem1).wait()
                pltpu.sync_copy(gbuf1, acc.at[cidx.at[j + 1]], add=True)
                return carry2

            lax.fori_loop(0, GCH // 2, body, 0)
    plsc.subcore_barrier()
    pltpu.sync_copy(
        acc.at[pl.ds(s * RPT, RPT), :], part.at[c, pl.ds(s * RPT, RPT), :]
    )


RB = 1280
GP = N_PAD // RB


def _prep_body(alpha_ref, degp_ref, emb_ref, dinv_ref, dinv2_ref, z0_ref, oacc_ref):
    deg = degp_ref[0, :, 0:1] + degp_ref[1, :, 0:1]
    pos = deg > 0.0
    dinv = jnp.where(pos, lax.rsqrt(jnp.where(pos, deg, 1.0)), 0.0)
    dinv_ref[...] = dinv
    dinv2_ref[...] = dinv * dinv
    e = emb_ref[...]
    z0_ref[...] = e * dinv
    oacc_ref[...] = e * alpha_ref[0]


_prep = pl.pallas_call(
    _prep_body,
    grid=(GP,),
    in_specs=[
        pl.BlockSpec(memory_space=pltpu.SMEM),
        pl.BlockSpec((2, RB, DEGW), lambda i: (0, i, 0)),
        pl.BlockSpec((RB, D), lambda i: (i, 0)),
    ],
    out_specs=[
        pl.BlockSpec((RB, 1), lambda i: (i, 0)),
        pl.BlockSpec((RB, 1), lambda i: (i, 0)),
        pl.BlockSpec((RB, D), lambda i: (i, 0)),
        pl.BlockSpec((RB, D), lambda i: (i, 0)),
    ],
    out_shape=[
        jax.ShapeDtypeStruct((N_PAD, 1), jnp.float32),
        jax.ShapeDtypeStruct((N_PAD, 1), jnp.float32),
        jax.ShapeDtypeStruct((N_PAD, D), jnp.float32),
        jax.ShapeDtypeStruct((N_PAD, D), jnp.float32),
    ],
)


def _comb_body(l, alpha_ref, part_ref, dinv_ref, dinv2_ref, oin_ref, z_ref, oout_ref):
    sm = part_ref[0] + part_ref[1]
    z_ref[...] = sm * dinv2_ref[...]
    oout_ref[...] = oin_ref[...] + (sm * dinv_ref[...]) * alpha_ref[l]


def _make_comb(l):
    return pl.pallas_call(
        functools.partial(_comb_body, l),
        grid=(GP,),
        in_specs=[
            pl.BlockSpec(memory_space=pltpu.SMEM),
            pl.BlockSpec((2, RB, D), lambda i: (0, i, 0)),
            pl.BlockSpec((RB, 1), lambda i: (i, 0)),
            pl.BlockSpec((RB, 1), lambda i: (i, 0)),
            pl.BlockSpec((RB, D), lambda i: (i, 0)),
        ],
        out_specs=[
            pl.BlockSpec((RB, D), lambda i: (i, 0)),
            pl.BlockSpec((RB, D), lambda i: (i, 0)),
        ],
        out_shape=[
            jax.ShapeDtypeStruct((N_PAD, D), jnp.float32),
            jax.ShapeDtypeStruct((N_PAD, D), jnp.float32),
        ],
    )


_combs = [None] + [_make_comb(l) for l in range(1, LAYERS + 1)]


def kernel(edge_index, emb, alpha):
    row = edge_index[0].astype(jnp.int32)
    col = edge_index[1].astype(jnp.int32)
    pad = jnp.full((E_PAD - E,), N, jnp.int32)
    rowi = jnp.concatenate([row, pad]).reshape(E_PAD // CHUNK, CHUNK)
    coli = jnp.concatenate([col, pad]).reshape(E_PAD // CHUNK, CHUNK)
    emb_pad = jnp.zeros((N_PAD, D), jnp.float32).at[:N].set(emb)
    zdeg = jnp.zeros((N_PAD, DEGW), jnp.float32)
    ones = jnp.ones((CHUNK, DEGW), jnp.float32)
    zrows = jnp.zeros((N_PAD, D), jnp.float32)

    degp = _deg_kernel(coli, zdeg, ones)
    dinv, dinv2, z, oacc = _prep(alpha, degp, emb_pad)
    for l in range(1, LAYERS + 1):
        part = _scatter_kernel(z, rowi, coli, zrows)
        z, oacc = _combs[l](alpha, part, dinv, dinv2, oacc)
    return oacc[:N]

# --- scband reference (transcript-rebuilt; emitter-appended) ---
"""Pipeline reference for scband-light-16776142258474 (READ-ONLY COPY).

The authoritative reference and input builder live on the scoring server;
editing this copy changes nothing except your own understanding.
"""

import jax, jax.numpy as jnp
import numpy as np

NUM_NODES = 10000
EMBED_DIM = 128
NUM_LAYERS = 3
NUM_EDGES = 320000


def setup_inputs(seed: int = 0) -> dict:
    key = jax.random.key(seed)
    k1, k2 = jax.random.split(key)
    edge_index = jax.random.randint(k1, (2, NUM_EDGES), 0, NUM_NODES, dtype=jnp.int64)
    # xavier_uniform init for embedding weight: bound = sqrt(6/(fan_in+fan_out))
    bound = float(np.sqrt(6.0 / (NUM_NODES + EMBED_DIM)))
    emb = jax.random.uniform(k2, (NUM_NODES, EMBED_DIM), dtype=jnp.float32, minval=-bound, maxval=bound)
    alpha = jnp.full((NUM_LAYERS + 1,), 1.0 / (NUM_LAYERS + 1), dtype=jnp.float32)
    return {"edge_index": edge_index, "emb": emb, "alpha": alpha}


def reference(edge_index, emb, alpha):
    N = emb.shape[0]
    row, col = edge_index[0], edge_index[1]
    # gcn_norm with add_self_loops=False (PyG LGConv default)
    deg = jnp.zeros((N,), dtype=emb.dtype).at[col].add(1.0)
    deg_inv_sqrt = jnp.where(deg > 0, 1.0 / jnp.sqrt(jnp.where(deg > 0, deg, 1.0)), 0.0)
    norm = deg_inv_sqrt[row] * deg_inv_sqrt[col]
    x = emb
    out = x * alpha[0]
    for i in range(NUM_LAYERS):
        msg = x[row] * norm[:, None]
        x = jnp.zeros_like(x).at[col].add(msg)
        out = out + x * alpha[i + 1]
    return out

if __name__ == "__main__":
    import jax
    _d = setup_inputs()
    print(jax.jit(kernel)(*tuple(_d.values())))

</pallas_src>

<mosaic_0001>
#map = affine_map<(d0, d1) -> (0, 0)>
#map1 = affine_map<(d0, d1) -> (0, 0, 0)>
module attributes {stable_mosaic.version = 14 : i64} {
  func.func @_scatter_kernel(%arg0: i32, %arg1: i32, %arg2: memref<10240x128xf32, #tpu.memory_space<hbm>>, %arg3: memref<2560x128xi32, #tpu.memory_space<hbm>>, %arg4: memref<2560x128xi32, #tpu.memory_space<hbm>>, %arg5: memref<10240x128xf32, #tpu.memory_space<hbm>>, %arg6: memref<2x10240x128xf32, #tpu.memory_space<hbm>>, %arg7: memref<40x128xi32, #tpu.memory_space<vmem>>, %arg8: memref<40x128xi32, #tpu.memory_space<vmem>>, %arg9: memref<128x128xf32, #tpu.memory_space<vmem>>, %arg10: memref<128x128xf32, #tpu.memory_space<vmem>>, %arg11: memref<10240x128xf32, #tpu.memory_space<vmem_shared>>, %arg12: memref<!tpu.dma_semaphore, #tpu.memory_space<semaphore_mem>>, %arg13: memref<!tpu.dma_semaphore, #tpu.memory_space<semaphore_mem>>) attributes {dimension_semantics = [#tpu.dimension_semantics<core_parallel>, #tpu.dimension_semantics<subcore_parallel>], iteration_bounds = array<i64: 2, 16>, scalar_prefetch = 0 : i64, scratch_operands = 7 : i64, tpu.core_type = #tpu.core_type<sc_vector_subcore>, window_params = [{transform_indices = #map}, {transform_indices = #map}, {transform_indices = #map}, {transform_indices = #map}, {transform_indices = #map1}]} {
    %mul3A = arith.constant 640 : i32
    %mul3A_0 = arith.muli %arg1, %mul3A : i32
    %mul3A_1 = arith.constant 640 : i32
    %mul3A_2 = arith.muli %arg1, %mul3A_1 : i32
    "tpu.region"() ({
      %run_scoped3A = tpu.sem_alloc : memref<!tpu.dma_semaphore, #tpu.memory_space<semaphore_mem>>
      %dma_start3A = arith.constant 0 : i32
      %dma_start3A_30 = tpu.memref_slice %arg11[%mul3A_2, %dma_start3A] : memref<10240x128xf32, #tpu.memory_space<vmem_shared>> -> memref<640x128xf32, #tpu.memory_space<vmem_shared>>
      %dma_start3A_31 = arith.constant 0 : i32
      %dma_start3A_32 = tpu.memref_slice %arg5[%mul3A_0, %dma_start3A_31] : memref<10240x128xf32, #tpu.memory_space<hbm>> -> memref<640x128xf32, #tpu.memory_space<hbm>>
      tpu.enqueue_dma source(%dma_start3A_32 : memref<640x128xf32, #tpu.memory_space<hbm>>) target(%dma_start3A_30 : memref<640x128xf32, #tpu.memory_space<vmem_shared>>) target_semaphore(%run_scoped3A : memref<!tpu.dma_semaphore, #tpu.memory_space<semaphore_mem>>)
      %dma_wait3A = arith.constant 0 : i32
      %dma_wait3A_33 = tpu.memref_slice %arg11[%mul3A_2, %dma_wait3A] : memref<10240x128xf32, #tpu.memory_space<vmem_shared>> -> memref<640x128xf32, #tpu.memory_space<vmem_shared>>
      %dma_wait3A_34 = arith.constant 0 : i32
      %dma_wait3A_35 = tpu.memref_slice %arg5[%mul3A_0, %dma_wait3A_34] : memref<10240x128xf32, #tpu.memory_space<hbm>> -> memref<640x128xf32, #tpu.memory_space<hbm>>
      tpu.wait_dma2 semaphore(%run_scoped3A : memref<!tpu.dma_semaphore, #tpu.memory_space<semaphore_mem>>) src(%dma_wait3A_35 : memref<640x128xf32, #tpu.memory_space<hbm>>) dst(%dma_wait3A_33 : memref<640x128xf32, #tpu.memory_space<vmem_shared>>)
      tpu.yield
    }) : () -> ()
    %barrier3A = arith.constant 0 : index
    tpu.barrier barrier_id(%barrier3A)
    %eq3A = arith.constant 0 : i32
    %eq3A_3 = arith.cmpi eq, %arg0, %eq3A : i32
    %jit3A = arith.constant 120 : i32
    %jit3A_4 = arith.constant 40 : i32
    %select_n3A = arith.select %eq3A_3, %jit3A, %jit3A_4 : i32
    %eq3A_5 = arith.constant 0 : i32
    %eq3A_6 = arith.cmpi eq, %arg0, %eq3A_5 : i32
    %mul3A_7 = arith.constant 120 : i32
    %mul3A_8 = arith.muli %arg1, %mul3A_7 : i32
    %mul3A_9 = arith.constant 40 : i32
    %mul3A_10 = arith.muli %arg1, %mul3A_9 : i32
    %add3A = arith.constant 1920 : i32
    %add3A_11 = arith.addi %add3A, %mul3A_10 : i32
    %select_n3A_12 = arith.select %eq3A_6, %mul3A_8, %add3A_11 : i32
    %gt3A = arith.constant 0 : i32
    %gt3A_13 = arith.cmpi sgt, %select_n3A, %gt3A : i32
    %convert_element_type3A = arith.extui %gt3A_13 : i1 to i32
    %cond3A = arith.constant 0 : i32
    %cond3A_14 = arith.cmpi ne, %convert_element_type3A, %cond3A : i32
    scf.if %cond3A_14 {
      %add3A_30 = arith.constant 0 : i32
      %add3A_31 = arith.addi %select_n3A_12, %add3A_30 : i32
      "tpu.region"() ({
        %run_scoped3A = tpu.sem_alloc : memref<!tpu.dma_semaphore, #tpu.memory_space<semaphore_mem>>
        %dma_start3A_45 = arith.constant 0 : i32
        %dma_start3A_46 = tpu.memref_slice %arg3[%add3A_31, %dma_start3A_45] : memref<2560x128xi32, #tpu.memory_space<hbm>> -> memref<40x128xi32, #tpu.memory_space<hbm>>
        %dma_start3A_47 = arith.constant 0 : i32
        %dma_start3A_48 = tpu.memref_slice %arg3[%add3A_31, %dma_start3A_47] : memref<2560x128xi32, #tpu.memory_space<hbm>> -> memref<40x128xi32, #tpu.memory_space<hbm>>
        tpu.enqueue_dma source(%dma_start3A_48 : memref<40x128xi32, #tpu.memory_space<hbm>>) target(%arg7 : memref<40x128xi32, #tpu.memory_space<vmem>>) target_semaphore(%run_scoped3A : memref<!tpu.dma_semaphore, #tpu.memory_space<semaphore_mem>>)
        %dma_wait3A = arith.constant 0 : i32
        %dma_wait3A_49 = tpu.memref_slice %arg3[%add3A_31, %dma_wait3A] : memref<2560x128xi32, #tpu.memory_space<hbm>> -> memref<40x128xi32, #tpu.memory_space<hbm>>
        %dma_wait3A_50 = arith.constant 0 : i32
        %dma_wait3A_51 = tpu.memref_slice %arg3[%add3A_31, %dma_wait3A_50] : memref<2560x128xi32, #tpu.memory_space<hbm>> -> memref<40x128xi32, #tpu.memory_space<hbm>>
        tpu.wait_dma2 semaphore(%run_scoped3A : memref<!tpu.dma_semaphore, #tpu.memory_space<semaphore_mem>>) src(%dma_wait3A_51 : memref<40x128xi32, #tpu.memory_space<hbm>>) dst(%arg7 : memref<40x128xi32, #tpu.memory_space<vmem>>)
        tpu.yield
      }) : () -> ()
      %add3A_32 = arith.constant 0 : i32
      %add3A_33 = arith.addi %select_n3A_12, %add3A_32 : i32
      "tpu.region"() ({
        %run_scoped3A = tpu.sem_alloc : memref<!tpu.dma_semaphore, #tpu.memory_space<semaphore_mem>>
        %dma_start3A_45 = arith.constant 0 : i32
        %dma_start3A_46 = tpu.memref_slice %arg4[%add3A_33, %dma_start3A_45] : memref<2560x128xi32, #tpu.memory_space<hbm>> -> memref<40x128xi32, #tpu.memory_space<hbm>>
        %dma_start3A_47 = arith.constant 0 : i32
        %dma_start3A_48 = tpu.memref_slice %arg4[%add3A_33, %dma_start3A_47] : memref<2560x128xi32, #tpu.memory_space<hbm>> -> memref<40x128xi32, #tpu.memory_space<hbm>>
        tpu.enqueue_dma source(%dma_start3A_48 : memref<40x128xi32, #tpu.memory_space<hbm>>) target(%arg8 : memref<40x128xi32, #tpu.memory_space<vmem>>) target_semaphore(%run_scoped3A : memref<!tpu.dma_semaphore, #tpu.memory_space<semaphore_mem>>)
        %dma_wait3A = arith.constant 0 : i32
        %dma_wait3A_49 = tpu.memref_slice %arg4[%add3A_33, %dma_wait3A] : memref<2560x128xi32, #tpu.memory_space<hbm>> -> memref<40x128xi32, #tpu.memory_space<hbm>>
        %dma_wait3A_50 = arith.constant 0 : i32
        %dma_wait3A_51 = tpu.memref_slice %arg4[%add3A_33, %dma_wait3A_50] : memref<2560x128xi32, #tpu.memory_space<hbm>> -> memref<40x128xi32, #tpu.memory_space<hbm>>
        tpu.wait_dma2 semaphore(%run_scoped3A : memref<!tpu.dma_semaphore, #tpu.memory_space<semaphore_mem>>) src(%dma_wait3A_51 : memref<40x128xi32, #tpu.memory_space<hbm>>) dst(%arg8 : memref<40x128xi32, #tpu.memory_space<vmem>>)
        tpu.yield
      }) : () -> ()
      %dma_start3A = arith.constant 0 : i32
      %dma_start3A_34 = arith.constant 0 : i32
      %dma_start3A_35 = tpu.memref_slice %arg7[%dma_start3A, %dma_start3A_34] : memref<40x128xi32, #tpu.memory_space<vmem>> -> memref<1x128xi32, #tpu.memory_space<vmem>>
      %dma_start3A_36 = tpu.memref_squeeze %dma_start3A_35 : memref<1x128xi32, #tpu.memory_space<vmem>> -> memref<128xi32, #tpu.memory_space<vmem>>
      %dma_start3A_37 = arith.constant 0 : i32
      %dma_start3A_38 = arith.constant 0 : i32
      %dma_start3A_39 = tpu.memref_slice %arg2[%dma_start3A_37, %dma_start3A_38] : memref<10240x128xf32, #tpu.memory_space<hbm>> -> memref<10240x128xf32, #tpu.memory_space<hbm>>
      tpu.enqueue_indirect_dma source(%dma_start3A_39 : memref<10240x128xf32, #tpu.memory_space<hbm>>) target(%arg9 : memref<128x128xf32, #tpu.memory_space<vmem>>) offsets(%dma_start3A_36 : memref<128xi32, #tpu.memory_space<vmem>>) semaphore(%arg12 : memref<!tpu.dma_semaphore, #tpu.memory_space<semaphore_mem>>)
      %scan3A = arith.constant 0 : i32
      %scan3A_40 = arith.constant 0 : i32
      %scan3A_41 = arith.constant 20 : i32
      %scan3A_42 = arith.addi %scan3A_40, %scan3A_41 : i32
      %scan3A_43 = arith.constant 1 : i32
      scf.for %scan3A_45 = %scan3A_40 to %scan3A_42 step %scan3A_43  : i32 {
        %mul3A_46 = arith.constant 2 : i32
        %mul3A_47 = arith.muli %mul3A_46, %scan3A_45 : i32
        %add3A_48 = arith.constant 1 : i32
        %add3A_49 = arith.addi %mul3A_47, %add3A_48 : i32
        %dma_start3A_50 = arith.constant 0 : i32
        %dma_start3A_51 = tpu.memref_slice %arg7[%add3A_49, %dma_start3A_50] : memref<40x128xi32, #tpu.memory_space<vmem>> -> memref<1x128xi32, #tpu.memory_space<vmem>>
        %dma_start3A_52 = tpu.memref_squeeze %dma_start3A_51 : memref<1x128xi32, #tpu.memory_space<vmem>> -> memref<128xi32, #tpu.memory_space<vmem>>
        %dma_start3A_53 = arith.constant 0 : i32
        %dma_start3A_54 = arith.constant 0 : i32
        %dma_start3A_55 = tpu.memref_slice %arg2[%dma_start3A_53, %dma_start3A_54] : memref<10240x128xf32, #tpu.memory_space<hbm>> -> memref<10240x128xf32, #tpu.memory_space<hbm>>
        tpu.enqueue_indirect_dma source(%dma_start3A_55 : memref<10240x128xf32, #tpu.memory_space<hbm>>) target(%arg10 : memref<128x128xf32, #tpu.memory_space<vmem>>) offsets(%dma_start3A_52 : memref<128xi32, #tpu.memory_space<vmem>>) semaphore(%arg13 : memref<!tpu.dma_semaphore, #tpu.memory_space<semaphore_mem>>)
        %dma_wait3A = arith.constant 0 : i32
        %dma_wait3A_56 = tpu.memref_slice %arg7[%mul3A_47, %dma_wait3A] : memref<40x128xi32, #tpu.memory_space<vmem>> -> memref<1x128xi32, #tpu.memory_space<vmem>>
        %dma_wait3A_57 = tpu.memref_squeeze %dma_wait3A_56 : memref<1x128xi32, #tpu.memory_space<vmem>> -> memref<128xi32, #tpu.memory_space<vmem>>
        %dma_wait3A_58 = arith.constant 0 : i32
        %dma_wait3A_59 = arith.constant 0 : i32
        %dma_wait3A_60 = tpu.memref_slice %arg2[%dma_wait3A_58, %dma_wait3A_59] : memref<10240x128xf32, #tpu.memory_space<hbm>> -> memref<10240x128xf32, #tpu.memory_space<hbm>>
        tpu.wait_indirect_dma semaphore(%arg12 : memref<!tpu.dma_semaphore, #tpu.memory_space<semaphore_mem>>) src(%dma_wait3A_60 : memref<10240x128xf32, #tpu.memory_space<hbm>>) dst(%arg9 : memref<128x128xf32, #tpu.memory_space<vmem>>)
        "tpu.region"() ({
          %run_scoped3A = tpu.sem_alloc : memref<!tpu.dma_semaphore, #tpu.memory_space<semaphore_mem>>
          %dma_start3A_77 = arith.constant 0 : i32
          %dma_start3A_78 = tpu.memref_slice %arg8[%mul3A_47, %dma_start3A_77] : memref<40x128xi32, #tpu.memory_space<vmem>> -> memref<1x128xi32, #tpu.memory_space<vmem>>
          %dma_start3A_79 = tpu.memref_squeeze %dma_start3A_78 : memref<1x128xi32, #tpu.memory_space<vmem>> -> memref<128xi32, #tpu.memory_space<vmem>>
          %dma_start3A_80 = arith.constant 0 : i32
          %dma_start3A_81 = arith.constant 0 : i32
          %dma_start3A_82 = tpu.memref_slice %arg11[%dma_start3A_80, %dma_start3A_81] : memref<10240x128xf32, #tpu.memory_space<vmem_shared>> -> memref<10240x128xf32, #tpu.memory_space<vmem_shared>>
          tpu.enqueue_indirect_dma source(%arg9 : memref<128x128xf32, #tpu.memory_space<vmem>>) target(%dma_start3A_82 : memref<10240x128xf32, #tpu.memory_space<vmem_shared>>) offsets(%dma_start3A_79 : memref<128xi32, #tpu.memory_space<vmem>>) semaphore(%run_scoped3A : memref<!tpu.dma_semaphore, #tpu.memory_space<semaphore_mem>>) {add = true}
          %dma_wait3A_83 = arith.constant 0 : i32
          %dma_wait3A_84 = tpu.memref_slice %arg8[%mul3A_47, %dma_wait3A_83] : memref<40x128xi32, #tpu.memory_space<vmem>> -> memref<1x128xi32, #tpu.memory_space<vmem>>
          %dma_wait3A_85 = tpu.memref_squeeze %dma_wait3A_84 : memref<1x128xi32, #tpu.memory_space<vmem>> -> memref<128xi32, #tpu.memory_space<vmem>>
          %dma_wait3A_86 = arith.constant 0 : i32
          %dma_wait3A_87 = arith.constant 0 : i32
          %dma_wait3A_88 = tpu.memref_slice %arg11[%dma_wait3A_86, %dma_wait3A_87] : memref<10240x128xf32, #tpu.memory_space<vmem_shared>> -> memref<10240x128xf32, #tpu.memory_space<vmem_shared>>
          tpu.wait_indirect_dma semaphore(%run_scoped3A : memref<!tpu.dma_semaphore, #tpu.memory_space<semaphore_mem>>) src(%arg9 : memref<128x128xf32, #tpu.memory_space<vmem>>) dst(%dma_wait3A_88 : memref<10240x128xf32, #tpu.memory_space<vmem_shared>>)
          tpu.yield
        }) : () -> ()
        %add3A_61 = arith.constant 2 : i32
        %add3A_62 = arith.addi %mul3A_47, %add3A_61 : i32
        %lt3A = arith.constant 40 : i32
        %lt3A_63 = arith.cmpi slt, %add3A_62, %lt3A : i32
        %convert_element_type3A_64 = arith.extui %lt3A_63 : i1 to i32
        %cond3A_65 = arith.constant 0 : i32
        %cond3A_66 = arith.cmpi ne, %convert_element_type3A_64, %cond3A_65 : i32
        scf.if %cond3A_66 {
          %add3A_77 = arith.constant 2 : i32
          %add3A_78 = arith.addi %mul3A_47, %add3A_77 : i32
          %dma_start3A_79 = arith.constant 0 : i32
          %dma_start3A_80 = tpu.memref_slice %arg7[%add3A_78, %dma_start3A_79] : memref<40x128xi32, #tpu.memory_space<vmem>> -> memref<1x128xi32, #tpu.memory_space<vmem>>
          %dma_start3A_81 = tpu.memref_squeeze %dma_start3A_80 : memref<1x128xi32, #tpu.memory_space<vmem>> -> memref<128xi32, #tpu.memory_space<vmem>>
          %dma_start3A_82 = arith.constant 0 : i32
          %dma_start3A_83 = arith.constant 0 : i32
          %dma_start3A_84 = tpu.memref_slice %arg2[%dma_start3A_82, %dma_start3A_83] : memref<10240x128xf32, #tpu.memory_space<hbm>> -> memref<10240x128xf32, #tpu.memory_space<hbm>>
          tpu.enqueue_indirect_dma source(%dma_start3A_84 : memref<10240x128xf32, #tpu.memory_space<hbm>>) target(%arg9 : memref<128x128xf32, #tpu.memory_space<vmem>>) offsets(%dma_start3A_81 : memref<128xi32, #tpu.memory_space<vmem>>) semaphore(%arg12 : memref<!tpu.dma_semaphore, #tpu.memory_space<semaphore_mem>>)
        } else {
        }
        %add3A_67 = arith.constant 1 : i32
        %add3A_68 = arith.addi %mul3A_47, %add3A_67 : i32
        %dma_wait3A_69 = arith.constant 0 : i32
        %dma_wait3A_70 = tpu.memref_slice %arg7[%add3A_68, %dma_wait3A_69] : memref<40x128xi32, #tpu.memory_space<vmem>> -> memref<1x128xi32, #tpu.memory_space<vmem>>
        %dma_wait3A_71 = tpu.memref_squeeze %dma_wait3A_70 : memref<1x128xi32, #tpu.memory_space<vmem>> -> memref<128xi32, #tpu.memory_space<vmem>>
        %dma_wait3A_72 = arith.constant 0 : i32
        %dma_wait3A_73 = arith.constant 0 : i32
        %dma_wait3A_74 = tpu.memref_slice %arg2[%dma_wait3A_72, %dma_wait3A_73] : memref<10240x128xf32, #tpu.memory_space<hbm>> -> memref<10240x128xf32, #tpu.memory_space<hbm>>
        tpu.wait_indirect_dma semaphore(%arg13 : memref<!tpu.dma_semaphore, #tpu.memory_space<semaphore_mem>>) src(%dma_wait3A_74 : memref<10240x128xf32, #tpu.memory_space<hbm>>) dst(%arg10 : memref<128x128xf32, #tpu.memory_space<vmem>>)
        %add3A_75 = arith.constant 1 : i32
        %add3A_76 = arith.addi %mul3A_47, %add3A_75 : i32
        "tpu.region"() ({
          %run_scoped3A = tpu.sem_alloc : memref<!tpu.dma_semaphore, #tpu.memory_space<semaphore_mem>>
          %dma_start3A_77 = arith.constant 0 : i32
          %dma_start3A_78 = tpu.memref_slice %arg8[%add3A_76, %dma_start3A_77] : memref<40x128xi32, #tpu.memory_space<vmem>> -> memref<1x128xi32, #tpu.memory_space<vmem>>
          %dma_start3A_79 = tpu.memref_squeeze %dma_start3A_78 : memref<1x128xi32, #tpu.memory_space<vmem>> -> memref<128xi32, #tpu.memory_space<vmem>>
          %dma_start3A_80 = arith.constant 0 : i32
          %dma_start3A_81 = arith.constant 0 : i32
          %dma_start3A_82 = tpu.memref_slice %arg11[%dma_start3A_80, %dma_start3A_81] : memref<10240x128xf32, #tpu.memory_space<vmem_shared>> -> memref<10240x128xf32, #tpu.memory_space<vmem_shared>>
          tpu.enqueue_indirect_dma source(%arg10 : memref<128x128xf32, #tpu.memory_space<vmem>>) target(%dma_start3A_82 : memref<10240x128xf32, #tpu.memory_space<vmem_shared>>) offsets(%dma_start3A_79 : memref<128xi32, #tpu.memory_space<vmem>>) semaphore(%run_scoped3A : memref<!tpu.dma_semaphore, #tpu.memory_space<semaphore_mem>>) {add = true}
          %dma_wait3A_83 = arith.constant 0 : i32
          %dma_wait3A_84 = tpu.memref_slice %arg8[%add3A_76, %dma_wait3A_83] : memref<40x128xi32, #tpu.memory_space<vmem>> -> memref<1x128xi32, #tpu.memory_space<vmem>>
          %dma_wait3A_85 = tpu.memref_squeeze %dma_wait3A_84 : memref<1x128xi32, #tpu.memory_space<vmem>> -> memref<128xi32, #tpu.memory_space<vmem>>
          %dma_wait3A_86 = arith.constant 0 : i32
          %dma_wait3A_87 = arith.constant 0 : i32
          %dma_wait3A_88 = tpu.memref_slice %arg11[%dma_wait3A_86, %dma_wait3A_87] : memref<10240x128xf32, #tpu.memory_space<vmem_shared>> -> memref<10240x128xf32, #tpu.memory_space<vmem_shared>>
          tpu.wait_indirect_dma semaphore(%run_scoped3A : memref<!tpu.dma_semaphore, #tpu.memory_space<semaphore_mem>>) src(%arg10 : memref<128x128xf32, #tpu.memory_space<vmem>>) dst(%dma_wait3A_88 : memref<10240x128xf32, #tpu.memory_space<vmem_shared>>)
          tpu.yield
        }) : () -> ()
      }
      %scan3A_44 = arith.constant 20 : i32
    } else {
    }
    %gt3A_15 = arith.constant 40 : i32
    %gt3A_16 = arith.cmpi sgt, %select_n3A, %gt3A_15 : i32
    %convert_element_type3A_17 = arith.extui %gt3A_16 : i1 to i32
    %cond3A_18 = arith.constant 0 : i32
    %cond3A_19 = arith.cmpi ne, %convert_element_type3A_17, %cond3A_18 : i32
    scf.if %cond3A_19 {
      %add3A_30 = arith.constant 40 : i32
      %add3A_31 = arith.addi %select_n3A_12, %add3A_30 : i32
      "tpu.region"() ({
        %run_scoped3A = tpu.sem_alloc : memref<!tpu.dma_semaphore, #tpu.memory_space<semaphore_mem>>
        %dma_start3A_45 = arith.constant 0 : i32
        %dma_start3A_46 = tpu.memref_slice %arg3[%add3A_31, %dma_start3A_45] : memref<2560x128xi32, #tpu.memory_space<hbm>> -> memref<40x128xi32, #tpu.memory_space<hbm>>
        %dma_start3A_47 = arith.constant 0 : i32
        %dma_start3A_48 = tpu.memref_slice %arg3[%add3A_31, %dma_start3A_47] : memref<2560x128xi32, #tpu.memory_space<hbm>> -> memref<40x128xi32, #tpu.memory_space<hbm>>
        tpu.enqueue_dma source(%dma_start3A_48 : memref<40x128xi32, #tpu.memory_space<hbm>>) target(%arg7 : memref<40x128xi32, #tpu.memory_space<vmem>>) target_semaphore(%run_scoped3A : memref<!tpu.dma_semaphore, #tpu.memory_space<semaphore_mem>>)
        %dma_wait3A = arith.constant 0 : i32
        %dma_wait3A_49 = tpu.memref_slice %arg3[%add3A_31, %dma_wait3A] : memref<2560x128xi32, #tpu.memory_space<hbm>> -> memref<40x128xi32, #tpu.memory_space<hbm>>
        %dma_wait3A_50 = arith.constant 0 : i32
        %dma_wait3A_51 = tpu.memref_slice %arg3[%add3A_31, %dma_wait3A_50] : memref<2560x128xi32, #tpu.memory_space<hbm>> -> memref<40x128xi32, #tpu.memory_space<hbm>>
        tpu.wait_dma2 semaphore(%run_scoped3A : memref<!tpu.dma_semaphore, #tpu.memory_space<semaphore_mem>>) src(%dma_wait3A_51 : memref<40x128xi32, #tpu.memory_space<hbm>>) dst(%arg7 : memref<40x128xi32, #tpu.memory_space<vmem>>)
        tpu.yield
      }) : () -> ()
      %add3A_32 = arith.constant 40 : i32
      %add3A_33 = arith.addi %select_n3A_12, %add3A_32 : i32
      "tpu.region"() ({
        %run_scoped3A = tpu.sem_alloc : memref<!tpu.dma_semaphore, #tpu.memory_space<semaphore_mem>>
        %dma_start3A_45 = arith.constant 0 : i32
        %dma_start3A_46 = tpu.memref_slice %arg4[%add3A_33, %dma_start3A_45] : memref<2560x128xi32, #tpu.memory_space<hbm>> -> memref<40x128xi32, #tpu.memory_space<hbm>>
        %dma_start3A_47 = arith.constant 0 : i32
        %dma_start3A_48 = tpu.memref_slice %arg4[%add3A_33, %dma_start3A_47] : memref<2560x128xi32, #tpu.memory_space<hbm>> -> memref<40x128xi32, #tpu.memory_space<hbm>>
        tpu.enqueue_dma source(%dma_start3A_48 : memref<40x128xi32, #tpu.memory_space<hbm>>) target(%arg8 : memref<40x128xi32, #tpu.memory_space<vmem>>) target_semaphore(%run_scoped3A : memref<!tpu.dma_semaphore, #tpu.memory_space<semaphore_mem>>)
        %dma_wait3A = arith.constant 0 : i32
        %dma_wait3A_49 = tpu.memref_slice %arg4[%add3A_33, %dma_wait3A] : memref<2560x128xi32, #tpu.memory_space<hbm>> -> memref<40x128xi32, #tpu.memory_space<hbm>>
        %dma_wait3A_50 = arith.constant 0 : i32
        %dma_wait3A_51 = tpu.memref_slice %arg4[%add3A_33, %dma_wait3A_50] : memref<2560x128xi32, #tpu.memory_space<hbm>> -> memref<40x128xi32, #tpu.memory_space<hbm>>
        tpu.wait_dma2 semaphore(%run_scoped3A : memref<!tpu.dma_semaphore, #tpu.memory_space<semaphore_mem>>) src(%dma_wait3A_51 : memref<40x128xi32, #tpu.memory_space<hbm>>) dst(%arg8 : memref<40x128xi32, #tpu.memory_space<vmem>>)
        tpu.yield
      }) : () -> ()
      %dma_start3A = arith.constant 0 : i32
      %dma_start3A_34 = arith.constant 0 : i32
      %dma_start3A_35 = tpu.memref_slice %arg7[%dma_start3A, %dma_start3A_34] : memref<40x128xi32, #tpu.memory_space<vmem>> -> memref<1x128xi32, #tpu.memory_space<vmem>>
      %dma_start3A_36 = tpu.memref_squeeze %dma_start3A_35 : memref<1x128xi32, #tpu.memory_space<vmem>> -> memref<128xi32, #tpu.memory_space<vmem>>
      %dma_start3A_37 = arith.constant 0 : i32
      %dma_start3A_38 = arith.constant 0 : i32
      %dma_start3A_39 = tpu.memref_slice %arg2[%dma_start3A_37, %dma_start3A_38] : memref<10240x128xf32, #tpu.memory_space<hbm>> -> memref<10240x128xf32, #tpu.memory_space<hbm>>
      tpu.enqueue_indirect_dma source(%dma_start3A_39 : memref<10240x128xf32, #tpu.memory_space<hbm>>) target(%arg9 : memref<128x128xf32, #tpu.memory_space<vmem>>) offsets(%dma_start3A_36 : memref<128xi32, #tpu.memory_space<vmem>>) semaphore(%arg12 : memref<!tpu.dma_semaphore, #tpu.memory_space<semaphore_mem>>)
      %scan3A = arith.constant 0 : i32
      %scan3A_40 = arith.constant 0 : i32
      %scan3A_41 = arith.constant 20 : i32
      %scan3A_42 = arith.addi %scan3A_40, %scan3A_41 : i32
      %scan3A_43 = arith.constant 1 : i32
      scf.for %scan3A_45 = %scan3A_40 to %scan3A_42 step %scan3A_43  : i32 {
        %mul3A_46 = arith.constant 2 : i32
        %mul3A_47 = arith.muli %mul3A_46, %scan3A_45 : i32
        %add3A_48 = arith.constant 1 : i32
        %add3A_49 = arith.addi %mul3A_47, %add3A_48 : i32
        %dma_start3A_50 = arith.constant 0 : i32
        %dma_start3A_51 = tpu.memref_slice %arg7[%add3A_49, %dma_start3A_50] : memref<40x128xi32, #tpu.memory_space<vmem>> -> memref<1x128xi32, #tpu.memory_space<vmem>>
        %dma_start3A_52 = tpu.memref_squeeze %dma_start3A_51 : memref<1x128xi32, #tpu.memory_space<vmem>> -> memref<128xi32, #tpu.memory_space<vmem>>
        %dma_start3A_53 = arith.constant 0 : i32
        %dma_start3A_54 = arith.constant 0 : i32
        %dma_start3A_55 = tpu.memref_slice %arg2[%dma_start3A_53, %dma_start3A_54] : memref<10240x128xf32, #tpu.memory_space<hbm>> -> memref<10240x128xf32, #tpu.memory_space<hbm>>
        tpu.enqueue_indirect_dma source(%dma_start3A_55 : memref<10240x128xf32, #tpu.memory_space<hbm>>) target(%arg10 : memref<128x128xf32, #tpu.memory_space<vmem>>) offsets(%dma_start3A_52 : memref<128xi32, #tpu.memory_space<vmem>>) semaphore(%arg13 : memref<!tpu.dma_semaphore, #tpu.memory_space<semaphore_mem>>)
        %dma_wait3A = arith.constant 0 : i32
        %dma_wait3A_56 = tpu.memref_slice %arg7[%mul3A_47, %dma_wait3A] : memref<40x128xi32, #tpu.memory_space<vmem>> -> memref<1x128xi32, #tpu.memory_space<vmem>>
        %dma_wait3A_57 = tpu.memref_squeeze %dma_wait3A_56 : memref<1x128xi32, #tpu.memory_space<vmem>> -> memref<128xi32, #tpu.memory_space<vmem>>
        %dma_wait3A_58 = arith.constant 0 : i32
        %dma_wait3A_59 = arith.constant 0 : i32
        %dma_wait3A_60 = tpu.memref_slice %arg2[%dma_wait3A_58, %dma_wait3A_59] : memref<10240x128xf32, #tpu.memory_space<hbm>> -> memref<10240x128xf32, #tpu.memory_space<hbm>>
        tpu.wait_indirect_dma semaphore(%arg12 : memref<!tpu.dma_semaphore, #tpu.memory_space<semaphore_mem>>) src(%dma_wait3A_60 : memref<10240x128xf32, #tpu.memory_space<hbm>>) dst(%arg9 : memref<128x128xf32, #tpu.memory_space<vmem>>)
        "tpu.region"() ({
          %run_scoped3A = tpu.sem_alloc : memref<!tpu.dma_semaphore, #tpu.memory_space<semaphore_mem>>
          %dma_start3A_77 = arith.constant 0 : i32
          %dma_start3A_78 = tpu.memref_slice %arg8[%mul3A_47, %dma_start3A_77] : memref<40x128xi32, #tpu.memory_space<vmem>> -> memref<1x128xi32, #tpu.memory_space<vmem>>
          %dma_start3A_79 = tpu.memref_squeeze %dma_start3A_78 : memref<1x128xi32, #tpu.memory_space<vmem>> -> memref<128xi32, #tpu.memory_space<vmem>>
          %dma_start3A_80 = arith.constant 0 : i32
          %dma_start3A_81 = arith.constant 0 : i32
          %dma_start3A_82 = tpu.memref_slice %arg11[%dma_start3A_80, %dma_start3A_81] : memref<10240x128xf32, #tpu.memory_space<vmem_shared>> -> memref<10240x128xf32, #tpu.memory_space<vmem_shared>>
          tpu.enqueue_indirect_dma source(%arg9 : memref<128x128xf32, #tpu.memory_space<vmem>>) target(%dma_start3A_82 : memref<10240x128xf32, #tpu.memory_space<vmem_shared>>) offsets(%dma_start3A_79 : memref<128xi32, #tpu.memory_space<vmem>>) semaphore(%run_scoped3A : memref<!tpu.dma_semaphore, #tpu.memory_space<semaphore_mem>>) {add = true}
          %dma_wait3A_83 = arith.constant 0 : i32
          %dma_wait3A_84 = tpu.memref_slice %arg8[%mul3A_47, %dma_wait3A_83] : memref<40x128xi32, #tpu.memory_space<vmem>> -> memref<1x128xi32, #tpu.memory_space<vmem>>
          %dma_wait3A_85 = tpu.memref_squeeze %dma_wait3A_84 : memref<1x128xi32, #tpu.memory_space<vmem>> -> memref<128xi32, #tpu.memory_space<vmem>>
          %dma_wait3A_86 = arith.constant 0 : i32
          %dma_wait3A_87 = arith.constant 0 : i32
          %dma_wait3A_88 = tpu.memref_slice %arg11[%dma_wait3A_86, %dma_wait3A_87] : memref<10240x128xf32, #tpu.memory_space<vmem_shared>> -> memref<10240x128xf32, #tpu.memory_space<vmem_shared>>
          tpu.wait_indirect_dma semaphore(%run_scoped3A : memref<!tpu.dma_semaphore, #tpu.memory_space<semaphore_mem>>) src(%arg9 : memref<128x128xf32, #tpu.memory_space<vmem>>) dst(%dma_wait3A_88 : memref<10240x128xf32, #tpu.memory_space<vmem_shared>>)
          tpu.yield
        }) : () -> ()
        %add3A_61 = arith.constant 2 : i32
        %add3A_62 = arith.addi %mul3A_47, %add3A_61 : i32
        %lt3A = arith.constant 40 : i32
        %lt3A_63 = arith.cmpi slt, %add3A_62, %lt3A : i32
        %convert_element_type3A_64 = arith.extui %lt3A_63 : i1 to i32
        %cond3A_65 = arith.constant 0 : i32
        %cond3A_66 = arith.cmpi ne, %convert_element_type3A_64, %cond3A_65 : i32
        scf.if %cond3A_66 {
          %add3A_77 = arith.constant 2 : i32
          %add3A_78 = arith.addi %mul3A_47, %add3A_77 : i32
          %dma_start3A_79 = arith.constant 0 : i32
          %dma_start3A_80 = tpu.memref_slice %arg7[%add3A_78, %dma_start3A_79] : memref<40x128xi32, #tpu.memory_space<vmem>> -> memref<1x128xi32, #tpu.memory_space<vmem>>
          %dma_start3A_81 = tpu.memref_squeeze %dma_start3A_80 : memref<1x128xi32, #tpu.memory_space<vmem>> -> memref<128xi32, #tpu.memory_space<vmem>>
          %dma_start3A_82 = arith.constant 0 : i32
          %dma_start3A_83 = arith.constant 0 : i32
          %dma_start3A_84 = tpu.memref_slice %arg2[%dma_start3A_82, %dma_start3A_83] : memref<10240x128xf32, #tpu.memory_space<hbm>> -> memref<10240x128xf32, #tpu.memory_space<hbm>>
          tpu.enqueue_indirect_dma source(%dma_start3A_84 : memref<10240x128xf32, #tpu.memory_space<hbm>>) target(%arg9 : memref<128x128xf32, #tpu.memory_space<vmem>>) offsets(%dma_start3A_81 : memref<128xi32, #tpu.memory_space<vmem>>) semaphore(%arg12 : memref<!tpu.dma_semaphore, #tpu.memory_space<semaphore_mem>>)
        } else {
        }
        %add3A_67 = arith.constant 1 : i32
        %add3A_68 = arith.addi %mul3A_47, %add3A_67 : i32
        %dma_wait3A_69 = arith.constant 0 : i32
        %dma_wait3A_70 = tpu.memref_slice %arg7[%add3A_68, %dma_wait3A_69] : memref<40x128xi32, #tpu.memory_space<vmem>> -> memref<1x128xi32, #tpu.memory_space<vmem>>
        %dma_wait3A_71 = tpu.memref_squeeze %dma_wait3A_70 : memref<1x128xi32, #tpu.memory_space<vmem>> -> memref<128xi32, #tpu.memory_space<vmem>>
        %dma_wait3A_72 = arith.constant 0 : i32
        %dma_wait3A_73 = arith.constant 0 : i32
        %dma_wait3A_74 = tpu.memref_slice %arg2[%dma_wait3A_72, %dma_wait3A_73] : memref<10240x128xf32, #tpu.memory_space<hbm>> -> memref<10240x128xf32, #tpu.memory_space<hbm>>
        tpu.wait_indirect_dma semaphore(%arg13 : memref<!tpu.dma_semaphore, #tpu.memory_space<semaphore_mem>>) src(%dma_wait3A_74 : memref<10240x128xf32, #tpu.memory_space<hbm>>) dst(%arg10 : memref<128x128xf32, #tpu.memory_space<vmem>>)
        %add3A_75 = arith.constant 1 : i32
        %add3A_76 = arith.addi %mul3A_47, %add3A_75 : i32
        "tpu.region"() ({
          %run_scoped3A = tpu.sem_alloc : memref<!tpu.dma_semaphore, #tpu.memory_space<semaphore_mem>>
          %dma_start3A_77 = arith.constant 0 : i32
          %dma_start3A_78 = tpu.memref_slice %arg8[%add3A_76, %dma_start3A_77] : memref<40x128xi32, #tpu.memory_space<vmem>> -> memref<1x128xi32, #tpu.memory_space<vmem>>
          %dma_start3A_79 = tpu.memref_squeeze %dma_start3A_78 : memref<1x128xi32, #tpu.memory_space<vmem>> -> memref<128xi32, #tpu.memory_space<vmem>>
          %dma_start3A_80 = arith.constant 0 : i32
          %dma_start3A_81 = arith.constant 0 : i32
          %dma_start3A_82 = tpu.memref_slice %arg11[%dma_start3A_80, %dma_start3A_81] : memref<10240x128xf32, #tpu.memory_space<vmem_shared>> -> memref<10240x128xf32, #tpu.memory_space<vmem_shared>>
          tpu.enqueue_indirect_dma source(%arg10 : memref<128x128xf32, #tpu.memory_space<vmem>>) target(%dma_start3A_82 : memref<10240x128xf32, #tpu.memory_space<vmem_shared>>) offsets(%dma_start3A_79 : memref<128xi32, #tpu.memory_space<vmem>>) semaphore(%run_scoped3A : memref<!tpu.dma_semaphore, #tpu.memory_space<semaphore_mem>>) {add = true}
          %dma_wait3A_83 = arith.constant 0 : i32
          %dma_wait3A_84 = tpu.memref_slice %arg8[%add3A_76, %dma_wait3A_83] : memref<40x128xi32, #tpu.memory_space<vmem>> -> memref<1x128xi32, #tpu.memory_space<vmem>>
          %dma_wait3A_85 = tpu.memref_squeeze %dma_wait3A_84 : memref<1x128xi32, #tpu.memory_space<vmem>> -> memref<128xi32, #tpu.memory_space<vmem>>
          %dma_wait3A_86 = arith.constant 0 : i32
          %dma_wait3A_87 = arith.constant 0 : i32
          %dma_wait3A_88 = tpu.memref_slice %arg11[%dma_wait3A_86, %dma_wait3A_87] : memref<10240x128xf32, #tpu.memory_space<vmem_shared>> -> memref<10240x128xf32, #tpu.memory_space<vmem_shared>>
          tpu.wait_indirect_dma semaphore(%run_scoped3A : memref<!tpu.dma_semaphore, #tpu.memory_space<semaphore_mem>>) src(%arg10 : memref<128x128xf32, #tpu.memory_space<vmem>>) dst(%dma_wait3A_88 : memref<10240x128xf32, #tpu.memory_space<vmem_shared>>)
          tpu.yield
        }) : () -> ()
      }
      %scan3A_44 = arith.constant 20 : i32
    } else {
    }
    %gt3A_20 = arith.constant 80 : i32
    %gt3A_21 = arith.cmpi sgt, %select_n3A, %gt3A_20 : i32
    %convert_element_type3A_22 = arith.extui %gt3A_21 : i1 to i32
    %cond3A_23 = arith.constant 0 : i32
    %cond3A_24 = arith.cmpi ne, %convert_element_type3A_22, %cond3A_23 : i32
    scf.if %cond3A_24 {
      %add3A_30 = arith.constant 80 : i32
      %add3A_31 = arith.addi %select_n3A_12, %add3A_30 : i32
      "tpu.region"() ({
        %run_scoped3A = tpu.sem_alloc : memref<!tpu.dma_semaphore, #tpu.memory_space<semaphore_mem>>
        %dma_start3A_45 = arith.constant 0 : i32
        %dma_start3A_46 = tpu.memref_slice %arg3[%add3A_31, %dma_start3A_45] : memref<2560x128xi32, #tpu.memory_space<hbm>> -> memref<40x128xi32, #tpu.memory_space<hbm>>
        %dma_start3A_47 = arith.constant 0 : i32
        %dma_start3A_48 = tpu.memref_slice %arg3[%add3A_31, %dma_start3A_47] : memref<2560x128xi32, #tpu.memory_space<hbm>> -> memref<40x128xi32, #tpu.memory_space<hbm>>
        tpu.enqueue_dma source(%dma_start3A_48 : memref<40x128xi32, #tpu.memory_space<hbm>>) target(%arg7 : memref<40x128xi32, #tpu.memory_space<vmem>>) target_semaphore(%run_scoped3A : memref<!tpu.dma_semaphore, #tpu.memory_space<semaphore_mem>>)
        %dma_wait3A = arith.constant 0 : i32
        %dma_wait3A_49 = tpu.memref_slice %arg3[%add3A_31, %dma_wait3A] : memref<2560x128xi32, #tpu.memory_space<hbm>> -> memref<40x128xi32, #tpu.memory_space<hbm>>
        %dma_wait3A_50 = arith.constant 0 : i32
        %dma_wait3A_51 = tpu.memref_slice %arg3[%add3A_31, %dma_wait3A_50] : memref<2560x128xi32, #tpu.memory_space<hbm>> -> memref<40x128xi32, #tpu.memory_space<hbm>>
        tpu.wait_dma2 semaphore(%run_scoped3A : memref<!tpu.dma_semaphore, #tpu.memory_space<semaphore_mem>>) src(%dma_wait3A_51 : memref<40x128xi32, #tpu.memory_space<hbm>>) dst(%arg7 : memref<40x128xi32, #tpu.memory_space<vmem>>)
        tpu.yield
      }) : () -> ()
      %add3A_32 = arith.constant 80 : i32
      %add3A_33 = arith.addi %select_n3A_12, %add3A_32 : i32
      "tpu.region"() ({
        %run_scoped3A = tpu.sem_alloc : memref<!tpu.dma_semaphore, #tpu.memory_space<semaphore_mem>>
        %dma_start3A_45 = arith.constant 0 : i32
        %dma_start3A_46 = tpu.memref_slice %arg4[%add3A_33, %dma_start3A_45] : memref<2560x128xi32, #tpu.memory_space<hbm>> -> memref<40x128xi32, #tpu.memory_space<hbm>>
        %dma_start3A_47 = arith.constant 0 : i32
        %dma_start3A_48 = tpu.memref_slice %arg4[%add3A_33, %dma_start3A_47] : memref<2560x128xi32, #tpu.memory_space<hbm>> -> memref<40x128xi32, #tpu.memory_space<hbm>>
        tpu.enqueue_dma source(%dma_start3A_48 : memref<40x128xi32, #tpu.memory_space<hbm>>) target(%arg8 : memref<40x128xi32, #tpu.memory_space<vmem>>) target_semaphore(%run_scoped3A : memref<!tpu.dma_semaphore, #tpu.memory_space<semaphore_mem>>)
        %dma_wait3A = arith.constant 0 : i32
        %dma_wait3A_49 = tpu.memref_slice %arg4[%add3A_33, %dma_wait3A] : memref<2560x128xi32, #tpu.memory_space<hbm>> -> memref<40x128xi32, #tpu.memory_space<hbm>>
        %dma_wait3A_50 = arith.constant 0 : i32
        %dma_wait3A_51 = tpu.memref_slice %arg4[%add3A_33, %dma_wait3A_50] : memref<2560x128xi32, #tpu.memory_space<hbm>> -> memref<40x128xi32, #tpu.memory_space<hbm>>
        tpu.wait_dma2 semaphore(%run_scoped3A : memref<!tpu.dma_semaphore, #tpu.memory_space<semaphore_mem>>) src(%dma_wait3A_51 : memref<40x128xi32, #tpu.memory_space<hbm>>) dst(%arg8 : memref<40x128xi32, #tpu.memory_space<vmem>>)
        tpu.yield
      }) : () -> ()
      %dma_start3A = arith.constant 0 : i32
      %dma_start3A_34 = arith.constant 0 : i32
      %dma_start3A_35 = tpu.memref_slice %arg7[%dma_start3A, %dma_start3A_34] : memref<40x128xi32, #tpu.memory_space<vmem>> -> memref<1x128xi32, #tpu.memory_space<vmem>>
      %dma_start3A_36 = tpu.memref_squeeze %dma_start3A_35 : memref<1x128xi32, #tpu.memory_space<vmem>> -> memref<128xi32, #tpu.memory_space<vmem>>
      %dma_start3A_37 = arith.constant 0 : i32
      %dma_start3A_38 = arith.constant 0 : i32
      %dma_start3A_39 = tpu.memref_slice %arg2[%dma_start3A_37, %dma_start3A_38] : memref<10240x128xf32, #tpu.memory_space<hbm>> -> memref<10240x128xf32, #tpu.memory_space<hbm>>
      tpu.enqueue_indirect_dma source(%dma_start3A_39 : memref<10240x128xf32, #tpu.memory_space<hbm>>) target(%arg9 : memref<128x128xf32, #tpu.memory_space<vmem>>) offsets(%dma_start3A_36 : memref<128xi32, #tpu.memory_space<vmem>>) semaphore(%arg12 : memref<!tpu.dma_semaphore, #tpu.memory_space<semaphore_mem>>)
      %scan3A = arith.constant 0 : i32
      %scan3A_40 = arith.constant 0 : i32
      %scan3A_41 = arith.constant 20 : i32
      %scan3A_42 = arith.addi %scan3A_40, %scan3A_41 : i32
      %scan3A_43 = arith.constant 1 : i32
      scf.for %scan3A_45 = %scan3A_40 to %scan3A_42 step %scan3A_43  : i32 {
        %mul3A_46 = arith.constant 2 : i32
        %mul3A_47 = arith.muli %mul3A_46, %scan3A_45 : i32
        %add3A_48 = arith.constant 1 : i32
        %add3A_49 = arith.addi %mul3A_47, %add3A_48 : i32
        %dma_start3A_50 = arith.constant 0 : i32
        %dma_start3A_51 = tpu.memref_slice %arg7[%add3A_49, %dma_start3A_50] : memref<40x128xi32, #tpu.memory_space<vmem>> -> memref<1x128xi32, #tpu.memory_space<vmem>>
        %dma_start3A_52 = tpu.memref_squeeze %dma_start3A_51 : memref<1x128xi32, #tpu.memory_space<vmem>> -> memref<128xi32, #tpu.memory_space<vmem>>
        %dma_start3A_53 = arith.constant 0 : i32
        %dma_start3A_54 = arith.constant 0 : i32
        %dma_start3A_55 = tpu.memref_slice %arg2[%dma_start3A_53, %dma_start3A_54] : memref<10240x128xf32, #tpu.memory_space<hbm>> -> memref<10240x128xf32, #tpu.memory_space<hbm>>
        tpu.enqueue_indirect_dma source(%dma_start3A_55 : memref<10240x128xf32, #tpu.memory_space<hbm>>) target(%arg10 : memref<128x128xf32, #tpu.memory_space<vmem>>) offsets(%dma_start3A_52 : memref<128xi32, #tpu.memory_space<vmem>>) semaphore(%arg13 : memref<!tpu.dma_semaphore, #tpu.memory_space<semaphore_mem>>)
        %dma_wait3A = arith.constant 0 : i32
        %dma_wait3A_56 = tpu.memref_slice %arg7[%mul3A_47, %dma_wait3A] : memref<40x128xi32, #tpu.memory_space<vmem>> -> memref<1x128xi32, #tpu.memory_space<vmem>>
        %dma_wait3A_57 = tpu.memref_squeeze %dma_wait3A_56 : memref<1x128xi32, #tpu.memory_space<vmem>> -> memref<128xi32, #tpu.memory_space<vmem>>
        %dma_wait3A_58 = arith.constant 0 : i32
        %dma_wait3A_59 = arith.constant 0 : i32
        %dma_wait3A_60 = tpu.memref_slice %arg2[%dma_wait3A_58, %dma_wait3A_59] : memref<10240x128xf32, #tpu.memory_space<hbm>> -> memref<10240x128xf32, #tpu.memory_space<hbm>>
        tpu.wait_indirect_dma semaphore(%arg12 : memref<!tpu.dma_semaphore, #tpu.memory_space<semaphore_mem>>) src(%dma_wait3A_60 : memref<10240x128xf32, #tpu.memory_space<hbm>>) dst(%arg9 : memref<128x128xf32, #tpu.memory_space<vmem>>)
        "tpu.region"() ({
          %run_scoped3A = tpu.sem_alloc : memref<!tpu.dma_semaphore, #tpu.memory_space<semaphore_mem>>
          %dma_start3A_77 = arith.constant 0 : i32
          %dma_start3A_78 = tpu.memref_slice %arg8[%mul3A_47, %dma_start3A_77] : memref<40x128xi32, #tpu.memory_space<vmem>> -> memref<1x128xi32, #tpu.memory_space<vmem>>
          %dma_start3A_79 = tpu.memref_squeeze %dma_start3A_78 : memref<1x128xi32, #tpu.memory_space<vmem>> -> memref<128xi32, #tpu.memory_space<vmem>>
          %dma_start3A_80 = arith.constant 0 : i32
          %dma_start3A_81 = arith.constant 0 : i32
          %dma_start3A_82 = tpu.memref_slice %arg11[%dma_start3A_80, %dma_start3A_81] : memref<10240x128xf32, #tpu.memory_space<vmem_shared>> -> memref<10240x128xf32, #tpu.memory_space<vmem_shared>>
          tpu.enqueue_indirect_dma source(%arg9 : memref<128x128xf32, #tpu.memory_space<vmem>>) target(%dma_start3A_82 : memref<10240x128xf32, #tpu.memory_space<vmem_shared>>) offsets(%dma_start3A_79 : memref<128xi32, #tpu.memory_space<vmem>>) semaphore(%run_scoped3A : memref<!tpu.dma_semaphore, #tpu.memory_space<semaphore_mem>>) {add = true}
          %dma_wait3A_83 = arith.constant 0 : i32
          %dma_wait3A_84 = tpu.memref_slice %arg8[%mul3A_47, %dma_wait3A_83] : memref<40x128xi32, #tpu.memory_space<vmem>> -> memref<1x128xi32, #tpu.memory_space<vmem>>
          %dma_wait3A_85 = tpu.memref_squeeze %dma_wait3A_84 : memref<1x128xi32, #tpu.memory_space<vmem>> -> memref<128xi32, #tpu.memory_space<vmem>>
          %dma_wait3A_86 = arith.constant 0 : i32
          %dma_wait3A_87 = arith.constant 0 : i32
          %dma_wait3A_88 = tpu.memref_slice %arg11[%dma_wait3A_86, %dma_wait3A_87] : memref<10240x128xf32, #tpu.memory_space<vmem_shared>> -> memref<10240x128xf32, #tpu.memory_space<vmem_shared>>
          tpu.wait_indirect_dma semaphore(%run_scoped3A : memref<!tpu.dma_semaphore, #tpu.memory_space<semaphore_mem>>) src(%arg9 : memref<128x128xf32, #tpu.memory_space<vmem>>) dst(%dma_wait3A_88 : memref<10240x128xf32, #tpu.memory_space<vmem_shared>>)
          tpu.yield
        }) : () -> ()
        %add3A_61 = arith.constant 2 : i32
        %add3A_62 = arith.addi %mul3A_47, %add3A_61 : i32
        %lt3A = arith.constant 40 : i32
        %lt3A_63 = arith.cmpi slt, %add3A_62, %lt3A : i32
        %convert_element_type3A_64 = arith.extui %lt3A_63 : i1 to i32
        %cond3A_65 = arith.constant 0 : i32
        %cond3A_66 = arith.cmpi ne, %convert_element_type3A_64, %cond3A_65 : i32
        scf.if %cond3A_66 {
          %add3A_77 = arith.constant 2 : i32
          %add3A_78 = arith.addi %mul3A_47, %add3A_77 : i32
          %dma_start3A_79 = arith.constant 0 : i32
          %dma_start3A_80 = tpu.memref_slice %arg7[%add3A_78, %dma_start3A_79] : memref<40x128xi32, #tpu.memory_space<vmem>> -> memref<1x128xi32, #tpu.memory_space<vmem>>
          %dma_start3A_81 = tpu.memref_squeeze %dma_start3A_80 : memref<1x128xi32, #tpu.memory_space<vmem>> -> memref<128xi32, #tpu.memory_space<vmem>>
          %dma_start3A_82 = arith.constant 0 : i32
          %dma_start3A_83 = arith.constant 0 : i32
          %dma_start3A_84 = tpu.memref_slice %arg2[%dma_start3A_82, %dma_start3A_83] : memref<10240x128xf32, #tpu.memory_space<hbm>> -> memref<10240x128xf32, #tpu.memory_space<hbm>>
          tpu.enqueue_indirect_dma source(%dma_start3A_84 : memref<10240x128xf32, #tpu.memory_space<hbm>>) target(%arg9 : memref<128x128xf32, #tpu.memory_space<vmem>>) offsets(%dma_start3A_81 : memref<128xi32, #tpu.memory_space<vmem>>) semaphore(%arg12 : memref<!tpu.dma_semaphore, #tpu.memory_space<semaphore_mem>>)
        } else {
        }
        %add3A_67 = arith.constant 1 : i32
        %add3A_68 = arith.addi %mul3A_47, %add3A_67 : i32
        %dma_wait3A_69 = arith.constant 0 : i32
        %dma_wait3A_70 = tpu.memref_slice %arg7[%add3A_68, %dma_wait3A_69] : memref<40x128xi32, #tpu.memory_space<vmem>> -> memref<1x128xi32, #tpu.memory_space<vmem>>
        %dma_wait3A_71 = tpu.memref_squeeze %dma_wait3A_70 : memref<1x128xi32, #tpu.memory_space<vmem>> -> memref<128xi32, #tpu.memory_space<vmem>>
        %dma_wait3A_72 = arith.constant 0 : i32
        %dma_wait3A_73 = arith.constant 0 : i32
        %dma_wait3A_74 = tpu.memref_slice %arg2[%dma_wait3A_72, %dma_wait3A_73] : memref<10240x128xf32, #tpu.memory_space<hbm>> -> memref<10240x128xf32, #tpu.memory_space<hbm>>
        tpu.wait_indirect_dma semaphore(%arg13 : memref<!tpu.dma_semaphore, #tpu.memory_space<semaphore_mem>>) src(%dma_wait3A_74 : memref<10240x128xf32, #tpu.memory_space<hbm>>) dst(%arg10 : memref<128x128xf32, #tpu.memory_space<vmem>>)
        %add3A_75 = arith.constant 1 : i32
        %add3A_76 = arith.addi %mul3A_47, %add3A_75 : i32
        "tpu.region"() ({
          %run_scoped3A = tpu.sem_alloc : memref<!tpu.dma_semaphore, #tpu.memory_space<semaphore_mem>>
          %dma_start3A_77 = arith.constant 0 : i32
          %dma_start3A_78 = tpu.memref_slice %arg8[%add3A_76, %dma_start3A_77] : memref<40x128xi32, #tpu.memory_space<vmem>> -> memref<1x128xi32, #tpu.memory_space<vmem>>
          %dma_start3A_79 = tpu.memref_squeeze %dma_start3A_78 : memref<1x128xi32, #tpu.memory_space<vmem>> -> memref<128xi32, #tpu.memory_space<vmem>>
          %dma_start3A_80 = arith.constant 0 : i32
          %dma_start3A_81 = arith.constant 0 : i32
          %dma_start3A_82 = tpu.memref_slice %arg11[%dma_start3A_80, %dma_start3A_81] : memref<10240x128xf32, #tpu.memory_space<vmem_shared>> -> memref<10240x128xf32, #tpu.memory_space<vmem_shared>>
          tpu.enqueue_indirect_dma source(%arg10 : memref<128x128xf32, #tpu.memory_space<vmem>>) target(%dma_start3A_82 : memref<10240x128xf32, #tpu.memory_space<vmem_shared>>) offsets(%dma_start3A_79 : memref<128xi32, #tpu.memory_space<vmem>>) semaphore(%run_scoped3A : memref<!tpu.dma_semaphore, #tpu.memory_space<semaphore_mem>>) {add = true}
          %dma_wait3A_83 = arith.constant 0 : i32
          %dma_wait3A_84 = tpu.memref_slice %arg8[%add3A_76, %dma_wait3A_83] : memref<40x128xi32, #tpu.memory_space<vmem>> -> memref<1x128xi32, #tpu.memory_space<vmem>>
          %dma_wait3A_85 = tpu.memref_squeeze %dma_wait3A_84 : memref<1x128xi32, #tpu.memory_space<vmem>> -> memref<128xi32, #tpu.memory_space<vmem>>
          %dma_wait3A_86 = arith.constant 0 : i32
          %dma_wait3A_87 = arith.constant 0 : i32
          %dma_wait3A_88 = tpu.memref_slice %arg11[%dma_wait3A_86, %dma_wait3A_87] : memref<10240x128xf32, #tpu.memory_space<vmem_shared>> -> memref<10240x128xf32, #tpu.memory_space<vmem_shared>>
          tpu.wait_indirect_dma semaphore(%run_scoped3A : memref<!tpu.dma_semaphore, #tpu.memory_space<semaphore_mem>>) src(%arg10 : memref<128x128xf32, #tpu.memory_space<vmem>>) dst(%dma_wait3A_88 : memref<10240x128xf32, #tpu.memory_space<vmem_shared>>)
          tpu.yield
        }) : () -> ()
      }
      %scan3A_44 = arith.constant 20 : i32
    } else {
    }
    %barrier3A_25 = arith.constant 0 : index
    tpu.barrier barrier_id(%barrier3A_25)
    %mul3A_26 = arith.constant 640 : i32
    %mul3A_27 = arith.muli %arg1, %mul3A_26 : i32
    %mul3A_28 = arith.constant 640 : i32
    %mul3A_29 = arith.muli %arg1, %mul3A_28 : i32
    "tpu.region"() ({
      %run_scoped3A = tpu.sem_alloc : memref<!tpu.dma_semaphore, #tpu.memory_space<semaphore_mem>>
      %dma_start3A = arith.constant 0 : i32
      %dma_start3A_30 = tpu.memref_slice %arg6[%arg0, %mul3A_29, %dma_start3A] : memref<2x10240x128xf32, #tpu.memory_space<hbm>> -> memref<1x640x128xf32, #tpu.memory_space<hbm>>
      %dma_start3A_31 = tpu.memref_squeeze %dma_start3A_30 : memref<1x640x128xf32, #tpu.memory_space<hbm>> -> memref<640x128xf32, #tpu.memory_space<hbm>>
      %dma_start3A_32 = arith.constant 0 : i32
      %dma_start3A_33 = tpu.memref_slice %arg11[%mul3A_27, %dma_start3A_32] : memref<10240x128xf32, #tpu.memory_space<vmem_shared>> -> memref<640x128xf32, #tpu.memory_space<vmem_shared>>
      tpu.enqueue_dma source(%dma_start3A_33 : memref<640x128xf32, #tpu.memory_space<vmem_shared>>) target(%dma_start3A_31 : memref<640x128xf32, #tpu.memory_space<hbm>>) target_semaphore(%run_scoped3A : memref<!tpu.dma_semaphore, #tpu.memory_space<semaphore_mem>>)
      %dma_wait3A = arith.constant 0 : i32
      %dma_wait3A_34 = tpu.memref_slice %arg6[%arg0, %mul3A_29, %dma_wait3A] : memref<2x10240x128xf32, #tpu.memory_space<hbm>> -> memref<1x640x128xf32, #tpu.memory_space<hbm>>
      %dma_wait3A_35 = tpu.memref_squeeze %dma_wait3A_34 : memref<1x640x128xf32, #tpu.memory_space<hbm>> -> memref<640x128xf32, #tpu.memory_space<hbm>>
      %dma_wait3A_36 = arith.constant 0 : i32
      %dma_wait3A_37 = tpu.memref_slice %arg11[%mul3A_27, %dma_wait3A_36] : memref<10240x128xf32, #tpu.memory_space<vmem_shared>> -> memref<640x128xf32, #tpu.memory_space<vmem_shared>>
      tpu.wait_dma2 semaphore(%run_scoped3A : memref<!tpu.dma_semaphore, #tpu.memory_space<semaphore_mem>>) src(%dma_wait3A_37 : memref<640x128xf32, #tpu.memory_space<vmem_shared>>) dst(%dma_wait3A_35 : memref<640x128xf32, #tpu.memory_space<hbm>>)
      tpu.yield
    }) : () -> ()
    return
  }
}

#map = affine_map<(d0, d1) -> (0, 0)>
#map1 = affine_map<(d0, d1) -> (0, 0, 0)>
module attributes {stable_mosaic.version = 14 : i64} {
  func.func @_deg_kernel(%arg0: i32, %arg1: i32, %arg2: memref<2560x128xi32, #tpu.memory_space<hbm>>, %arg3: memref<10240x128xf32, #tpu.memory_space<hbm>>, %arg4: memref<128x128xf32, #tpu.memory_space<hbm>>, %arg5: memref<2x10240x128xf32, #tpu.memory_space<hbm>>, %arg6: memref<80x128xi32, #tpu.memory_space<vmem>>, %arg7: memref<128x128xf32, #tpu.memory_space<vmem>>, %arg8: memref<10240x128xf32, #tpu.memory_space<vmem_shared>>) attributes {dimension_semantics = [#tpu.dimension_semantics<core_parallel>, #tpu.dimension_semantics<subcore_parallel>], iteration_bounds = array<i64: 2, 16>, scalar_prefetch = 0 : i64, scratch_operands = 3 : i64, tpu.core_type = #tpu.core_type<sc_vector_subcore>, window_params = [{transform_indices = #map}, {transform_indices = #map}, {transform_indices = #map}, {transform_indices = #map1}]} {
    %mul3A = arith.constant 2 : i32
    %mul3A_0 = arith.muli %arg1, %mul3A : i32
    %add3A = arith.addi %mul3A_0, %arg0 : i32
    %mul3A_1 = arith.constant 640 : i32
    %mul3A_2 = arith.muli %arg1, %mul3A_1 : i32
    %mul3A_3 = arith.constant 640 : i32
    %mul3A_4 = arith.muli %arg1, %mul3A_3 : i32
    "tpu.region"() ({
      %run_scoped3A = tpu.sem_alloc : memref<!tpu.dma_semaphore, #tpu.memory_space<semaphore_mem>>
      %dma_start3A = arith.constant 0 : i32
      %dma_start3A_17 = tpu.memref_slice %arg8[%mul3A_4, %dma_start3A] : memref<10240x128xf32, #tpu.memory_space<vmem_shared>> -> memref<640x128xf32, #tpu.memory_space<vmem_shared>>
      %dma_start3A_18 = arith.constant 0 : i32
      %dma_start3A_19 = tpu.memref_slice %arg3[%mul3A_2, %dma_start3A_18] : memref<10240x128xf32, #tpu.memory_space<hbm>> -> memref<640x128xf32, #tpu.memory_space<hbm>>
      tpu.enqueue_dma source(%dma_start3A_19 : memref<640x128xf32, #tpu.memory_space<hbm>>) target(%dma_start3A_17 : memref<640x128xf32, #tpu.memory_space<vmem_shared>>) target_semaphore(%run_scoped3A : memref<!tpu.dma_semaphore, #tpu.memory_space<semaphore_mem>>)
      %dma_wait3A = arith.constant 0 : i32
      %dma_wait3A_20 = tpu.memref_slice %arg8[%mul3A_4, %dma_wait3A] : memref<10240x128xf32, #tpu.memory_space<vmem_shared>> -> memref<640x128xf32, #tpu.memory_space<vmem_shared>>
      %dma_wait3A_21 = arith.constant 0 : i32
      %dma_wait3A_22 = tpu.memref_slice %arg3[%mul3A_2, %dma_wait3A_21] : memref<10240x128xf32, #tpu.memory_space<hbm>> -> memref<640x128xf32, #tpu.memory_space<hbm>>
      tpu.wait_dma2 semaphore(%run_scoped3A : memref<!tpu.dma_semaphore, #tpu.memory_space<semaphore_mem>>) src(%dma_wait3A_22 : memref<640x128xf32, #tpu.memory_space<hbm>>) dst(%dma_wait3A_20 : memref<640x128xf32, #tpu.memory_space<vmem_shared>>)
      tpu.yield
    }) : () -> ()
    %mul3A_5 = arith.constant 80 : i32
    %mul3A_6 = arith.muli %add3A, %mul3A_5 : i32
    "tpu.region"() ({
      %run_scoped3A = tpu.sem_alloc : memref<!tpu.dma_semaphore, #tpu.memory_space<semaphore_mem>>
      %dma_start3A = arith.constant 0 : i32
      %dma_start3A_17 = tpu.memref_slice %arg2[%mul3A_6, %dma_start3A] : memref<2560x128xi32, #tpu.memory_space<hbm>> -> memref<80x128xi32, #tpu.memory_space<hbm>>
      %dma_start3A_18 = arith.constant 0 : i32
      %dma_start3A_19 = tpu.memref_slice %arg2[%mul3A_6, %dma_start3A_18] : memref<2560x128xi32, #tpu.memory_space<hbm>> -> memref<80x128xi32, #tpu.memory_space<hbm>>
      tpu.enqueue_dma source(%dma_start3A_19 : memref<80x128xi32, #tpu.memory_space<hbm>>) target(%arg6 : memref<80x128xi32, #tpu.memory_space<vmem>>) target_semaphore(%run_scoped3A : memref<!tpu.dma_semaphore, #tpu.memory_space<semaphore_mem>>)
      %dma_wait3A = arith.constant 0 : i32
      %dma_wait3A_20 = tpu.memref_slice %arg2[%mul3A_6, %dma_wait3A] : memref<2560x128xi32, #tpu.memory_space<hbm>> -> memref<80x128xi32, #tpu.memory_space<hbm>>
      %dma_wait3A_21 = arith.constant 0 : i32
      %dma_wait3A_22 = tpu.memref_slice %arg2[%mul3A_6, %dma_wait3A_21] : memref<2560x128xi32, #tpu.memory_space<hbm>> -> memref<80x128xi32, #tpu.memory_space<hbm>>
      tpu.wait_dma2 semaphore(%run_scoped3A : memref<!tpu.dma_semaphore, #tpu.memory_space<semaphore_mem>>) src(%dma_wait3A_22 : memref<80x128xi32, #tpu.memory_space<hbm>>) dst(%arg6 : memref<80x128xi32, #tpu.memory_space<vmem>>)
      tpu.yield
    }) : () -> ()
    "tpu.region"() ({
      %run_scoped3A = tpu.sem_alloc : memref<!tpu.dma_semaphore, #tpu.memory_space<semaphore_mem>>
      tpu.enqueue_dma source(%arg4 : memref<128x128xf32, #tpu.memory_space<hbm>>) target(%arg7 : memref<128x128xf32, #tpu.memory_space<vmem>>) target_semaphore(%run_scoped3A : memref<!tpu.dma_semaphore, #tpu.memory_space<semaphore_mem>>)
      tpu.wait_dma2 semaphore(%run_scoped3A : memref<!tpu.dma_semaphore, #tpu.memory_space<semaphore_mem>>) src(%arg4 : memref<128x128xf32, #tpu.memory_space<hbm>>) dst(%arg7 : memref<128x128xf32, #tpu.memory_space<vmem>>)
      tpu.yield
    }) : () -> ()
    %barrier3A = arith.constant 0 : index
    tpu.barrier barrier_id(%barrier3A)
    %scan3A = arith.constant 0 : i32
    %scan3A_7 = arith.constant 0 : i32
    %scan3A_8 = arith.constant 80 : i32
    %scan3A_9 = arith.addi %scan3A_7, %scan3A_8 : i32
    %scan3A_10 = arith.constant 1 : i32
    scf.for %scan3A_17 = %scan3A_7 to %scan3A_9 step %scan3A_10  : i32 {
      "tpu.region"() ({
        %run_scoped3A = tpu.sem_alloc : memref<!tpu.dma_semaphore, #tpu.memory_space<semaphore_mem>>
        %dma_start3A = arith.constant 0 : i32
        %dma_start3A_18 = tpu.memref_slice %arg6[%scan3A_17, %dma_start3A] : memref<80x128xi32, #tpu.memory_space<vmem>> -> memref<1x128xi32, #tpu.memory_space<vmem>>
        %dma_start3A_19 = tpu.memref_squeeze %dma_start3A_18 : memref<1x128xi32, #tpu.memory_space<vmem>> -> memref<128xi32, #tpu.memory_space<vmem>>
        %dma_start3A_20 = arith.constant 0 : i32
        %dma_start3A_21 = arith.constant 0 : i32
        %dma_start3A_22 = tpu.memref_slice %arg8[%dma_start3A_20, %dma_start3A_21] : memref<10240x128xf32, #tpu.memory_space<vmem_shared>> -> memref<10240x128xf32, #tpu.memory_space<vmem_shared>>
        tpu.enqueue_indirect_dma source(%arg7 : memref<128x128xf32, #tpu.memory_space<vmem>>) target(%dma_start3A_22 : memref<10240x128xf32, #tpu.memory_space<vmem_shared>>) offsets(%dma_start3A_19 : memref<128xi32, #tpu.memory_space<vmem>>) semaphore(%run_scoped3A : memref<!tpu.dma_semaphore, #tpu.memory_space<semaphore_mem>>) {add = true}
        %dma_wait3A = arith.constant 0 : i32
        %dma_wait3A_23 = tpu.memref_slice %arg6[%scan3A_17, %dma_wait3A] : memref<80x128xi32, #tpu.memory_space<vmem>> -> memref<1x128xi32, #tpu.memory_space<vmem>>
        %dma_wait3A_24 = tpu.memref_squeeze %dma_wait3A_23 : memref<1x128xi32, #tpu.memory_space<vmem>> -> memref<128xi32, #tpu.memory_space<vmem>>
        %dma_wait3A_25 = arith.constant 0 : i32
        %dma_wait3A_26 = arith.constant 0 : i32
        %dma_wait3A_27 = tpu.memref_slice %arg8[%dma_wait3A_25, %dma_wait3A_26] : memref<10240x128xf32, #tpu.memory_space<vmem_shared>> -> memref<10240x128xf32, #tpu.memory_space<vmem_shared>>
        tpu.wait_indirect_dma semaphore(%run_scoped3A : memref<!tpu.dma_semaphore, #tpu.memory_space<semaphore_mem>>) src(%arg7 : memref<128x128xf32, #tpu.memory_space<vmem>>) dst(%dma_wait3A_27 : memref<10240x128xf32, #tpu.memory_space<vmem_shared>>)
        tpu.yield
      }) : () -> ()
    }
    %scan3A_11 = arith.constant 80 : i32
    %barrier3A_12 = arith.constant 0 : index
    tpu.barrier barrier_id(%barrier3A_12)
    %mul3A_13 = arith.constant 640 : i32
    %mul3A_14 = arith.muli %arg1, %mul3A_13 : i32
    %mul3A_15 = arith.constant 640 : i32
    %mul3A_16 = arith.muli %arg1, %mul3A_15 : i32
    "tpu.region"() ({
      %run_scoped3A = tpu.sem_alloc : memref<!tpu.dma_semaphore, #tpu.memory_space<semaphore_mem>>
      %dma_start3A = arith.constant 0 : i32
      %dma_start3A_17 = tpu.memref_slice %arg5[%arg0, %mul3A_16, %dma_start3A] : memref<2x10240x128xf32, #tpu.memory_space<hbm>> -> memref<1x640x128xf32, #tpu.memory_space<hbm>>
      %dma_start3A_18 = tpu.memref_squeeze %dma_start3A_17 : memref<1x640x128xf32, #tpu.memory_space<hbm>> -> memref<640x128xf32, #tpu.memory_space<hbm>>
      %dma_start3A_19 = arith.constant 0 : i32
      %dma_start3A_20 = tpu.memref_slice %arg8[%mul3A_14, %dma_start3A_19] : memref<10240x128xf32, #tpu.memory_space<vmem_shared>> -> memref<640x128xf32, #tpu.memory_space<vmem_shared>>
      tpu.enqueue_dma source(%dma_start3A_20 : memref<640x128xf32, #tpu.memory_space<vmem_shared>>) target(%dma_start3A_18 : memref<640x128xf32, #tpu.memory_space<hbm>>) target_semaphore(%run_scoped3A : memref<!tpu.dma_semaphore, #tpu.memory_space<semaphore_mem>>)
      %dma_wait3A = arith.constant 0 : i32
      %dma_wait3A_21 = tpu.memref_slice %arg5[%arg0, %mul3A_16, %dma_wait3A] : memref<2x10240x128xf32, #tpu.memory_space<hbm>> -> memref<1x640x128xf32, #tpu.memory_space<hbm>>
      %dma_wait3A_22 = tpu.memref_squeeze %dma_wait3A_21 : memref<1x640x128xf32, #tpu.memory_space<hbm>> -> memref<640x128xf32, #tpu.memory_space<hbm>>
      %dma_wait3A_23 = arith.constant 0 : i32
      %dma_wait3A_24 = tpu.memref_slice %arg8[%mul3A_14, %dma_wait3A_23] : memref<10240x128xf32, #tpu.memory_space<vmem_shared>> -> memref<640x128xf32, #tpu.memory_space<vmem_shared>>
      tpu.wait_dma2 semaphore(%run_scoped3A : memref<!tpu.dma_semaphore, #tpu.memory_space<semaphore_mem>>) src(%dma_wait3A_24 : memref<640x128xf32, #tpu.memory_space<vmem_shared>>) dst(%dma_wait3A_22 : memref<640x128xf32, #tpu.memory_space<hbm>>)
      tpu.yield
    }) : () -> ()
    return
  }
}

#map = affine_map<(d0, d1) -> (0, 0)>
#map1 = affine_map<(d0, d1) -> (0, 0, 0)>
module attributes {stable_mosaic.version = 14 : i64} {
  func.func @_scatter_kernel(%arg0: i32, %arg1: i32, %arg2: memref<10240x128xf32, #tpu.memory_space<hbm>>, %arg3: memref<2560x128xi32, #tpu.memory_space<hbm>>, %arg4: memref<2560x128xi32, #tpu.memory_space<hbm>>, %arg5: memref<10240x128xf32, #tpu.memory_space<hbm>>, %arg6: memref<2x10240x128xf32, #tpu.memory_space<hbm>>, %arg7: memref<40x128xi32, #tpu.memory_space<vmem>>, %arg8: memref<40x128xi32, #tpu.memory_space<vmem>>, %arg9: memref<128x128xf32, #tpu.memory_space<vmem>>, %arg10: memref<128x128xf32, #tpu.memory_space<vmem>>, %arg11: memref<10240x128xf32, #tpu.memory_space<vmem_shared>>, %arg12: memref<!tpu.dma_semaphore, #tpu.memory_space<semaphore_mem>>, %arg13: memref<!tpu.dma_semaphore, #tpu.memory_space<semaphore_mem>>) attributes {dimension_semantics = [#tpu.dimension_semantics<core_parallel>, #tpu.dimension_semantics<subcore_parallel>], iteration_bounds = array<i64: 2, 16>, scalar_prefetch = 0 : i64, scratch_operands = 7 : i64, tpu.core_type = #tpu.core_type<sc_vector_subcore>, window_params = [{transform_indices = #map}, {transform_indices = #map}, {transform_indices = #map}, {transform_indices = #map}, {transform_indices = #map1}]} {
    %mul3A = arith.constant 640 : i32
    %mul3A_0 = arith.muli %arg1, %mul3A : i32
    %mul3A_1 = arith.constant 640 : i32
    %mul3A_2 = arith.muli %arg1, %mul3A_1 : i32
    "tpu.region"() ({
      %run_scoped3A = tpu.sem_alloc : memref<!tpu.dma_semaphore, #tpu.memory_space<semaphore_mem>>
      %dma_start3A = arith.constant 0 : i32
      %dma_start3A_30 = tpu.memref_slice %arg11[%mul3A_2, %dma_start3A] : memref<10240x128xf32, #tpu.memory_space<vmem_shared>> -> memref<640x128xf32, #tpu.memory_space<vmem_shared>>
      %dma_start3A_31 = arith.constant 0 : i32
      %dma_start3A_32 = tpu.memref_slice %arg5[%mul3A_0, %dma_start3A_31] : memref<10240x128xf32, #tpu.memory_space<hbm>> -> memref<640x128xf32, #tpu.memory_space<hbm>>
      tpu.enqueue_dma source(%dma_start3A_32 : memref<640x128xf32, #tpu.memory_space<hbm>>) target(%dma_start3A_30 : memref<640x128xf32, #tpu.memory_space<vmem_shared>>) target_semaphore(%run_scoped3A : memref<!tpu.dma_semaphore, #tpu.memory_space<semaphore_mem>>)
      %dma_wait3A = arith.constant 0 : i32
      %dma_wait3A_33 = tpu.memref_slice %arg11[%mul3A_2, %dma_wait3A] : memref<10240x128xf32, #tpu.memory_space<vmem_shared>> -> memref<640x128xf32, #tpu.memory_space<vmem_shared>>
      %dma_wait3A_34 = arith.constant 0 : i32
      %dma_wait3A_35 = tpu.memref_slice %arg5[%mul3A_0, %dma_wait3A_34] : memref<10240x128xf32, #tpu.memory_space<hbm>> -> memref<640x128xf32, #tpu.memory_space<hbm>>
      tpu.wait_dma2 semaphore(%run_scoped3A : memref<!tpu.dma_semaphore, #tpu.memory_space<semaphore_mem>>) src(%dma_wait3A_35 : memref<640x128xf32, #tpu.memory_space<hbm>>) dst(%dma_wait3A_33 : memref<640x128xf32, #tpu.memory_space<vmem_shared>>)
      tpu.yield
    }) : () -> ()
    %barrier3A = arith.constant 0 : index
    tpu.barrier barrier_id(%barrier3A)
    %eq3A = arith.constant 0 : i32
    %eq3A_3 = arith.cmpi eq, %arg0, %eq3A : i32
    %jit3A = arith.constant 120 : i32
    %jit3A_4 = arith.constant 40 : i32
    %select_n3A = arith.select %eq3A_3, %jit3A, %jit3A_4 : i32
    %eq3A_5 = arith.constant 0 : i32
    %eq3A_6 = arith.cmpi eq, %arg0, %eq3A_5 : i32
    %mul3A_7 = arith.constant 120 : i32
    %mul3A_8 = arith.muli %arg1, %mul3A_7 : i32
    %mul3A_9 = arith.constant 40 : i32
    %mul3A_10 = arith.muli %arg1, %mul3A_9 : i32
    %add3A = arith.constant 1920 : i32
    %add3A_11 = arith.addi %add3A, %mul3A_10 : i32
    %select_n3A_12 = arith.select %eq3A_6, %mul3A_8, %add3A_11 : i32
    %gt3A = arith.constant 0 : i32
    %gt3A_13 = arith.cmpi sgt, %select_n3A, %gt3A : i32
    %convert_element_type3A = arith.extui %gt3A_13 : i1 to i32
    %cond3A = arith.constant 0 : i32
    %cond3A_14 = arith.cmpi ne, %convert_element_type3A, %cond3A : i32
    scf.if %cond3A_14 {
      %add3A_30 = arith.constant 0 : i32
      %add3A_31 = arith.addi %select_n3A_12, %add3A_30 : i32
      "tpu.region"() ({
        %run_scoped3A = tpu.sem_alloc : memref<!tpu.dma_semaphore, #tpu.memory_space<semaphore_mem>>
        %dma_start3A_45 = arith.constant 0 : i32
        %dma_start3A_46 = tpu.memref_slice %arg3[%add3A_31, %dma_start3A_45] : memref<2560x128xi32, #tpu.memory_space<hbm>> -> memref<40x128xi32, #tpu.memory_space<hbm>>
        %dma_start3A_47 = arith.constant 0 : i32
        %dma_start3A_48 = tpu.memref_slice %arg3[%add3A_31, %dma_start3A_47] : memref<2560x128xi32, #tpu.memory_space<hbm>> -> memref<40x128xi32, #tpu.memory_space<hbm>>
        tpu.enqueue_dma source(%dma_start3A_48 : memref<40x128xi32, #tpu.memory_space<hbm>>) target(%arg7 : memref<40x128xi32, #tpu.memory_space<vmem>>) target_semaphore(%run_scoped3A : memref<!tpu.dma_semaphore, #tpu.memory_space<semaphore_mem>>)
        %dma_wait3A = arith.constant 0 : i32
        %dma_wait3A_49 = tpu.memref_slice %arg3[%add3A_31, %dma_wait3A] : memref<2560x128xi32, #tpu.memory_space<hbm>> -> memref<40x128xi32, #tpu.memory_space<hbm>>
        %dma_wait3A_50 = arith.constant 0 : i32
        %dma_wait3A_51 = tpu.memref_slice %arg3[%add3A_31, %dma_wait3A_50] : memref<2560x128xi32, #tpu.memory_space<hbm>> -> memref<40x128xi32, #tpu.memory_space<hbm>>
        tpu.wait_dma2 semaphore(%run_scoped3A : memref<!tpu.dma_semaphore, #tpu.memory_space<semaphore_mem>>) src(%dma_wait3A_51 : memref<40x128xi32, #tpu.memory_space<hbm>>) dst(%arg7 : memref<40x128xi32, #tpu.memory_space<vmem>>)
        tpu.yield
      }) : () -> ()
      %add3A_32 = arith.constant 0 : i32
      %add3A_33 = arith.addi %select_n3A_12, %add3A_32 : i32
      "tpu.region"() ({
        %run_scoped3A = tpu.sem_alloc : memref<!tpu.dma_semaphore, #tpu.memory_space<semaphore_mem>>
        %dma_start3A_45 = arith.constant 0 : i32
        %dma_start3A_46 = tpu.memref_slice %arg4[%add3A_33, %dma_start3A_45] : memref<2560x128xi32, #tpu.memory_space<hbm>> -> memref<40x128xi32, #tpu.memory_space<hbm>>
        %dma_start3A_47 = arith.constant 0 : i32
        %dma_start3A_48 = tpu.memref_slice %arg4[%add3A_33, %dma_start3A_47] : memref<2560x128xi32, #tpu.memory_space<hbm>> -> memref<40x128xi32, #tpu.memory_space<hbm>>
        tpu.enqueue_dma source(%dma_start3A_48 : memref<40x128xi32, #tpu.memory_space<hbm>>) target(%arg8 : memref<40x128xi32, #tpu.memory_space<vmem>>) target_semaphore(%run_scoped3A : memref<!tpu.dma_semaphore, #tpu.memory_space<semaphore_mem>>)
        %dma_wait3A = arith.constant 0 : i32
        %dma_wait3A_49 = tpu.memref_slice %arg4[%add3A_33, %dma_wait3A] : memref<2560x128xi32, #tpu.memory_space<hbm>> -> memref<40x128xi32, #tpu.memory_space<hbm>>
        %dma_wait3A_50 = arith.constant 0 : i32
        %dma_wait3A_51 = tpu.memref_slice %arg4[%add3A_33, %dma_wait3A_50] : memref<2560x128xi32, #tpu.memory_space<hbm>> -> memref<40x128xi32, #tpu.memory_space<hbm>>
        tpu.wait_dma2 semaphore(%run_scoped3A : memref<!tpu.dma_semaphore, #tpu.memory_space<semaphore_mem>>) src(%dma_wait3A_51 : memref<40x128xi32, #tpu.memory_space<hbm>>) dst(%arg8 : memref<40x128xi32, #tpu.memory_space<vmem>>)
        tpu.yield
      }) : () -> ()
      %dma_start3A = arith.constant 0 : i32
      %dma_start3A_34 = arith.constant 0 : i32
      %dma_start3A_35 = tpu.memref_slice %arg7[%dma_start3A, %dma_start3A_34] : memref<40x128xi32, #tpu.memory_space<vmem>> -> memref<1x128xi32, #tpu.memory_space<vmem>>
      %dma_start3A_36 = tpu.memref_squeeze %dma_start3A_35 : memref<1x128xi32, #tpu.memory_space<vmem>> -> memref<128xi32, #tpu.memory_space<vmem>>
      %dma_start3A_37 = arith.constant 0 : i32
      %dma_start3A_38 = arith.constant 0 : i32
      %dma_start3A_39 = tpu.memref_slice %arg2[%dma_start3A_37, %dma_start3A_38] : memref<10240x128xf32, #tpu.memory_space<hbm>> -> memref<10240x128xf32, #tpu.memory_space<hbm>>
      tpu.enqueue_indirect_dma source(%dma_start3A_39 : memref<10240x128xf32, #tpu.memory_space<hbm>>) target(%arg9 : memref<128x128xf32, #tpu.memory_space<vmem>>) offsets(%dma_start3A_36 : memref<128xi32, #tpu.memory_space<vmem>>) semaphore(%arg12 : memref<!tpu.dma_semaphore, #tpu.memory_space<semaphore_mem>>)
      %scan3A = arith.constant 0 : i32
      %scan3A_40 = arith.constant 0 : i32
      %scan3A_41 = arith.constant 20 : i32
      %scan3A_42 = arith.addi %scan3A_40, %scan3A_41 : i32
      %scan3A_43 = arith.constant 1 : i32
      scf.for %scan3A_45 = %scan3A_40 to %scan3A_42 step %scan3A_43  : i32 {
        %mul3A_46 = arith.constant 2 : i32
        %mul3A_47 = arith.muli %mul3A_46, %scan3A_45 : i32
        %add3A_48 = arith.constant 1 : i32
        %add3A_49 = arith.addi %mul3A_47, %add3A_48 : i32
        %dma_start3A_50 = arith.constant 0 : i32
        %dma_start3A_51 = tpu.memref_slice %arg7[%add3A_49, %dma_start3A_50] : memref<40x128xi32, #tpu.memory_space<vmem>> -> memref<1x128xi32, #tpu.memory_space<vmem>>
        %dma_start3A_52 = tpu.memref_squeeze %dma_start3A_51 : memref<1x128xi32, #tpu.memory_space<vmem>> -> memref<128xi32, #tpu.memory_space<vmem>>
        %dma_start3A_53 = arith.constant 0 : i32
        %dma_start3A_54 = arith.constant 0 : i32
        %dma_start3A_55 = tpu.memref_slice %arg2[%dma_start3A_53, %dma_start3A_54] : memref<10240x128xf32, #tpu.memory_space<hbm>> -> memref<10240x128xf32, #tpu.memory_space<hbm>>
        tpu.enqueue_indirect_dma source(%dma_start3A_55 : memref<10240x128xf32, #tpu.memory_space<hbm>>) target(%arg10 : memref<128x128xf32, #tpu.memory_space<vmem>>) offsets(%dma_start3A_52 : memref<128xi32, #tpu.memory_space<vmem>>) semaphore(%arg13 : memref<!tpu.dma_semaphore, #tpu.memory_space<semaphore_mem>>)
        %dma_wait3A = arith.constant 0 : i32
        %dma_wait3A_56 = tpu.memref_slice %arg7[%mul3A_47, %dma_wait3A] : memref<40x128xi32, #tpu.memory_space<vmem>> -> memref<1x128xi32, #tpu.memory_space<vmem>>
        %dma_wait3A_57 = tpu.memref_squeeze %dma_wait3A_56 : memref<1x128xi32, #tpu.memory_space<vmem>> -> memref<128xi32, #tpu.memory_space<vmem>>
        %dma_wait3A_58 = arith.constant 0 : i32
        %dma_wait3A_59 = arith.constant 0 : i32
        %dma_wait3A_60 = tpu.memref_slice %arg2[%dma_wait3A_58, %dma_wait3A_59] : memref<10240x128xf32, #tpu.memory_space<hbm>> -> memref<10240x128xf32, #tpu.memory_space<hbm>>
        tpu.wait_indirect_dma semaphore(%arg12 : memref<!tpu.dma_semaphore, #tpu.memory_space<semaphore_mem>>) src(%dma_wait3A_60 : memref<10240x128xf32, #tpu.memory_space<hbm>>) dst(%arg9 : memref<128x128xf32, #tpu.memory_space<vmem>>)
        "tpu.region"() ({
          %run_scoped3A = tpu.sem_alloc : memref<!tpu.dma_semaphore, #tpu.memory_space<semaphore_mem>>
          %dma_start3A_77 = arith.constant 0 : i32
          %dma_start3A_78 = tpu.memref_slice %arg8[%mul3A_47, %dma_start3A_77] : memref<40x128xi32, #tpu.memory_space<vmem>> -> memref<1x128xi32, #tpu.memory_space<vmem>>
          %dma_start3A_79 = tpu.memref_squeeze %dma_start3A_78 : memref<1x128xi32, #tpu.memory_space<vmem>> -> memref<128xi32, #tpu.memory_space<vmem>>
          %dma_start3A_80 = arith.constant 0 : i32
          %dma_start3A_81 = arith.constant 0 : i32
          %dma_start3A_82 = tpu.memref_slice %arg11[%dma_start3A_80, %dma_start3A_81] : memref<10240x128xf32, #tpu.memory_space<vmem_shared>> -> memref<10240x128xf32, #tpu.memory_space<vmem_shared>>
          tpu.enqueue_indirect_dma source(%arg9 : memref<128x128xf32, #tpu.memory_space<vmem>>) target(%dma_start3A_82 : memref<10240x128xf32, #tpu.memory_space<vmem_shared>>) offsets(%dma_start3A_79 : memref<128xi32, #tpu.memory_space<vmem>>) semaphore(%run_scoped3A : memref<!tpu.dma_semaphore, #tpu.memory_space<semaphore_mem>>) {add = true}
          %dma_wait3A_83 = arith.constant 0 : i32
          %dma_wait3A_84 = tpu.memref_slice %arg8[%mul3A_47, %dma_wait3A_83] : memref<40x128xi32, #tpu.memory_space<vmem>> -> memref<1x128xi32, #tpu.memory_space<vmem>>
          %dma_wait3A_85 = tpu.memref_squeeze %dma_wait3A_84 : memref<1x128xi32, #tpu.memory_space<vmem>> -> memref<128xi32, #tpu.memory_space<vmem>>
          %dma_wait3A_86 = arith.constant 0 : i32
          %dma_wait3A_87 = arith.constant 0 : i32
          %dma_wait3A_88 = tpu.memref_slice %arg11[%dma_wait3A_86, %dma_wait3A_87] : memref<10240x128xf32, #tpu.memory_space<vmem_shared>> -> memref<10240x128xf32, #tpu.memory_space<vmem_shared>>
          tpu.wait_indirect_dma semaphore(%run_scoped3A : memref<!tpu.dma_semaphore, #tpu.memory_space<semaphore_mem>>) src(%arg9 : memref<128x128xf32, #tpu.memory_space<vmem>>) dst(%dma_wait3A_88 : memref<10240x128xf32, #tpu.memory_space<vmem_shared>>)
          tpu.yield
        }) : () -> ()
        %add3A_61 = arith.constant 2 : i32
        %add3A_62 = arith.addi %mul3A_47, %add3A_61 : i32
        %lt3A = arith.constant 40 : i32
        %lt3A_63 = arith.cmpi slt, %add3A_62, %lt3A : i32
        %convert_element_type3A_64 = arith.extui %lt3A_63 : i1 to i32
        %cond3A_65 = arith.constant 0 : i32
        %cond3A_66 = arith.cmpi ne, %convert_element_type3A_64, %cond3A_65 : i32
        scf.if %cond3A_66 {
          %add3A_77 = arith.constant 2 : i32
          %add3A_78 = arith.addi %mul3A_47, %add3A_77 : i32
          %dma_start3A_79 = arith.constant 0 : i32
          %dma_start3A_80 = tpu.memref_slice %arg7[%add3A_78, %dma_start3A_79] : memref<40x128xi32, #tpu.memory_space<vmem>> -> memref<1x128xi32, #tpu.memory_space<vmem>>
          %dma_start3A_81 = tpu.memref_squeeze %dma_start3A_80 : memref<1x128xi32, #tpu.memory_space<vmem>> -> memref<128xi32, #tpu.memory_space<vmem>>
          %dma_start3A_82 = arith.constant 0 : i32
          %dma_start3A_83 = arith.constant 0 : i32
          %dma_start3A_84 = tpu.memref_slice %arg2[%dma_start3A_82, %dma_start3A_83] : memref<10240x128xf32, #tpu.memory_space<hbm>> -> memref<10240x128xf32, #tpu.memory_space<hbm>>
          tpu.enqueue_indirect_dma source(%dma_start3A_84 : memref<10240x128xf32, #tpu.memory_space<hbm>>) target(%arg9 : memref<128x128xf32, #tpu.memory_space<vmem>>) offsets(%dma_start3A_81 : memref<128xi32, #tpu.memory_space<vmem>>) semaphore(%arg12 : memref<!tpu.dma_semaphore, #tpu.memory_space<semaphore_mem>>)
        } else {
        }
        %add3A_67 = arith.constant 1 : i32
        %add3A_68 = arith.addi %mul3A_47, %add3A_67 : i32
        %dma_wait3A_69 = arith.constant 0 : i32
        %dma_wait3A_70 = tpu.memref_slice %arg7[%add3A_68, %dma_wait3A_69] : memref<40x128xi32, #tpu.memory_space<vmem>> -> memref<1x128xi32, #tpu.memory_space<vmem>>
        %dma_wait3A_71 = tpu.memref_squeeze %dma_wait3A_70 : memref<1x128xi32, #tpu.memory_space<vmem>> -> memref<128xi32, #tpu.memory_space<vmem>>
        %dma_wait3A_72 = arith.constant 0 : i32
        %dma_wait3A_73 = arith.constant 0 : i32
        %dma_wait3A_74 = tpu.memref_slice %arg2[%dma_wait3A_72, %dma_wait3A_73] : memref<10240x128xf32, #tpu.memory_space<hbm>> -> memref<10240x128xf32, #tpu.memory_space<hbm>>
        tpu.wait_indirect_dma semaphore(%arg13 : memref<!tpu.dma_semaphore, #tpu.memory_space<semaphore_mem>>) src(%dma_wait3A_74 : memref<10240x128xf32, #tpu.memory_space<hbm>>) dst(%arg10 : memref<128x128xf32, #tpu.memory_space<vmem>>)
        %add3A_75 = arith.constant 1 : i32
        %add3A_76 = arith.addi %mul3A_47, %add3A_75 : i32
        "tpu.region"() ({
          %run_scoped3A = tpu.sem_alloc : memref<!tpu.dma_semaphore, #tpu.memory_space<semaphore_mem>>
          %dma_start3A_77 = arith.constant 0 : i32
          %dma_start3A_78 = tpu.memref_slice %arg8[%add3A_76, %dma_start3A_77] : memref<40x128xi32, #tpu.memory_space<vmem>> -> memref<1x128xi32, #tpu.memory_space<vmem>>
          %dma_start3A_79 = tpu.memref_squeeze %dma_start3A_78 : memref<1x128xi32, #tpu.memory_space<vmem>> -> memref<128xi32, #tpu.memory_space<vmem>>
          %dma_start3A_80 = arith.constant 0 : i32
          %dma_start3A_81 = arith.constant 0 : i32
          %dma_start3A_82 = tpu.memref_slice %arg11[%dma_start3A_80, %dma_start3A_81] : memref<10240x128xf32, #tpu.memory_space<vmem_shared>> -> memref<10240x128xf32, #tpu.memory_space<vmem_shared>>
          tpu.enqueue_indirect_dma source(%arg10 : memref<128x128xf32, #tpu.memory_space<vmem>>) target(%dma_start3A_82 : memref<10240x128xf32, #tpu.memory_space<vmem_shared>>) offsets(%dma_start3A_79 : memref<128xi32, #tpu.memory_space<vmem>>) semaphore(%run_scoped3A : memref<!tpu.dma_semaphore, #tpu.memory_space<semaphore_mem>>) {add = true}
          %dma_wait3A_83 = arith.constant 0 : i32
          %dma_wait3A_84 = tpu.memref_slice %arg8[%add3A_76, %dma_wait3A_83] : memref<40x128xi32, #tpu.memory_space<vmem>> -> memref<1x128xi32, #tpu.memory_space<vmem>>
          %dma_wait3A_85 = tpu.memref_squeeze %dma_wait3A_84 : memref<1x128xi32, #tpu.memory_space<vmem>> -> memref<128xi32, #tpu.memory_space<vmem>>
          %dma_wait3A_86 = arith.constant 0 : i32
          %dma_wait3A_87 = arith.constant 0 : i32
          %dma_wait3A_88 = tpu.memref_slice %arg11[%dma_wait3A_86, %dma_wait3A_87] : memref<10240x128xf32, #tpu.memory_space<vmem_shared>> -> memref<10240x128xf32, #tpu.memory_space<vmem_shared>>
          tpu.wait_indirect_dma semaphore(%run_scoped3A : memref<!tpu.dma_semaphore, #tpu.memory_space<semaphore_mem>>) src(%arg10 : memref<128x128xf32, #tpu.memory_space<vmem>>) dst(%dma_wait3A_88 : memref<10240x128xf32, #tpu.memory_space<vmem_shared>>)
          tpu.yield
        }) : () -> ()
      }
      %scan3A_44 = arith.constant 20 : i32
    } else {
    }
    %gt3A_15 = arith.constant 40 : i32
    %gt3A_16 = arith.cmpi sgt, %select_n3A, %gt3A_15 : i32
    %convert_element_type3A_17 = arith.extui %gt3A_16 : i1 to i32
    %cond3A_18 = arith.constant 0 : i32
    %cond3A_19 = arith.cmpi ne, %convert_element_type3A_17, %cond3A_18 : i32
    scf.if %cond3A_19 {
      %add3A_30 = arith.constant 40 : i32
      %add3A_31 = arith.addi %select_n3A_12, %add3A_30 : i32
      "tpu.region"() ({
        %run_scoped3A = tpu.sem_alloc : memref<!tpu.dma_semaphore, #tpu.memory_space<semaphore_mem>>
        %dma_start3A_45 = arith.constant 0 : i32
        %dma_start3A_46 = tpu.memref_slice %arg3[%add3A_31, %dma_start3A_45] : memref<2560x128xi32, #tpu.memory_space<hbm>> -> memref<40x128xi32, #tpu.memory_space<hbm>>
        %dma_start3A_47 = arith.constant 0 : i32
        %dma_start3A_48 = tpu.memref_slice %arg3[%add3A_31, %dma_start3A_47] : memref<2560x128xi32, #tpu.memory_space<hbm>> -> memref<40x128xi32, #tpu.memory_space<hbm>>
        tpu.enqueue_dma source(%dma_start3A_48 : memref<40x128xi32, #tpu.memory_space<hbm>>) target(%arg7 : memref<40x128xi32, #tpu.memory_space<vmem>>) target_semaphore(%run_scoped3A : memref<!tpu.dma_semaphore, #tpu.memory_space<semaphore_mem>>)
        %dma_wait3A = arith.constant 0 : i32
        %dma_wait3A_49 = tpu.memref_slice %arg3[%add3A_31, %dma_wait3A] : memref<2560x128xi32, #tpu.memory_space<hbm>> -> memref<40x128xi32, #tpu.memory_space<hbm>>
        %dma_wait3A_50 = arith.constant 0 : i32
        %dma_wait3A_51 = tpu.memref_slice %arg3[%add3A_31, %dma_wait3A_50] : memref<2560x128xi32, #tpu.memory_space<hbm>> -> memref<40x128xi32, #tpu.memory_space<hbm>>
        tpu.wait_dma2 semaphore(%run_scoped3A : memref<!tpu.dma_semaphore, #tpu.memory_space<semaphore_mem>>) src(%dma_wait3A_51 : memref<40x128xi32, #tpu.memory_space<hbm>>) dst(%arg7 : memref<40x128xi32, #tpu.memory_space<vmem>>)
        tpu.yield
      }) : () -> ()
      %add3A_32 = arith.constant 40 : i32
      %add3A_33 = arith.addi %select_n3A_12, %add3A_32 : i32
      "tpu.region"() ({
        %run_scoped3A = tpu.sem_alloc : memref<!tpu.dma_semaphore, #tpu.memory_space<semaphore_mem>>
        %dma_start3A_45 = arith.constant 0 : i32
        %dma_start3A_46 = tpu.memref_slice %arg4[%add3A_33, %dma_start3A_45] : memref<2560x128xi32, #tpu.memory_space<hbm>> -> memref<40x128xi32, #tpu.memory_space<hbm>>
        %dma_start3A_47 = arith.constant 0 : i32
        %dma_start3A_48 = tpu.memref_slice %arg4[%add3A_33, %dma_start3A_47] : memref<2560x128xi32, #tpu.memory_space<hbm>> -> memref<40x128xi32, #tpu.memory_space<hbm>>
        tpu.enqueue_dma source(%dma_start3A_48 : memref<40x128xi32, #tpu.memory_space<hbm>>) target(%arg8 : memref<40x128xi32, #tpu.memory_space<vmem>>) target_semaphore(%run_scoped3A : memref<!tpu.dma_semaphore, #tpu.memory_space<semaphore_mem>>)
        %dma_wait3A = arith.constant 0 : i32
        %dma_wait3A_49 = tpu.memref_slice %arg4[%add3A_33, %dma_wait3A] : memref<2560x128xi32, #tpu.memory_space<hbm>> -> memref<40x128xi32, #tpu.memory_space<hbm>>
        %dma_wait3A_50 = arith.constant 0 : i32
        %dma_wait3A_51 = tpu.memref_slice %arg4[%add3A_33, %dma_wait3A_50] : memref<2560x128xi32, #tpu.memory_space<hbm>> -> memref<40x128xi32, #tpu.memory_space<hbm>>
        tpu.wait_dma2 semaphore(%run_scoped3A : memref<!tpu.dma_semaphore, #tpu.memory_space<semaphore_mem>>) src(%dma_wait3A_51 : memref<40x128xi32, #tpu.memory_space<hbm>>) dst(%arg8 : memref<40x128xi32, #tpu.memory_space<vmem>>)
        tpu.yield
      }) : () -> ()
      %dma_start3A = arith.constant 0 : i32
      %dma_start3A_34 = arith.constant 0 : i32
      %dma_start3A_35 = tpu.memref_slice %arg7[%dma_start3A, %dma_start3A_34] : memref<40x128xi32, #tpu.memory_space<vmem>> -> memref<1x128xi32, #tpu.memory_space<vmem>>
      %dma_start3A_36 = tpu.memref_squeeze %dma_start3A_35 : memref<1x128xi32, #tpu.memory_space<vmem>> -> memref<128xi32, #tpu.memory_space<vmem>>
      %dma_start3A_37 = arith.constant 0 : i32
      %dma_start3A_38 = arith.constant 0 : i32
      %dma_start3A_39 = tpu.memref_slice %arg2[%dma_start3A_37, %dma_start3A_38] : memref<10240x128xf32, #tpu.memory_space<hbm>> -> memref<10240x128xf32, #tpu.memory_space<hbm>>
      tpu.enqueue_indirect_dma source(%dma_start3A_39 : memref<10240x128xf32, #tpu.memory_space<hbm>>) target(%arg9 : memref<128x128xf32, #tpu.memory_space<vmem>>) offsets(%dma_start3A_36 : memref<128xi32, #tpu.memory_space<vmem>>) semaphore(%arg12 : memref<!tpu.dma_semaphore, #tpu.memory_space<semaphore_mem>>)
      %scan3A = arith.constant 0 : i32
      %scan3A_40 = arith.constant 0 : i32
      %scan3A_41 = arith.constant 20 : i32
      %scan3A_42 = arith.addi %scan3A_40, %scan3A_41 : i32
      %scan3A_43 = arith.constant 1 : i32
      scf.for %scan3A_45 = %scan3A_40 to %scan3A_42 step %scan3A_43  : i32 {
        %mul3A_46 = arith.constant 2 : i32
        %mul3A_47 = arith.muli %mul3A_46, %scan3A_45 : i32
        %add3A_48 = arith.constant 1 : i32
        %add3A_49 = arith.addi %mul3A_47, %add3A_48 : i32
        %dma_start3A_50 = arith.constant 0 : i32
        %dma_start3A_51 = tpu.memref_slice %arg7[%add3A_49, %dma_start3A_50] : memref<40x128xi32, #tpu.memory_space<vmem>> -> memref<1x128xi32, #tpu.memory_space<vmem>>
        %dma_start3A_52 = tpu.memref_squeeze %dma_start3A_51 : memref<1x128xi32, #tpu.memory_space<vmem>> -> memref<128xi32, #tpu.memory_space<vmem>>
        %dma_start3A_53 = arith.constant 0 : i32
        %dma_start3A_54 = arith.constant 0 : i32
        %dma_start3A_55 = tpu.memref_slice %arg2[%dma_start3A_53, %dma_start3A_54] : memref<10240x128xf32, #tpu.memory_space<hbm>> -> memref<10240x128xf32, #tpu.memory_space<hbm>>
        tpu.enqueue_indirect_dma source(%dma_start3A_55 : memref<10240x128xf32, #tpu.memory_space<hbm>>) target(%arg10 : memref<128x128xf32, #tpu.memory_space<vmem>>) offsets(%dma_start3A_52 : memref<128xi32, #tpu.memory_space<vmem>>) semaphore(%arg13 : memref<!tpu.dma_semaphore, #tpu.memory_space<semaphore_mem>>)
        %dma_wait3A = arith.constant 0 : i32
        %dma_wait3A_56 = tpu.memref_slice %arg7[%mul3A_47, %dma_wait3A] : memref<40x128xi32, #tpu.memory_space<vmem>> -> memref<1x128xi32, #tpu.memory_space<vmem>>
        %dma_wait3A_57 = tpu.memref_squeeze %dma_wait3A_56 : memref<1x128xi32, #tpu.memory_space<vmem>> -> memref<128xi32, #tpu.memory_space<vmem>>
        %dma_wait3A_58 = arith.constant 0 : i32
        %dma_wait3A_59 = arith.constant 0 : i32
        %dma_wait3A_60 = tpu.memref_slice %arg2[%dma_wait3A_58, %dma_wait3A_59] : memref<10240x128xf32, #tpu.memory_space<hbm>> -> memref<10240x128xf32, #tpu.memory_space<hbm>>
        tpu.wait_indirect_dma semaphore(%arg12 : memref<!tpu.dma_semaphore, #tpu.memory_space<semaphore_mem>>) src(%dma_wait3A_60 : memref<10240x128xf32, #tpu.memory_space<hbm>>) dst(%arg9 : memref<128x128xf32, #tpu.memory_space<vmem>>)
        "tpu.region"() ({
          %run_scoped3A = tpu.sem_alloc : memref<!tpu.dma_semaphore, #tpu.memory_space<semaphore_mem>>
          %dma_start3A_77 = arith.constant 0 : i32
          %dma_start3A_78 = tpu.memref_slice %arg8[%mul3A_47, %dma_start3A_77] : memref<40x128xi32, #tpu.memory_space<vmem>> -> memref<1x128xi32, #tpu.memory_space<vmem>>
          %dma_start3A_79 = tpu.memref_squeeze %dma_start3A_78 : memref<1x128xi32, #tpu.memory_space<vmem>> -> memref<128xi32, #tpu.memory_space<vmem>>
          %dma_start3A_80 = arith.constant 0 : i32
          %dma_start3A_81 = arith.constant 0 : i32
          %dma_start3A_82 = tpu.memref_slice %arg11[%dma_start3A_80, %dma_start3A_81] : memref<10240x128xf32, #tpu.memory_space<vmem_shared>> -> memref<10240x128xf32, #tpu.memory_space<vmem_shared>>
          tpu.enqueue_indirect_dma source(%arg9 : memref<128x128xf32, #tpu.memory_space<vmem>>) target(%dma_start3A_82 : memref<10240x128xf32, #tpu.memory_space<vmem_shared>>) offsets(%dma_start3A_79 : memref<128xi32, #tpu.memory_space<vmem>>) semaphore(%run_scoped3A : memref<!tpu.dma_semaphore, #tpu.memory_space<semaphore_mem>>) {add = true}
          %dma_wait3A_83 = arith.constant 0 : i32
          %dma_wait3A_84 = tpu.memref_slice %arg8[%mul3A_47, %dma_wait3A_83] : memref<40x128xi32, #tpu.memory_space<vmem>> -> memref<1x128xi32, #tpu.memory_space<vmem>>
          %dma_wait3A_85 = tpu.memref_squeeze %dma_wait3A_84 : memref<1x128xi32, #tpu.memory_space<vmem>> -> memref<128xi32, #tpu.memory_space<vmem>>
          %dma_wait3A_86 = arith.constant 0 : i32
          %dma_wait3A_87 = arith.constant 0 : i32
          %dma_wait3A_88 = tpu.memref_slice %arg11[%dma_wait3A_86, %dma_wait3A_87] : memref<10240x128xf32, #tpu.memory_space<vmem_shared>> -> memref<10240x128xf32, #tpu.memory_space<vmem_shared>>
          tpu.wait_indirect_dma semaphore(%run_scoped3A : memref<!tpu.dma_semaphore, #tpu.memory_space<semaphore_mem>>) src(%arg9 : memref<128x128xf32, #tpu.memory_space<vmem>>) dst(%dma_wait3A_88 : memref<10240x128xf32, #tpu.memory_space<vmem_shared>>)
          tpu.yield
        }) : () -> ()
        %add3A_61 = arith.constant 2 : i32
        %add3A_62 = arith.addi %mul3A_47, %add3A_61 : i32
        %lt3A = arith.constant 40 : i32
        %lt3A_63 = arith.cmpi slt, %add3A_62, %lt3A : i32
        %convert_element_type3A_64 = arith.extui %lt3A_63 : i1 to i32
        %cond3A_65 = arith.constant 0 : i32
        %cond3A_66 = arith.cmpi ne, %convert_element_type3A_64, %cond3A_65 : i32
        scf.if %cond3A_66 {
          %add3A_77 = arith.constant 2 : i32
          %add3A_78 = arith.addi %mul3A_47, %add3A_77 : i32
          %dma_start3A_79 = arith.constant 0 : i32
          %dma_start3A_80 = tpu.memref_slice %arg7[%add3A_78, %dma_start3A_79] : memref<40x128xi32, #tpu.memory_space<vmem>> -> memref<1x128xi32, #tpu.memory_space<vmem>>
          %dma_start3A_81 = tpu.memref_squeeze %dma_start3A_80 : memref<1x128xi32, #tpu.memory_space<vmem>> -> memref<128xi32, #tpu.memory_space<vmem>>
          %dma_start3A_82 = arith.constant 0 : i32
          %dma_start3A_83 = arith.constant 0 : i32
          %dma_start3A_84 = tpu.memref_slice %arg2[%dma_start3A_82, %dma_start3A_83] : memref<10240x128xf32, #tpu.memory_space<hbm>> -> memref<10240x128xf32, #tpu.memory_space<hbm>>
          tpu.enqueue_indirect_dma source(%dma_start3A_84 : memref<10240x128xf32, #tpu.memory_space<hbm>>) target(%arg9 : memref<128x128xf32, #tpu.memory_space<vmem>>) offsets(%dma_start3A_81 : memref<128xi32, #tpu.memory_space<vmem>>) semaphore(%arg12 : memref<!tpu.dma_semaphore, #tpu.memory_space<semaphore_mem>>)
        } else {
        }
        %add3A_67 = arith.constant 1 : i32
        %add3A_68 = arith.addi %mul3A_47, %add3A_67 : i32
        %dma_wait3A_69 = arith.constant 0 : i32
        %dma_wait3A_70 = tpu.memref_slice %arg7[%add3A_68, %dma_wait3A_69] : memref<40x128xi32, #tpu.memory_space<vmem>> -> memref<1x128xi32, #tpu.memory_space<vmem>>
        %dma_wait3A_71 = tpu.memref_squeeze %dma_wait3A_70 : memref<1x128xi32, #tpu.memory_space<vmem>> -> memref<128xi32, #tpu.memory_space<vmem>>
        %dma_wait3A_72 = arith.constant 0 : i32
        %dma_wait3A_73 = arith.constant 0 : i32
        %dma_wait3A_74 = tpu.memref_slice %arg2[%dma_wait3A_72, %dma_wait3A_73] : memref<10240x128xf32, #tpu.memory_space<hbm>> -> memref<10240x128xf32, #tpu.memory_space<hbm>>
        tpu.wait_indirect_dma semaphore(%arg13 : memref<!tpu.dma_semaphore, #tpu.memory_space<semaphore_mem>>) src(%dma_wait3A_74 : memref<10240x128xf32, #tpu.memory_space<hbm>>) dst(%arg10 : memref<128x128xf32, #tpu.memory_space<vmem>>)
        %add3A_75 = arith.constant 1 : i32
        %add3A_76 = arith.addi %mul3A_47, %add3A_75 : i32
        "tpu.region"() ({
          %run_scoped3A = tpu.sem_alloc : memref<!tpu.dma_semaphore, #tpu.memory_space<semaphore_mem>>
          %dma_start3A_77 = arith.constant 0 : i32
          %dma_start3A_78 = tpu.memref_slice %arg8[%add3A_76, %dma_start3A_77] : memref<40x128xi32, #tpu.memory_space<vmem>> -> memref<1x128xi32, #tpu.memory_space<vmem>>
          %dma_start3A_79 = tpu.memref_squeeze %dma_start3A_78 : memref<1x128xi32, #tpu.memory_space<vmem>> -> memref<128xi32, #tpu.memory_space<vmem>>
          %dma_start3A_80 = arith.constant 0 : i32
          %dma_start3A_81 = arith.constant 0 : i32
          %dma_start3A_82 = tpu.memref_slice %arg11[%dma_start3A_80, %dma_start3A_81] : memref<10240x128xf32, #tpu.memory_space<vmem_shared>> -> memref<10240x128xf32, #tpu.memory_space<vmem_shared>>
          tpu.enqueue_indirect_dma source(%arg10 : memref<128x128xf32, #tpu.memory_space<vmem>>) target(%dma_start3A_82 : memref<10240x128xf32, #tpu.memory_space<vmem_shared>>) offsets(%dma_start3A_79 : memref<128xi32, #tpu.memory_space<vmem>>) semaphore(%run_scoped3A : memref<!tpu.dma_semaphore, #tpu.memory_space<semaphore_mem>>) {add = true}
          %dma_wait3A_83 = arith.constant 0 : i32
          %dma_wait3A_84 = tpu.memref_slice %arg8[%add3A_76, %dma_wait3A_83] : memref<40x128xi32, #tpu.memory_space<vmem>> -> memref<1x128xi32, #tpu.memory_space<vmem>>
          %dma_wait3A_85 = tpu.memref_squeeze %dma_wait3A_84 : memref<1x128xi32, #tpu.memory_space<vmem>> -> memref<128xi32, #tpu.memory_space<vmem>>
          %dma_wait3A_86 = arith.constant 0 : i32
          %dma_wait3A_87 = arith.constant 0 : i32
          %dma_wait3A_88 = tpu.memref_slice %arg11[%dma_wait3A_86, %dma_wait3A_87] : memref<10240x128xf32, #tpu.memory_space<vmem_shared>> -> memref<10240x128xf32, #tpu.memory_space<vmem_shared>>
          tpu.wait_indirect_dma semaphore(%run_scoped3A : memref<!tpu.dma_semaphore, #tpu.memory_space<semaphore_mem>>) src(%arg10 : memref<128x128xf32, #tpu.memory_space<vmem>>) dst(%dma_wait3A_88 : memref<10240x128xf32, #tpu.memory_space<vmem_shared>>)
          tpu.yield
        }) : () -> ()
      }
      %scan3A_44 = arith.constant 20 : i32
    } else {
    }
    %gt3A_20 = arith.constant 80 : i32
    %gt3A_21 = arith.cmpi sgt, %select_n3A, %gt3A_20 : i32
    %convert_element_type3A_22 = arith.extui %gt3A_21 : i1 to i32
    %cond3A_23 = arith.constant 0 : i32
    %cond3A_24 = arith.cmpi ne, %convert_element_type3A_22, %cond3A_23 : i32
    scf.if %cond3A_24 {
      %add3A_30 = arith.constant 80 : i32
      %add3A_31 = arith.addi %select_n3A_12, %add3A_30 : i32
      "tpu.region"() ({
        %run_scoped3A = tpu.sem_alloc : memref<!tpu.dma_semaphore, #tpu.memory_space<semaphore_mem>>
        %dma_start3A_45 = arith.constant 0 : i32
        %dma_start3A_46 = tpu.memref_slice %arg3[%add3A_31, %dma_start3A_45] : memref<2560x128xi32, #tpu.memory_space<hbm>> -> memref<40x128xi32, #tpu.memory_space<hbm>>
        %dma_start3A_47 = arith.constant 0 : i32
        %dma_start3A_48 = tpu.memref_slice %arg3[%add3A_31, %dma_start3A_47] : memref<2560x128xi32, #tpu.memory_space<hbm>> -> memref<40x128xi32, #tpu.memory_space<hbm>>
        tpu.enqueue_dma source(%dma_start3A_48 : memref<40x128xi32, #tpu.memory_space<hbm>>) target(%arg7 : memref<40x128xi32, #tpu.memory_space<vmem>>) target_semaphore(%run_scoped3A : memref<!tpu.dma_semaphore, #tpu.memory_space<semaphore_mem>>)
        %dma_wait3A = arith.constant 0 : i32
        %dma_wait3A_49 = tpu.memref_slice %arg3[%add3A_31, %dma_wait3A] : memref<2560x128xi32, #tpu.memory_space<hbm>> -> memref<40x128xi32, #tpu.memory_space<hbm>>
        %dma_wait3A_50 = arith.constant 0 : i32
        %dma_wait3A_51 = tpu.memref_slice %arg3[%add3A_31, %dma_wait3A_50] : memref<2560x128xi32, #tpu.memory_space<hbm>> -> memref<40x128xi32, #tpu.memory_space<hbm>>
        tpu.wait_dma2 semaphore(%run_scoped3A : memref<!tpu.dma_semaphore, #tpu.memory_space<semaphore_mem>>) src(%dma_wait3A_51 : memref<40x128xi32, #tpu.memory_space<hbm>>) dst(%arg7 : memref<40x128xi32, #tpu.memory_space<vmem>>)
        tpu.yield
      }) : () -> ()
      %add3A_32 = arith.constant 80 : i32
      %add3A_33 = arith.addi %select_n3A_12, %add3A_32 : i32
      "tpu.region"() ({
        %run_scoped3A = tpu.sem_alloc : memref<!tpu.dma_semaphore, #tpu.memory_space<semaphore_mem>>
        %dma_start3A_45 = arith.constant 0 : i32
        %dma_start3A_46 = tpu.memref_slice %arg4[%add3A_33, %dma_start3A_45] : memref<2560x128xi32, #tpu.memory_space<hbm>> -> memref<40x128xi32, #tpu.memory_space<hbm>>
        %dma_start3A_47 = arith.constant 0 : i32
        %dma_start3A_48 = tpu.memref_slice %arg4[%add3A_33, %dma_start3A_47] : memref<2560x128xi32, #tpu.memory_space<hbm>> -> memref<40x128xi32, #tpu.memory_space<hbm>>
        tpu.enqueue_dma source(%dma_start3A_48 : memref<40x128xi32, #tpu.memory_space<hbm>>) target(%arg8 : memref<40x128xi32, #tpu.memory_space<vmem>>) target_semaphore(%run_scoped3A : memref<!tpu.dma_semaphore, #tpu.memory_space<semaphore_mem>>)
        %dma_wait3A = arith.constant 0 : i32
        %dma_wait3A_49 = tpu.memref_slice %arg4[%add3A_33, %dma_wait3A] : memref<2560x128xi32, #tpu.memory_space<hbm>> -> memref<40x128xi32, #tpu.memory_space<hbm>>
        %dma_wait3A_50 = arith.constant 0 : i32
        %dma_wait3A_51 = tpu.memref_slice %arg4[%add3A_33, %dma_wait3A_50] : memref<2560x128xi32, #tpu.memory_space<hbm>> -> memref<40x128xi32, #tpu.memory_space<hbm>>
        tpu.wait_dma2 semaphore(%run_scoped3A : memref<!tpu.dma_semaphore, #tpu.memory_space<semaphore_mem>>) src(%dma_wait3A_51 : memref<40x128xi32, #tpu.memory_space<hbm>>) dst(%arg8 : memref<40x128xi32, #tpu.memory_space<vmem>>)
        tpu.yield
      }) : () -> ()
      %dma_start3A = arith.constant 0 : i32
      %dma_start3A_34 = arith.constant 0 : i32
      %dma_start3A_35 = tpu.memref_slice %arg7[%dma_start3A, %dma_start3A_34] : memref<40x128xi32, #tpu.memory_space<vmem>> -> memref<1x128xi32, #tpu.memory_space<vmem>>
      %dma_start3A_36 = tpu.memref_squeeze %dma_start3A_35 : memref<1x128xi32, #tpu.memory_space<vmem>> -> memref<128xi32, #tpu.memory_space<vmem>>
      %dma_start3A_37 = arith.constant 0 : i32
      %dma_start3A_38 = arith.constant 0 : i32
      %dma_start3A_39 = tpu.memref_slice %arg2[%dma_start3A_37, %dma_start3A_38] : memref<10240x128xf32, #tpu.memory_space<hbm>> -> memref<10240x128xf32, #tpu.memory_space<hbm>>
      tpu.enqueue_indirect_dma source(%dma_start3A_39 : memref<10240x128xf32, #tpu.memory_space<hbm>>) target(%arg9 : memref<128x128xf32, #tpu.memory_space<vmem>>) offsets(%dma_start3A_36 : memref<128xi32, #tpu.memory_space<vmem>>) semaphore(%arg12 : memref<!tpu.dma_semaphore, #tpu.memory_space<semaphore_mem>>)
      %scan3A = arith.constant 0 : i32
      %scan3A_40 = arith.constant 0 : i32
      %scan3A_41 = arith.constant 20 : i32
      %scan3A_42 = arith.addi %scan3A_40, %scan3A_41 : i32
      %scan3A_43 = arith.constant 1 : i32
      scf.for %scan3A_45 = %scan3A_40 to %scan3A_42 step %scan3A_43  : i32 {
        %mul3A_46 = arith.constant 2 : i32
        %mul3A_47 = arith.muli %mul3A_46, %scan3A_45 : i32
        %add3A_48 = arith.constant 1 : i32
        %add3A_49 = arith.addi %mul3A_47, %add3A_48 : i32
        %dma_start3A_50 = arith.constant 0 : i32
        %dma_start3A_51 = tpu.memref_slice %arg7[%add3A_49, %dma_start3A_50] : memref<40x128xi32, #tpu.memory_space<vmem>> -> memref<1x128xi32, #tpu.memory_space<vmem>>
        %dma_start3A_52 = tpu.memref_squeeze %dma_start3A_51 : memref<1x128xi32, #tpu.memory_space<vmem>> -> memref<128xi32, #tpu.memory_space<vmem>>
        %dma_start3A_53 = arith.constant 0 : i32
        %dma_start3A_54 = arith.constant 0 : i32
        %dma_start3A_55 = tpu.memref_slice %arg2[%dma_start3A_53, %dma_start3A_54] : memref<10240x128xf32, #tpu.memory_space<hbm>> -> memref<10240x128xf32, #tpu.memory_space<hbm>>
        tpu.enqueue_indirect_dma source(%dma_start3A_55 : memref<10240x128xf32, #tpu.memory_space<hbm>>) target(%arg10 : memref<128x128xf32, #tpu.memory_space<vmem>>) offsets(%dma_start3A_52 : memref<128xi32, #tpu.memory_space<vmem>>) semaphore(%arg13 : memref<!tpu.dma_semaphore, #tpu.memory_space<semaphore_mem>>)
        %dma_wait3A = arith.constant 0 : i32
        %dma_wait3A_56 = tpu.memref_slice %arg7[%mul3A_47, %dma_wait3A] : memref<40x128xi32, #tpu.memory_space<vmem>> -> memref<1x128xi32, #tpu.memory_space<vmem>>
        %dma_wait3A_57 = tpu.memref_squeeze %dma_wait3A_56 : memref<1x128xi32, #tpu.memory_space<vmem>> -> memref<128xi32, #tpu.memory_space<vmem>>
        %dma_wait3A_58 = arith.constant 0 : i32
        %dma_wait3A_59 = arith.constant 0 : i32
        %dma_wait3A_60 = tpu.memref_slice %arg2[%dma_wait3A_58, %dma_wait3A_59] : memref<10240x128xf32, #tpu.memory_space<hbm>> -> memref<10240x128xf32, #tpu.memory_space<hbm>>
        tpu.wait_indirect_dma semaphore(%arg12 : memref<!tpu.dma_semaphore, #tpu.memory_space<semaphore_mem>>) src(%dma_wait3A_60 : memref<10240x128xf32, #tpu.memory_space<hbm>>) dst(%arg9 : memref<128x128xf32, #tpu.memory_space<vmem>>)
        "tpu.region"() ({
          %run_scoped3A = tpu.sem_alloc : memref<!tpu.dma_semaphore, #tpu.memory_space<semaphore_mem>>
          %dma_start3A_77 = arith.constant 0 : i32
          %dma_start3A_78 = tpu.memref_slice %arg8[%mul3A_47, %dma_start3A_77] : memref<40x128xi32, #tpu.memory_space<vmem>> -> memref<1x128xi32, #tpu.memory_space<vmem>>
          %dma_start3A_79 = tpu.memref_squeeze %dma_start3A_78 : memref<1x128xi32, #tpu.memory_space<vmem>> -> memref<128xi32, #tpu.memory_space<vmem>>
          %dma_start3A_80 = arith.constant 0 : i32
          %dma_start3A_81 = arith.constant 0 : i32
          %dma_start3A_82 = tpu.memref_slice %arg11[%dma_start3A_80, %dma_start3A_81] : memref<10240x128xf32, #tpu.memory_space<vmem_shared>> -> memref<10240x128xf32, #tpu.memory_space<vmem_shared>>
          tpu.enqueue_indirect_dma source(%arg9 : memref<128x128xf32, #tpu.memory_space<vmem>>) target(%dma_start3A_82 : memref<10240x128xf32, #tpu.memory_space<vmem_shared>>) offsets(%dma_start3A_79 : memref<128xi32, #tpu.memory_space<vmem>>) semaphore(%run_scoped3A : memref<!tpu.dma_semaphore, #tpu.memory_space<semaphore_mem>>) {add = true}
          %dma_wait3A_83 = arith.constant 0 : i32
          %dma_wait3A_84 = tpu.memref_slice %arg8[%mul3A_47, %dma_wait3A_83] : memref<40x128xi32, #tpu.memory_space<vmem>> -> memref<1x128xi32, #tpu.memory_space<vmem>>
          %dma_wait3A_85 = tpu.memref_squeeze %dma_wait3A_84 : memref<1x128xi32, #tpu.memory_space<vmem>> -> memref<128xi32, #tpu.memory_space<vmem>>
          %dma_wait3A_86 = arith.constant 0 : i32
          %dma_wait3A_87 = arith.constant 0 : i32
          %dma_wait3A_88 = tpu.memref_slice %arg11[%dma_wait3A_86, %dma_wait3A_87] : memref<10240x128xf32, #tpu.memory_space<vmem_shared>> -> memref<10240x128xf32, #tpu.memory_space<vmem_shared>>
          tpu.wait_indirect_dma semaphore(%run_scoped3A : memref<!tpu.dma_semaphore, #tpu.memory_space<semaphore_mem>>) src(%arg9 : memref<128x128xf32, #tpu.memory_space<vmem>>) dst(%dma_wait3A_88 : memref<10240x128xf32, #tpu.memory_space<vmem_shared>>)
          tpu.yield
        }) : () -> ()
        %add3A_61 = arith.constant 2 : i32
        %add3A_62 = arith.addi %mul3A_47, %add3A_61 : i32
        %lt3A = arith.constant 40 : i32
        %lt3A_63 = arith.cmpi slt, %add3A_62, %lt3A : i32
        %convert_element_type3A_64 = arith.extui %lt3A_63 : i1 to i32
        %cond3A_65 = arith.constant 0 : i32
        %cond3A_66 = arith.cmpi ne, %convert_element_type3A_64, %cond3A_65 : i32
        scf.if %cond3A_66 {
          %add3A_77 = arith.constant 2 : i32
          %add3A_78 = arith.addi %mul3A_47, %add3A_77 : i32
          %dma_start3A_79 = arith.constant 0 : i32
          %dma_start3A_80 = tpu.memref_slice %arg7[%add3A_78, %dma_start3A_79] : memref<40x128xi32, #tpu.memory_space<vmem>> -> memref<1x128xi32, #tpu.memory_space<vmem>>
          %dma_start3A_81 = tpu.memref_squeeze %dma_start3A_80 : memref<1x128xi32, #tpu.memory_space<vmem>> -> memref<128xi32, #tpu.memory_space<vmem>>
          %dma_start3A_82 = arith.constant 0 : i32
          %dma_start3A_83 = arith.constant 0 : i32
          %dma_start3A_84 = tpu.memref_slice %arg2[%dma_start3A_82, %dma_start3A_83] : memref<10240x128xf32, #tpu.memory_space<hbm>> -> memref<10240x128xf32, #tpu.memory_space<hbm>>
          tpu.enqueue_indirect_dma source(%dma_start3A_84 : memref<10240x128xf32, #tpu.memory_space<hbm>>) target(%arg9 : memref<128x128xf32, #tpu.memory_space<vmem>>) offsets(%dma_start3A_81 : memref<128xi32, #tpu.memory_space<vmem>>) semaphore(%arg12 : memref<!tpu.dma_semaphore, #tpu.memory_space<semaphore_mem>>)
        } else {
        }
        %add3A_67 = arith.constant 1 : i32
        %add3A_68 = arith.addi %mul3A_47, %add3A_67 : i32
        %dma_wait3A_69 = arith.constant 0 : i32
        %dma_wait3A_70 = tpu.memref_slice %arg7[%add3A_68, %dma_wait3A_69] : memref<40x128xi32, #tpu.memory_space<vmem>> -> memref<1x128xi32, #tpu.memory_space<vmem>>
        %dma_wait3A_71 = tpu.memref_squeeze %dma_wait3A_70 : memref<1x128xi32, #tpu.memory_space<vmem>> -> memref<128xi32, #tpu.memory_space<vmem>>
        %dma_wait3A_72 = arith.constant 0 : i32
        %dma_wait3A_73 = arith.constant 0 : i32
        %dma_wait3A_74 = tpu.memref_slice %arg2[%dma_wait3A_72, %dma_wait3A_73] : memref<10240x128xf32, #tpu.memory_space<hbm>> -> memref<10240x128xf32, #tpu.memory_space<hbm>>
        tpu.wait_indirect_dma semaphore(%arg13 : memref<!tpu.dma_semaphore, #tpu.memory_space<semaphore_mem>>) src(%dma_wait3A_74 : memref<10240x128xf32, #tpu.memory_space<hbm>>) dst(%arg10 : memref<128x128xf32, #tpu.memory_space<vmem>>)
        %add3A_75 = arith.constant 1 : i32
        %add3A_76 = arith.addi %mul3A_47, %add3A_75 : i32
        "tpu.region"() ({
          %run_scoped3A = tpu.sem_alloc : memref<!tpu.dma_semaphore, #tpu.memory_space<semaphore_mem>>
          %dma_start3A_77 = arith.constant 0 : i32
          %dma_start3A_78 = tpu.memref_slice %arg8[%add3A_76, %dma_start3A_77] : memref<40x128xi32, #tpu.memory_space<vmem>> -> memref<1x128xi32, #tpu.memory_space<vmem>>
          %dma_start3A_79 = tpu.memref_squeeze %dma_start3A_78 : memref<1x128xi32, #tpu.memory_space<vmem>> -> memref<128xi32, #tpu.memory_space<vmem>>
          %dma_start3A_80 = arith.constant 0 : i32
          %dma_start3A_81 = arith.constant 0 : i32
          %dma_start3A_82 = tpu.memref_slice %arg11[%dma_start3A_80, %dma_start3A_81] : memref<10240x128xf32, #tpu.memory_space<vmem_shared>> -> memref<10240x128xf32, #tpu.memory_space<vmem_shared>>
          tpu.enqueue_indirect_dma source(%arg10 : memref<128x128xf32, #tpu.memory_space<vmem>>) target(%dma_start3A_82 : memref<10240x128xf32, #tpu.memory_space<vmem_shared>>) offsets(%dma_start3A_79 : memref<128xi32, #tpu.memory_space<vmem>>) semaphore(%run_scoped3A : memref<!tpu.dma_semaphore, #tpu.memory_space<semaphore_mem>>) {add = true}
          %dma_wait3A_83 = arith.constant 0 : i32
          %dma_wait3A_84 = tpu.memref_slice %arg8[%add3A_76, %dma_wait3A_83] : memref<40x128xi32, #tpu.memory_space<vmem>> -> memref<1x128xi32, #tpu.memory_space<vmem>>
          %dma_wait3A_85 = tpu.memref_squeeze %dma_wait3A_84 : memref<1x128xi32, #tpu.memory_space<vmem>> -> memref<128xi32, #tpu.memory_space<vmem>>
          %dma_wait3A_86 = arith.constant 0 : i32
          %dma_wait3A_87 = arith.constant 0 : i32
          %dma_wait3A_88 = tpu.memref_slice %arg11[%dma_wait3A_86, %dma_wait3A_87] : memref<10240x128xf32, #tpu.memory_space<vmem_shared>> -> memref<10240x128xf32, #tpu.memory_space<vmem_shared>>
          tpu.wait_indirect_dma semaphore(%run_scoped3A : memref<!tpu.dma_semaphore, #tpu.memory_space<semaphore_mem>>) src(%arg10 : memref<128x128xf32, #tpu.memory_space<vmem>>) dst(%dma_wait3A_88 : memref<10240x128xf32, #tpu.memory_space<vmem_shared>>)
          tpu.yield
        }) : () -> ()
      }
      %scan3A_44 = arith.constant 20 : i32
    } else {
    }
    %barrier3A_25 = arith.constant 0 : index
    tpu.barrier barrier_id(%barrier3A_25)
    %mul3A_26 = arith.constant 640 : i32
    %mul3A_27 = arith.muli %arg1, %mul3A_26 : i32
    %mul3A_28 = arith.constant 640 : i32
    %mul3A_29 = arith.muli %arg1, %mul3A_28 : i32
    "tpu.region"() ({
      %run_scoped3A = tpu.sem_alloc : memref<!tpu.dma_semaphore, #tpu.memory_space<semaphore_mem>>
      %dma_start3A = arith.constant 0 : i32
      %dma_start3A_30 = tpu.memref_slice %arg6[%arg0, %mul3A_29, %dma_start3A] : memref<2x10240x128xf32, #tpu.memory_space<hbm>> -> memref<1x640x128xf32, #tpu.memory_space<hbm>>
      %dma_start3A_31 = tpu.memref_squeeze %dma_start3A_30 : memref<1x640x128xf32, #tpu.memory_space<hbm>> -> memref<640x128xf32, #tpu.memory_space<hbm>>
      %dma_start3A_32 = arith.constant 0 : i32
      %dma_start3A_33 = tpu.memref_slice %arg11[%mul3A_27, %dma_start3A_32] : memref<10240x128xf32, #tpu.memory_space<vmem_shared>> -> memref<640x128xf32, #tpu.memory_space<vmem_shared>>
      tpu.enqueue_dma source(%dma_start3A_33 : memref<640x128xf32, #tpu.memory_space<vmem_shared>>) target(%dma_start3A_31 : memref<640x128xf32, #tpu.memory_space<hbm>>) target_semaphore(%run_scoped3A : memref<!tpu.dma_semaphore, #tpu.memory_space<semaphore_mem>>)
      %dma_wait3A = arith.constant 0 : i32
      %dma_wait3A_34 = tpu.memref_slice %arg6[%arg0, %mul3A_29, %dma_wait3A] : memref<2x10240x128xf32, #tpu.memory_space<hbm>> -> memref<1x640x128xf32, #tpu.memory_space<hbm>>
      %dma_wait3A_35 = tpu.memref_squeeze %dma_wait3A_34 : memref<1x640x128xf32, #tpu.memory_space<hbm>> -> memref<640x128xf32, #tpu.memory_space<hbm>>
      %dma_wait3A_36 = arith.constant 0 : i32
      %dma_wait3A_37 = tpu.memref_slice %arg11[%mul3A_27, %dma_wait3A_36] : memref<10240x128xf32, #tpu.memory_space<vmem_shared>> -> memref<640x128xf32, #tpu.memory_space<vmem_shared>>
      tpu.wait_dma2 semaphore(%run_scoped3A : memref<!tpu.dma_semaphore, #tpu.memory_space<semaphore_mem>>) src(%dma_wait3A_37 : memref<640x128xf32, #tpu.memory_space<vmem_shared>>) dst(%dma_wait3A_35 : memref<640x128xf32, #tpu.memory_space<hbm>>)
      tpu.yield
    }) : () -> ()
    return
  }
}

#map = affine_map<(d0, d1) -> (0, 0)>
#map1 = affine_map<(d0, d1) -> (0, 0, 0)>
module attributes {stable_mosaic.version = 14 : i64} {
  func.func @_scatter_kernel(%arg0: i32, %arg1: i32, %arg2: memref<10240x128xf32, #tpu.memory_space<hbm>>, %arg3: memref<2560x128xi32, #tpu.memory_space<hbm>>, %arg4: memref<2560x128xi32, #tpu.memory_space<hbm>>, %arg5: memref<10240x128xf32, #tpu.memory_space<hbm>>, %arg6: memref<2x10240x128xf32, #tpu.memory_space<hbm>>, %arg7: memref<40x128xi32, #tpu.memory_space<vmem>>, %arg8: memref<40x128xi32, #tpu.memory_space<vmem>>, %arg9: memref<128x128xf32, #tpu.memory_space<vmem>>, %arg10: memref<128x128xf32, #tpu.memory_space<vmem>>, %arg11: memref<10240x128xf32, #tpu.memory_space<vmem_shared>>, %arg12: memref<!tpu.dma_semaphore, #tpu.memory_space<semaphore_mem>>, %arg13: memref<!tpu.dma_semaphore, #tpu.memory_space<semaphore_mem>>) attributes {dimension_semantics = [#tpu.dimension_semantics<core_parallel>, #tpu.dimension_semantics<subcore_parallel>], iteration_bounds = array<i64: 2, 16>, scalar_prefetch = 0 : i64, scratch_operands = 7 : i64, tpu.core_type = #tpu.core_type<sc_vector_subcore>, window_params = [{transform_indices = #map}, {transform_indices = #map}, {transform_indices = #map}, {transform_indices = #map}, {transform_indices = #map1}]} {
    %mul3A = arith.constant 640 : i32
    %mul3A_0 = arith.muli %arg1, %mul3A : i32
    %mul3A_1 = arith.constant 640 : i32
    %mul3A_2 = arith.muli %arg1, %mul3A_1 : i32
    "tpu.region"() ({
      %run_scoped3A = tpu.sem_alloc : memref<!tpu.dma_semaphore, #tpu.memory_space<semaphore_mem>>
      %dma_start3A = arith.constant 0 : i32
      %dma_start3A_30 = tpu.memref_slice %arg11[%mul3A_2, %dma_start3A] : memref<10240x128xf32, #tpu.memory_space<vmem_shared>> -> memref<640x128xf32, #tpu.memory_space<vmem_shared>>
      %dma_start3A_31 = arith.constant 0 : i32
      %dma_start3A_32 = tpu.memref_slice %arg5[%mul3A_0, %dma_start3A_31] : memref<10240x128xf32, #tpu.memory_space<hbm>> -> memref<640x128xf32, #tpu.memory_space<hbm>>
      tpu.enqueue_dma source(%dma_start3A_32 : memref<640x128xf32, #tpu.memory_space<hbm>>) target(%dma_start3A_30 : memref<640x128xf32, #tpu.memory_space<vmem_shared>>) target_semaphore(%run_scoped3A : memref<!tpu.dma_semaphore, #tpu.memory_space<semaphore_mem>>)
      %dma_wait3A = arith.constant 0 : i32
      %dma_wait3A_33 = tpu.memref_slice %arg11[%mul3A_2, %dma_wait3A] : memref<10240x128xf32, #tpu.memory_space<vmem_shared>> -> memref<640x128xf32, #tpu.memory_space<vmem_shared>>
      %dma_wait3A_34 = arith.constant 0 : i32
      %dma_wait3A_35 = tpu.memref_slice %arg5[%mul3A_0, %dma_wait3A_34] : memref<10240x128xf32, #tpu.memory_space<hbm>> -> memref<640x128xf32, #tpu.memory_space<hbm>>
      tpu.wait_dma2 semaphore(%run_scoped3A : memref<!tpu.dma_semaphore, #tpu.memory_space<semaphore_mem>>) src(%dma_wait3A_35 : memref<640x128xf32, #tpu.memory_space<hbm>>) dst(%dma_wait3A_33 : memref<640x128xf32, #tpu.memory_space<vmem_shared>>)
      tpu.yield
    }) : () -> ()
    %barrier3A = arith.constant 0 : index
    tpu.barrier barrier_id(%barrier3A)
    %eq3A = arith.constant 0 : i32
    %eq3A_3 = arith.cmpi eq, %arg0, %eq3A : i32
    %jit3A = arith.constant 120 : i32
    %jit3A_4 = arith.constant 40 : i32
    %select_n3A = arith.select %eq3A_3, %jit3A, %jit3A_4 : i32
    %eq3A_5 = arith.constant 0 : i32
    %eq3A_6 = arith.cmpi eq, %arg0, %eq3A_5 : i32
    %mul3A_7 = arith.constant 120 : i32
    %mul3A_8 = arith.muli %arg1, %mul3A_7 : i32
    %mul3A_9 = arith.constant 40 : i32
    %mul3A_10 = arith.muli %arg1, %mul3A_9 : i32
    %add3A = arith.constant 1920 : i32
    %add3A_11 = arith.addi %add3A, %mul3A_10 : i32
    %select_n3A_12 = arith.select %eq3A_6, %mul3A_8, %add3A_11 : i32
    %gt3A = arith.constant 0 : i32
    %gt3A_13 = arith.cmpi sgt, %select_n3A, %gt3A : i32
    %convert_element_type3A = arith.extui %gt3A_13 : i1 to i32
    %cond3A = arith.constant 0 : i32
    %cond3A_14 = arith.cmpi ne, %convert_element_type3A, %cond3A : i32
    scf.if %cond3A_14 {
      %add3A_30 = arith.constant 0 : i32
      %add3A_31 = arith.addi %select_n3A_12, %add3A_30 : i32
      "tpu.region"() ({
        %run_scoped3A = tpu.sem_alloc : memref<!tpu.dma_semaphore, #tpu.memory_space<semaphore_mem>>
        %dma_start3A_45 = arith.constant 0 : i32
        %dma_start3A_46 = tpu.memref_slice %arg3[%add3A_31, %dma_start3A_45] : memref<2560x128xi32, #tpu.memory_space<hbm>> -> memref<40x128xi32, #tpu.memory_space<hbm>>
        %dma_start3A_47 = arith.constant 0 : i32
        %dma_start3A_48 = tpu.memref_slice %arg3[%add3A_31, %dma_start3A_47] : memref<2560x128xi32, #tpu.memory_space<hbm>> -> memref<40x128xi32, #tpu.memory_space<hbm>>
        tpu.enqueue_dma source(%dma_start3A_48 : memref<40x128xi32, #tpu.memory_space<hbm>>) target(%arg7 : memref<40x128xi32, #tpu.memory_space<vmem>>) target_semaphore(%run_scoped3A : memref<!tpu.dma_semaphore, #tpu.memory_space<semaphore_mem>>)
        %dma_wait3A = arith.constant 0 : i32
        %dma_wait3A_49 = tpu.memref_slice %arg3[%add3A_31, %dma_wait3A] : memref<2560x128xi32, #tpu.memory_space<hbm>> -> memref<40x128xi32, #tpu.memory_space<hbm>>
        %dma_wait3A_50 = arith.constant 0 : i32
        %dma_wait3A_51 = tpu.memref_slice %arg3[%add3A_31, %dma_wait3A_50] : memref<2560x128xi32, #tpu.memory_space<hbm>> -> memref<40x128xi32, #tpu.memory_space<hbm>>
        tpu.wait_dma2 semaphore(%run_scoped3A : memref<!tpu.dma_semaphore, #tpu.memory_space<semaphore_mem>>) src(%dma_wait3A_51 : memref<40x128xi32, #tpu.memory_space<hbm>>) dst(%arg7 : memref<40x128xi32, #tpu.memory_space<vmem>>)
        tpu.yield
      }) : () -> ()
      %add3A_32 = arith.constant 0 : i32
      %add3A_33 = arith.addi %select_n3A_12, %add3A_32 : i32
      "tpu.region"() ({
        %run_scoped3A = tpu.sem_alloc : memref<!tpu.dma_semaphore, #tpu.memory_space<semaphore_mem>>
        %dma_start3A_45 = arith.constant 0 : i32
        %dma_start3A_46 = tpu.memref_slice %arg4[%add3A_33, %dma_start3A_45] : memref<2560x128xi32, #tpu.memory_space<hbm>> -> memref<40x128xi32, #tpu.memory_space<hbm>>
        %dma_start3A_47 = arith.constant 0 : i32
        %dma_start3A_48 = tpu.memref_slice %arg4[%add3A_33, %dma_start3A_47] : memref<2560x128xi32, #tpu.memory_space<hbm>> -> memref<40x128xi32, #tpu.memory_space<hbm>>
        tpu.enqueue_dma source(%dma_start3A_48 : memref<40x128xi32, #tpu.memory_space<hbm>>) target(%arg8 : memref<40x128xi32, #tpu.memory_space<vmem>>) target_semaphore(%run_scoped3A : memref<!tpu.dma_semaphore, #tpu.memory_space<semaphore_mem>>)
        %dma_wait3A = arith.constant 0 : i32
        %dma_wait3A_49 = tpu.memref_slice %arg4[%add3A_33, %dma_wait3A] : memref<2560x128xi32, #tpu.memory_space<hbm>> -> memref<40x128xi32, #tpu.memory_space<hbm>>
        %dma_wait3A_50 = arith.constant 0 : i32
        %dma_wait3A_51 = tpu.memref_slice %arg4[%add3A_33, %dma_wait3A_50] : memref<2560x128xi32, #tpu.memory_space<hbm>> -> memref<40x128xi32, #tpu.memory_space<hbm>>
        tpu.wait_dma2 semaphore(%run_scoped3A : memref<!tpu.dma_semaphore, #tpu.memory_space<semaphore_mem>>) src(%dma_wait3A_51 : memref<40x128xi32, #tpu.memory_space<hbm>>) dst(%arg8 : memref<40x128xi32, #tpu.memory_space<vmem>>)
        tpu.yield
      }) : () -> ()
      %dma_start3A = arith.constant 0 : i32
      %dma_start3A_34 = arith.constant 0 : i32
      %dma_start3A_35 = tpu.memref_slice %arg7[%dma_start3A, %dma_start3A_34] : memref<40x128xi32, #tpu.memory_space<vmem>> -> memref<1x128xi32, #tpu.memory_space<vmem>>
      %dma_start3A_36 = tpu.memref_squeeze %dma_start3A_35 : memref<1x128xi32, #tpu.memory_space<vmem>> -> memref<128xi32, #tpu.memory_space<vmem>>
      %dma_start3A_37 = arith.constant 0 : i32
      %dma_start3A_38 = arith.constant 0 : i32
      %dma_start3A_39 = tpu.memref_slice %arg2[%dma_start3A_37, %dma_start3A_38] : memref<10240x128xf32, #tpu.memory_space<hbm>> -> memref<10240x128xf32, #tpu.memory_space<hbm>>
      tpu.enqueue_indirect_dma source(%dma_start3A_39 : memref<10240x128xf32, #tpu.memory_space<hbm>>) target(%arg9 : memref<128x128xf32, #tpu.memory_space<vmem>>) offsets(%dma_start3A_36 : memref<128xi32, #tpu.memory_space<vmem>>) semaphore(%arg12 : memref<!tpu.dma_semaphore, #tpu.memory_space<semaphore_mem>>)
      %scan3A = arith.constant 0 : i32
      %scan3A_40 = arith.constant 0 : i32
      %scan3A_41 = arith.constant 20 : i32
      %scan3A_42 = arith.addi %scan3A_40, %scan3A_41 : i32
      %scan3A_43 = arith.constant 1 : i32
      scf.for %scan3A_45 = %scan3A_40 to %scan3A_42 step %scan3A_43  : i32 {
        %mul3A_46 = arith.constant 2 : i32
        %mul3A_47 = arith.muli %mul3A_46, %scan3A_45 : i32
        %add3A_48 = arith.constant 1 : i32
        %add3A_49 = arith.addi %mul3A_47, %add3A_48 : i32
        %dma_start3A_50 = arith.constant 0 : i32
        %dma_start3A_51 = tpu.memref_slice %arg7[%add3A_49, %dma_start3A_50] : memref<40x128xi32, #tpu.memory_space<vmem>> -> memref<1x128xi32, #tpu.memory_space<vmem>>
        %dma_start3A_52 = tpu.memref_squeeze %dma_start3A_51 : memref<1x128xi32, #tpu.memory_space<vmem>> -> memref<128xi32, #tpu.memory_space<vmem>>
        %dma_start3A_53 = arith.constant 0 : i32
        %dma_start3A_54 = arith.constant 0 : i32
        %dma_start3A_55 = tpu.memref_slice %arg2[%dma_start3A_53, %dma_start3A_54] : memref<10240x128xf32, #tpu.memory_space<hbm>> -> memref<10240x128xf32, #tpu.memory_space<hbm>>
        tpu.enqueue_indirect_dma source(%dma_start3A_55 : memref<10240x128xf32, #tpu.memory_space<hbm>>) target(%arg10 : memref<128x128xf32, #tpu.memory_space<vmem>>) offsets(%dma_start3A_52 : memref<128xi32, #tpu.memory_space<vmem>>) semaphore(%arg13 : memref<!tpu.dma_semaphore, #tpu.memory_space<semaphore_mem>>)
        %dma_wait3A = arith.constant 0 : i32
        %dma_wait3A_56 = tpu.memref_slice %arg7[%mul3A_47, %dma_wait3A] : memref<40x128xi32, #tpu.memory_space<vmem>> -> memref<1x128xi32, #tpu.memory_space<vmem>>
        %dma_wait3A_57 = tpu.memref_squeeze %dma_wait3A_56 : memref<1x128xi32, #tpu.memory_space<vmem>> -> memref<128xi32, #tpu.memory_space<vmem>>
        %dma_wait3A_58 = arith.constant 0 : i32
        %dma_wait3A_59 = arith.constant 0 : i32
        %dma_wait3A_60 = tpu.memref_slice %arg2[%dma_wait3A_58, %dma_wait3A_59] : memref<10240x128xf32, #tpu.memory_space<hbm>> -> memref<10240x128xf32, #tpu.memory_space<hbm>>
        tpu.wait_indirect_dma semaphore(%arg12 : memref<!tpu.dma_semaphore, #tpu.memory_space<semaphore_mem>>) src(%dma_wait3A_60 : memref<10240x128xf32, #tpu.memory_space<hbm>>) dst(%arg9 : memref<128x128xf32, #tpu.memory_space<vmem>>)
        "tpu.region"() ({
          %run_scoped3A = tpu.sem_alloc : memref<!tpu.dma_semaphore, #tpu.memory_space<semaphore_mem>>
          %dma_start3A_77 = arith.constant 0 : i32
          %dma_start3A_78 = tpu.memref_slice %arg8[%mul3A_47, %dma_start3A_77] : memref<40x128xi32, #tpu.memory_space<vmem>> -> memref<1x128xi32, #tpu.memory_space<vmem>>
          %dma_start3A_79 = tpu.memref_squeeze %dma_start3A_78 : memref<1x128xi32, #tpu.memory_space<vmem>> -> memref<128xi32, #tpu.memory_space<vmem>>
          %dma_start3A_80 = arith.constant 0 : i32
          %dma_start3A_81 = arith.constant 0 : i32
          %dma_start3A_82 = tpu.memref_slice %arg11[%dma_start3A_80, %dma_start3A_81] : memref<10240x128xf32, #tpu.memory_space<vmem_shared>> -> memref<10240x128xf32, #tpu.memory_space<vmem_shared>>
          tpu.enqueue_indirect_dma source(%arg9 : memref<128x128xf32, #tpu.memory_space<vmem>>) target(%dma_start3A_82 : memref<10240x128xf32, #tpu.memory_space<vmem_shared>>) offsets(%dma_start3A_79 : memref<128xi32, #tpu.memory_space<vmem>>) semaphore(%run_scoped3A : memref<!tpu.dma_semaphore, #tpu.memory_space<semaphore_mem>>) {add = true}
          %dma_wait3A_83 = arith.constant 0 : i32
          %dma_wait3A_84 = tpu.memref_slice %arg8[%mul3A_47, %dma_wait3A_83] : memref<40x128xi32, #tpu.memory_space<vmem>> -> memref<1x128xi32, #tpu.memory_space<vmem>>
          %dma_wait3A_85 = tpu.memref_squeeze %dma_wait3A_84 : memref<1x128xi32, #tpu.memory_space<vmem>> -> memref<128xi32, #tpu.memory_space<vmem>>
          %dma_wait3A_86 = arith.constant 0 : i32
          %dma_wait3A_87 = arith.constant 0 : i32
          %dma_wait3A_88 = tpu.memref_slice %arg11[%dma_wait3A_86, %dma_wait3A_87] : memref<10240x128xf32, #tpu.memory_space<vmem_shared>> -> memref<10240x128xf32, #tpu.memory_space<vmem_shared>>
          tpu.wait_indirect_dma semaphore(%run_scoped3A : memref<!tpu.dma_semaphore, #tpu.memory_space<semaphore_mem>>) src(%arg9 : memref<128x128xf32, #tpu.memory_space<vmem>>) dst(%dma_wait3A_88 : memref<10240x128xf32, #tpu.memory_space<vmem_shared>>)
          tpu.yield
        }) : () -> ()
        %add3A_61 = arith.constant 2 : i32
        %add3A_62 = arith.addi %mul3A_47, %add3A_61 : i32
        %lt3A = arith.constant 40 : i32
        %lt3A_63 = arith.cmpi slt, %add3A_62, %lt3A : i32
        %convert_element_type3A_64 = arith.extui %lt3A_63 : i1 to i32
        %cond3A_65 = arith.constant 0 : i32
        %cond3A_66 = arith.cmpi ne, %convert_element_type3A_64, %cond3A_65 : i32
        scf.if %cond3A_66 {
          %add3A_77 = arith.constant 2 : i32
          %add3A_78 = arith.addi %mul3A_47, %add3A_77 : i32
          %dma_start3A_79 = arith.constant 0 : i32
          %dma_start3A_80 = tpu.memref_slice %arg7[%add3A_78, %dma_start3A_79] : memref<40x128xi32, #tpu.memory_space<vmem>> -> memref<1x128xi32, #tpu.memory_space<vmem>>
          %dma_start3A_81 = tpu.memref_squeeze %dma_start3A_80 : memref<1x128xi32, #tpu.memory_space<vmem>> -> memref<128xi32, #tpu.memory_space<vmem>>
          %dma_start3A_82 = arith.constant 0 : i32
          %dma_start3A_83 = arith.constant 0 : i32
          %dma_start3A_84 = tpu.memref_slice %arg2[%dma_start3A_82, %dma_start3A_83] : memref<10240x128xf32, #tpu.memory_space<hbm>> -> memref<10240x128xf32, #tpu.memory_space<hbm>>
          tpu.enqueue_indirect_dma source(%dma_start3A_84 : memref<10240x128xf32, #tpu.memory_space<hbm>>) target(%arg9 : memref<128x128xf32, #tpu.memory_space<vmem>>) offsets(%dma_start3A_81 : memref<128xi32, #tpu.memory_space<vmem>>) semaphore(%arg12 : memref<!tpu.dma_semaphore, #tpu.memory_space<semaphore_mem>>)
        } else {
        }
        %add3A_67 = arith.constant 1 : i32
        %add3A_68 = arith.addi %mul3A_47, %add3A_67 : i32
        %dma_wait3A_69 = arith.constant 0 : i32
        %dma_wait3A_70 = tpu.memref_slice %arg7[%add3A_68, %dma_wait3A_69] : memref<40x128xi32, #tpu.memory_space<vmem>> -> memref<1x128xi32, #tpu.memory_space<vmem>>
        %dma_wait3A_71 = tpu.memref_squeeze %dma_wait3A_70 : memref<1x128xi32, #tpu.memory_space<vmem>> -> memref<128xi32, #tpu.memory_space<vmem>>
        %dma_wait3A_72 = arith.constant 0 : i32
        %dma_wait3A_73 = arith.constant 0 : i32
        %dma_wait3A_74 = tpu.memref_slice %arg2[%dma_wait3A_72, %dma_wait3A_73] : memref<10240x128xf32, #tpu.memory_space<hbm>> -> memref<10240x128xf32, #tpu.memory_space<hbm>>
        tpu.wait_indirect_dma semaphore(%arg13 : memref<!tpu.dma_semaphore, #tpu.memory_space<semaphore_mem>>) src(%dma_wait3A_74 : memref<10240x128xf32, #tpu.memory_space<hbm>>) dst(%arg10 : memref<128x128xf32, #tpu.memory_space<vmem>>)
        %add3A_75 = arith.constant 1 : i32
        %add3A_76 = arith.addi %mul3A_47, %add3A_75 : i32
        "tpu.region"() ({
          %run_scoped3A = tpu.sem_alloc : memref<!tpu.dma_semaphore, #tpu.memory_space<semaphore_mem>>
          %dma_start3A_77 = arith.constant 0 : i32
          %dma_start3A_78 = tpu.memref_slice %arg8[%add3A_76, %dma_start3A_77] : memref<40x128xi32, #tpu.memory_space<vmem>> -> memref<1x128xi32, #tpu.memory_space<vmem>>
          %dma_start3A_79 = tpu.memref_squeeze %dma_start3A_78 : memref<1x128xi32, #tpu.memory_space<vmem>> -> memref<128xi32, #tpu.memory_space<vmem>>
          %dma_start3A_80 = arith.constant 0 : i32
          %dma_start3A_81 = arith.constant 0 : i32
          %dma_start3A_82 = tpu.memref_slice %arg11[%dma_start3A_80, %dma_start3A_81] : memref<10240x128xf32, #tpu.memory_space<vmem_shared>> -> memref<10240x128xf32, #tpu.memory_space<vmem_shared>>
          tpu.enqueue_indirect_dma source(%arg10 : memref<128x128xf32, #tpu.memory_space<vmem>>) target(%dma_start3A_82 : memref<10240x128xf32, #tpu.memory_space<vmem_shared>>) offsets(%dma_start3A_79 : memref<128xi32, #tpu.memory_space<vmem>>) semaphore(%run_scoped3A : memref<!tpu.dma_semaphore, #tpu.memory_space<semaphore_mem>>) {add = true}
          %dma_wait3A_83 = arith.constant 0 : i32
          %dma_wait3A_84 = tpu.memref_slice %arg8[%add3A_76, %dma_wait3A_83] : memref<40x128xi32, #tpu.memory_space<vmem>> -> memref<1x128xi32, #tpu.memory_space<vmem>>
          %dma_wait3A_85 = tpu.memref_squeeze %dma_wait3A_84 : memref<1x128xi32, #tpu.memory_space<vmem>> -> memref<128xi32, #tpu.memory_space<vmem>>
          %dma_wait3A_86 = arith.constant 0 : i32
          %dma_wait3A_87 = arith.constant 0 : i32
          %dma_wait3A_88 = tpu.memref_slice %arg11[%dma_wait3A_86, %dma_wait3A_87] : memref<10240x128xf32, #tpu.memory_space<vmem_shared>> -> memref<10240x128xf32, #tpu.memory_space<vmem_shared>>
          tpu.wait_indirect_dma semaphore(%run_scoped3A : memref<!tpu.dma_semaphore, #tpu.memory_space<semaphore_mem>>) src(%arg10 : memref<128x128xf32, #tpu.memory_space<vmem>>) dst(%dma_wait3A_88 : memref<10240x128xf32, #tpu.memory_space<vmem_shared>>)
          tpu.yield
        }) : () -> ()
      }
      %scan3A_44 = arith.constant 20 : i32
    } else {
    }
    %gt3A_15 = arith.constant 40 : i32
    %gt3A_16 = arith.cmpi sgt, %select_n3A, %gt3A_15 : i32
    %convert_element_type3A_17 = arith.extui %gt3A_16 : i1 to i32
    %cond3A_18 = arith.constant 0 : i32
    %cond3A_19 = arith.cmpi ne, %convert_element_type3A_17, %cond3A_18 : i32
    scf.if %cond3A_19 {
      %add3A_30 = arith.constant 40 : i32
      %add3A_31 = arith.addi %select_n3A_12, %add3A_30 : i32
      "tpu.region"() ({
        %run_scoped3A = tpu.sem_alloc : memref<!tpu.dma_semaphore, #tpu.memory_space<semaphore_mem>>
        %dma_start3A_45 = arith.constant 0 : i32
        %dma_start3A_46 = tpu.memref_slice %arg3[%add3A_31, %dma_start3A_45] : memref<2560x128xi32, #tpu.memory_space<hbm>> -> memref<40x128xi32, #tpu.memory_space<hbm>>
        %dma_start3A_47 = arith.constant 0 : i32
        %dma_start3A_48 = tpu.memref_slice %arg3[%add3A_31, %dma_start3A_47] : memref<2560x128xi32, #tpu.memory_space<hbm>> -> memref<40x128xi32, #tpu.memory_space<hbm>>
        tpu.enqueue_dma source(%dma_start3A_48 : memref<40x128xi32, #tpu.memory_space<hbm>>) target(%arg7 : memref<40x128xi32, #tpu.memory_space<vmem>>) target_semaphore(%run_scoped3A : memref<!tpu.dma_semaphore, #tpu.memory_space<semaphore_mem>>)
        %dma_wait3A = arith.constant 0 : i32
        %dma_wait3A_49 = tpu.memref_slice %arg3[%add3A_31, %dma_wait3A] : memref<2560x128xi32, #tpu.memory_space<hbm>> -> memref<40x128xi32, #tpu.memory_space<hbm>>
        %dma_wait3A_50 = arith.constant 0 : i32
        %dma_wait3A_51 = tpu.memref_slice %arg3[%add3A_31, %dma_wait3A_50] : memref<2560x128xi32, #tpu.memory_space<hbm>> -> memref<40x128xi32, #tpu.memory_space<hbm>>
        tpu.wait_dma2 semaphore(%run_scoped3A : memref<!tpu.dma_semaphore, #tpu.memory_space<semaphore_mem>>) src(%dma_wait3A_51 : memref<40x128xi32, #tpu.memory_space<hbm>>) dst(%arg7 : memref<40x128xi32, #tpu.memory_space<vmem>>)
        tpu.yield
      }) : () -> ()
      %add3A_32 = arith.constant 40 : i32
      %add3A_33 = arith.addi %select_n3A_12, %add3A_32 : i32
      "tpu.region"() ({
        %run_scoped3A = tpu.sem_alloc : memref<!tpu.dma_semaphore, #tpu.memory_space<semaphore_mem>>
        %dma_start3A_45 = arith.constant 0 : i32
        %dma_start3A_46 = tpu.memref_slice %arg4[%add3A_33, %dma_start3A_45] : memref<2560x128xi32, #tpu.memory_space<hbm>> -> memref<40x128xi32, #tpu.memory_space<hbm>>
        %dma_start3A_47 = arith.constant 0 : i32
        %dma_start3A_48 = tpu.memref_slice %arg4[%add3A_33, %dma_start3A_47] : memref<2560x128xi32, #tpu.memory_space<hbm>> -> memref<40x128xi32, #tpu.memory_space<hbm>>
        tpu.enqueue_dma source(%dma_start3A_48 : memref<40x128xi32, #tpu.memory_space<hbm>>) target(%arg8 : memref<40x128xi32, #tpu.memory_space<vmem>>) target_semaphore(%run_scoped3A : memref<!tpu.dma_semaphore, #tpu.memory_space<semaphore_mem>>)
        %dma_wait3A = arith.constant 0 : i32
        %dma_wait3A_49 = tpu.memref_slice %arg4[%add3A_33, %dma_wait3A] : memref<2560x128xi32, #tpu.memory_space<hbm>> -> memref<40x128xi32, #tpu.memory_space<hbm>>
        %dma_wait3A_50 = arith.constant 0 : i32
        %dma_wait3A_51 = tpu.memref_slice %arg4[%add3A_33, %dma_wait3A_50] : memref<2560x128xi32, #tpu.memory_space<hbm>> -> memref<40x128xi32, #tpu.memory_space<hbm>>
        tpu.wait_dma2 semaphore(%run_scoped3A : memref<!tpu.dma_semaphore, #tpu.memory_space<semaphore_mem>>) src(%dma_wait3A_51 : memref<40x128xi32, #tpu.memory_space<hbm>>) dst(%arg8 : memref<40x128xi32, #tpu.memory_space<vmem>>)
        tpu.yield
      }) : () -> ()
      %dma_start3A = arith.constant 0 : i32
      %dma_start3A_34 = arith.constant 0 : i32
      %dma_start3A_35 = tpu.memref_slice %arg7[%dma_start3A, %dma_start3A_34] : memref<40x128xi32, #tpu.memory_space<vmem>> -> memref<1x128xi32, #tpu.memory_space<vmem>>
      %dma_start3A_36 = tpu.memref_squeeze %dma_start3A_35 : memref<1x128xi32, #tpu.memory_space<vmem>> -> memref<128xi32, #tpu.memory_space<vmem>>
      %dma_start3A_37 = arith.constant 0 : i32
      %dma_start3A_38 = arith.constant 0 : i32
      %dma_start3A_39 = tpu.memref_slice %arg2[%dma_start3A_37, %dma_start3A_38] : memref<10240x128xf32, #tpu.memory_space<hbm>> -> memref<10240x128xf32, #tpu.memory_space<hbm>>
      tpu.enqueue_indirect_dma source(%dma_start3A_39 : memref<10240x128xf32, #tpu.memory_space<hbm>>) target(%arg9 : memref<128x128xf32, #tpu.memory_space<vmem>>) offsets(%dma_start3A_36 : memref<128xi32, #tpu.memory_space<vmem>>) semaphore(%arg12 : memref<!tpu.dma_semaphore, #tpu.memory_space<semaphore_mem>>)
      %scan3A = arith.constant 0 : i32
      %scan3A_40 = arith.constant 0 : i32
      %scan3A_41 = arith.constant 20 : i32
      %scan3A_42 = arith.addi %scan3A_40, %scan3A_41 : i32
      %scan3A_43 = arith.constant 1 : i32
      scf.for %scan3A_45 = %scan3A_40 to %scan3A_42 step %scan3A_43  : i32 {
        %mul3A_46 = arith.constant 2 : i32
        %mul3A_47 = arith.muli %mul3A_46, %scan3A_45 : i32
        %add3A_48 = arith.constant 1 : i32
        %add3A_49 = arith.addi %mul3A_47, %add3A_48 : i32
        %dma_start3A_50 = arith.constant 0 : i32
        %dma_start3A_51 = tpu.memref_slice %arg7[%add3A_49, %dma_start3A_50] : memref<40x128xi32, #tpu.memory_space<vmem>> -> memref<1x128xi32, #tpu.memory_space<vmem>>
        %dma_start3A_52 = tpu.memref_squeeze %dma_start3A_51 : memref<1x128xi32, #tpu.memory_space<vmem>> -> memref<128xi32, #tpu.memory_space<vmem>>
        %dma_start3A_53 = arith.constant 0 : i32
        %dma_start3A_54 = arith.constant 0 : i32
        %dma_start3A_55 = tpu.memref_slice %arg2[%dma_start3A_53, %dma_start3A_54] : memref<10240x128xf32, #tpu.memory_space<hbm>> -> memref<10240x128xf32, #tpu.memory_space<hbm>>
        tpu.enqueue_indirect_dma source(%dma_start3A_55 : memref<10240x128xf32, #tpu.memory_space<hbm>>) target(%arg10 : memref<128x128xf32, #tpu.memory_space<vmem>>) offsets(%dma_start3A_52 : memref<128xi32, #tpu.memory_space<vmem>>) semaphore(%arg13 : memref<!tpu.dma_semaphore, #tpu.memory_space<semaphore_mem>>)
        %dma_wait3A = arith.constant 0 : i32
        %dma_wait3A_56 = tpu.memref_slice %arg7[%mul3A_47, %dma_wait3A] : memref<40x128xi32, #tpu.memory_space<vmem>> -> memref<1x128xi32, #tpu.memory_space<vmem>>
        %dma_wait3A_57 = tpu.memref_squeeze %dma_wait3A_56 : memref<1x128xi32, #tpu.memory_space<vmem>> -> memref<128xi32, #tpu.memory_space<vmem>>
        %dma_wait3A_58 = arith.constant 0 : i32
        %dma_wait3A_59 = arith.constant 0 : i32
        %dma_wait3A_60 = tpu.memref_slice %arg2[%dma_wait3A_58, %dma_wait3A_59] : memref<10240x128xf32, #tpu.memory_space<hbm>> -> memref<10240x128xf32, #tpu.memory_space<hbm>>
        tpu.wait_indirect_dma semaphore(%arg12 : memref<!tpu.dma_semaphore, #tpu.memory_space<semaphore_mem>>) src(%dma_wait3A_60 : memref<10240x128xf32, #tpu.memory_space<hbm>>) dst(%arg9 : memref<128x128xf32, #tpu.memory_space<vmem>>)
        "tpu.region"() ({
          %run_scoped3A = tpu.sem_alloc : memref<!tpu.dma_semaphore, #tpu.memory_space<semaphore_mem>>
          %dma_start3A_77 = arith.constant 0 : i32
          %dma_start3A_78 = tpu.memref_slice %arg8[%mul3A_47, %dma_start3A_77] : memref<40x128xi32, #tpu.memory_space<vmem>> -> memref<1x128xi32, #tpu.memory_space<vmem>>
          %dma_start3A_79 = tpu.memref_squeeze %dma_start3A_78 : memref<1x128xi32, #tpu.memory_space<vmem>> -> memref<128xi32, #tpu.memory_space<vmem>>
          %dma_start3A_80 = arith.constant 0 : i32
          %dma_start3A_81 = arith.constant 0 : i32
          %dma_start3A_82 = tpu.memref_slice %arg11[%dma_start3A_80, %dma_start3A_81] : memref<10240x128xf32, #tpu.memory_space<vmem_shared>> -> memref<10240x128xf32, #tpu.memory_space<vmem_shared>>
          tpu.enqueue_indirect_dma source(%arg9 : memref<128x128xf32, #tpu.memory_space<vmem>>) target(%dma_start3A_82 : memref<10240x128xf32, #tpu.memory_space<vmem_shared>>) offsets(%dma_start3A_79 : memref<128xi32, #tpu.memory_space<vmem>>) semaphore(%run_scoped3A : memref<!tpu.dma_semaphore, #tpu.memory_space<semaphore_mem>>) {add = true}
          %dma_wait3A_83 = arith.constant 0 : i32
          %dma_wait3A_84 = tpu.memref_slice %arg8[%mul3A_47, %dma_wait3A_83] : memref<40x128xi32, #tpu.memory_space<vmem>> -> memref<1x128xi32, #tpu.memory_space<vmem>>
          %dma_wait3A_85 = tpu.memref_squeeze %dma_wait3A_84 : memref<1x128xi32, #tpu.memory_space<vmem>> -> memref<128xi32, #tpu.memory_space<vmem>>
          %dma_wait3A_86 = arith.constant 0 : i32
          %dma_wait3A_87 = arith.constant 0 : i32
          %dma_wait3A_88 = tpu.memref_slice %arg11[%dma_wait3A_86, %dma_wait3A_87] : memref<10240x128xf32, #tpu.memory_space<vmem_shared>> -> memref<10240x128xf32, #tpu.memory_space<vmem_shared>>
          tpu.wait_indirect_dma semaphore(%run_scoped3A : memref<!tpu.dma_semaphore, #tpu.memory_space<semaphore_mem>>) src(%arg9 : memref<128x128xf32, #tpu.memory_space<vmem>>) dst(%dma_wait3A_88 : memref<10240x128xf32, #tpu.memory_space<vmem_shared>>)
          tpu.yield
        }) : () -> ()
        %add3A_61 = arith.constant 2 : i32
        %add3A_62 = arith.addi %mul3A_47, %add3A_61 : i32
        %lt3A = arith.constant 40 : i32
        %lt3A_63 = arith.cmpi slt, %add3A_62, %lt3A : i32
        %convert_element_type3A_64 = arith.extui %lt3A_63 : i1 to i32
        %cond3A_65 = arith.constant 0 : i32
        %cond3A_66 = arith.cmpi ne, %convert_element_type3A_64, %cond3A_65 : i32
        scf.if %cond3A_66 {
          %add3A_77 = arith.constant 2 : i32
          %add3A_78 = arith.addi %mul3A_47, %add3A_77 : i32
          %dma_start3A_79 = arith.constant 0 : i32
          %dma_start3A_80 = tpu.memref_slice %arg7[%add3A_78, %dma_start3A_79] : memref<40x128xi32, #tpu.memory_space<vmem>> -> memref<1x128xi32, #tpu.memory_space<vmem>>
          %dma_start3A_81 = tpu.memref_squeeze %dma_start3A_80 : memref<1x128xi32, #tpu.memory_space<vmem>> -> memref<128xi32, #tpu.memory_space<vmem>>
          %dma_start3A_82 = arith.constant 0 : i32
          %dma_start3A_83 = arith.constant 0 : i32
          %dma_start3A_84 = tpu.memref_slice %arg2[%dma_start3A_82, %dma_start3A_83] : memref<10240x128xf32, #tpu.memory_space<hbm>> -> memref<10240x128xf32, #tpu.memory_space<hbm>>
          tpu.enqueue_indirect_dma source(%dma_start3A_84 : memref<10240x128xf32, #tpu.memory_space<hbm>>) target(%arg9 : memref<128x128xf32, #tpu.memory_space<vmem>>) offsets(%dma_start3A_81 : memref<128xi32, #tpu.memory_space<vmem>>) semaphore(%arg12 : memref<!tpu.dma_semaphore, #tpu.memory_space<semaphore_mem>>)
        } else {
        }
        %add3A_67 = arith.constant 1 : i32
        %add3A_68 = arith.addi %mul3A_47, %add3A_67 : i32
        %dma_wait3A_69 = arith.constant 0 : i32
        %dma_wait3A_70 = tpu.memref_slice %arg7[%add3A_68, %dma_wait3A_69] : memref<40x128xi32, #tpu.memory_space<vmem>> -> memref<1x128xi32, #tpu.memory_space<vmem>>
        %dma_wait3A_71 = tpu.memref_squeeze %dma_wait3A_70 : memref<1x128xi32, #tpu.memory_space<vmem>> -> memref<128xi32, #tpu.memory_space<vmem>>
        %dma_wait3A_72 = arith.constant 0 : i32
        %dma_wait3A_73 = arith.constant 0 : i32
        %dma_wait3A_74 = tpu.memref_slice %arg2[%dma_wait3A_72, %dma_wait3A_73] : memref<10240x128xf32, #tpu.memory_space<hbm>> -> memref<10240x128xf32, #tpu.memory_space<hbm>>
        tpu.wait_indirect_dma semaphore(%arg13 : memref<!tpu.dma_semaphore, #tpu.memory_space<semaphore_mem>>) src(%dma_wait3A_74 : memref<10240x128xf32, #tpu.memory_space<hbm>>) dst(%arg10 : memref<128x128xf32, #tpu.memory_space<vmem>>)
        %add3A_75 = arith.constant 1 : i32
        %add3A_76 = arith.addi %mul3A_47, %add3A_75 : i32
        "tpu.region"() ({
          %run_scoped3A = tpu.sem_alloc : memref<!tpu.dma_semaphore, #tpu.memory_space<semaphore_mem>>
          %dma_start3A_77 = arith.constant 0 : i32
          %dma_start3A_78 = tpu.memref_slice %arg8[%add3A_76, %dma_start3A_77] : memref<40x128xi32, #tpu.memory_space<vmem>> -> memref<1x128xi32, #tpu.memory_space<vmem>>
          %dma_start3A_79 = tpu.memref_squeeze %dma_start3A_78 : memref<1x128xi32, #tpu.memory_space<vmem>> -> memref<128xi32, #tpu.memory_space<vmem>>
          %dma_start3A_80 = arith.constant 0 : i32
          %dma_start3A_81 = arith.constant 0 : i32
          %dma_start3A_82 = tpu.memref_slice %arg11[%dma_start3A_80, %dma_start3A_81] : memref<10240x128xf32, #tpu.memory_space<vmem_shared>> -> memref<10240x128xf32, #tpu.memory_space<vmem_shared>>
          tpu.enqueue_indirect_dma source(%arg10 : memref<128x128xf32, #tpu.memory_space<vmem>>) target(%dma_start3A_82 : memref<10240x128xf32, #tpu.memory_space<vmem_shared>>) offsets(%dma_start3A_79 : memref<128xi32, #tpu.memory_space<vmem>>) semaphore(%run_scoped3A : memref<!tpu.dma_semaphore, #tpu.memory_space<semaphore_mem>>) {add = true}
          %dma_wait3A_83 = arith.constant 0 : i32
          %dma_wait3A_84 = tpu.memref_slice %arg8[%add3A_76, %dma_wait3A_83] : memref<40x128xi32, #tpu.memory_space<vmem>> -> memref<1x128xi32, #tpu.memory_space<vmem>>
          %dma_wait3A_85 = tpu.memref_squeeze %dma_wait3A_84 : memref<1x128xi32, #tpu.memory_space<vmem>> -> memref<128xi32, #tpu.memory_space<vmem>>
          %dma_wait3A_86 = arith.constant 0 : i32
          %dma_wait3A_87 = arith.constant 0 : i32
          %dma_wait3A_88 = tpu.memref_slice %arg11[%dma_wait3A_86, %dma_wait3A_87] : memref<10240x128xf32, #tpu.memory_space<vmem_shared>> -> memref<10240x128xf32, #tpu.memory_space<vmem_shared>>
          tpu.wait_indirect_dma semaphore(%run_scoped3A : memref<!tpu.dma_semaphore, #tpu.memory_space<semaphore_mem>>) src(%arg10 : memref<128x128xf32, #tpu.memory_space<vmem>>) dst(%dma_wait3A_88 : memref<10240x128xf32, #tpu.memory_space<vmem_shared>>)
          tpu.yield
        }) : () -> ()
      }
      %scan3A_44 = arith.constant 20 : i32
    } else {
    }
    %gt3A_20 = arith.constant 80 : i32
    %gt3A_21 = arith.cmpi sgt, %select_n3A, %gt3A_20 : i32
    %convert_element_type3A_22 = arith.extui %gt3A_21 : i1 to i32
    %cond3A_23 = arith.constant 0 : i32
    %cond3A_24 = arith.cmpi ne, %convert_element_type3A_22, %cond3A_23 : i32
    scf.if %cond3A_24 {
      %add3A_30 = arith.constant 80 : i32
      %add3A_31 = arith.addi %select_n3A_12, %add3A_30 : i32
      "tpu.region"() ({
        %run_scoped3A = tpu.sem_alloc : memref<!tpu.dma_semaphore, #tpu.memory_space<semaphore_mem>>
        %dma_start3A_45 = arith.constant 0 : i32
        %dma_start3A_46 = tpu.memref_slice %arg3[%add3A_31, %dma_start3A_45] : memref<2560x128xi32, #tpu.memory_space<hbm>> -> memref<40x128xi32, #tpu.memory_space<hbm>>
        %dma_start3A_47 = arith.constant 0 : i32
        %dma_start3A_48 = tpu.memref_slice %arg3[%add3A_31, %dma_start3A_47] : memref<2560x128xi32, #tpu.memory_space<hbm>> -> memref<40x128xi32, #tpu.memory_space<hbm>>
        tpu.enqueue_dma source(%dma_start3A_48 : memref<40x128xi32, #tpu.memory_space<hbm>>) target(%arg7 : memref<40x128xi32, #tpu.memory_space<vmem>>) target_semaphore(%run_scoped3A : memref<!tpu.dma_semaphore, #tpu.memory_space<semaphore_mem>>)
        %dma_wait3A = arith.constant 0 : i32
        %dma_wait3A_49 = tpu.memref_slice %arg3[%add3A_31, %dma_wait3A] : memref<2560x128xi32, #tpu.memory_space<hbm>> -> memref<40x128xi32, #tpu.memory_space<hbm>>
        %dma_wait3A_50 = arith.constant 0 : i32
        %dma_wait3A_51 = tpu.memref_slice %arg3[%add3A_31, %dma_wait3A_50] : memref<2560x128xi32, #tpu.memory_space<hbm>> -> memref<40x128xi32, #tpu.memory_space<hbm>>
        tpu.wait_dma2 semaphore(%run_scoped3A : memref<!tpu.dma_semaphore, #tpu.memory_space<semaphore_mem>>) src(%dma_wait3A_51 : memref<40x128xi32, #tpu.memory_space<hbm>>) dst(%arg7 : memref<40x128xi32, #tpu.memory_space<vmem>>)
        tpu.yield
      }) : () -> ()
      %add3A_32 = arith.constant 80 : i32
      %add3A_33 = arith.addi %select_n3A_12, %add3A_32 : i32
      "tpu.region"() ({
        %run_scoped3A = tpu.sem_alloc : memref<!tpu.dma_semaphore, #tpu.memory_space<semaphore_mem>>
        %dma_start3A_45 = arith.constant 0 : i32
        %dma_start3A_46 = tpu.memref_slice %arg4[%add3A_33, %dma_start3A_45] : memref<2560x128xi32, #tpu.memory_space<hbm>> -> memref<40x128xi32, #tpu.memory_space<hbm>>
        %dma_start3A_47 = arith.constant 0 : i32
        %dma_start3A_48 = tpu.memref_slice %arg4[%add3A_33, %dma_start3A_47] : memref<2560x128xi32, #tpu.memory_space<hbm>> -> memref<40x128xi32, #tpu.memory_space<hbm>>
        tpu.enqueue_dma source(%dma_start3A_48 : memref<40x128xi32, #tpu.memory_space<hbm>>) target(%arg8 : memref<40x128xi32, #tpu.memory_space<vmem>>) target_semaphore(%run_scoped3A : memref<!tpu.dma_semaphore, #tpu.memory_space<semaphore_mem>>)
        %dma_wait3A = arith.constant 0 : i32
        %dma_wait3A_49 = tpu.memref_slice %arg4[%add3A_33, %dma_wait3A] : memref<2560x128xi32, #tpu.memory_space<hbm>> -> memref<40x128xi32, #tpu.memory_space<hbm>>
        %dma_wait3A_50 = arith.constant 0 : i32
        %dma_wait3A_51 = tpu.memref_slice %arg4[%add3A_33, %dma_wait3A_50] : memref<2560x128xi32, #tpu.memory_space<hbm>> -> memref<40x128xi32, #tpu.memory_space<hbm>>
        tpu.wait_dma2 semaphore(%run_scoped3A : memref<!tpu.dma_semaphore, #tpu.memory_space<semaphore_mem>>) src(%dma_wait3A_51 : memref<40x128xi32, #tpu.memory_space<hbm>>) dst(%arg8 : memref<40x128xi32, #tpu.memory_space<vmem>>)
        tpu.yield
      }) : () -> ()
      %dma_start3A = arith.constant 0 : i32
      %dma_start3A_34 = arith.constant 0 : i32
      %dma_start3A_35 = tpu.memref_slice %arg7[%dma_start3A, %dma_start3A_34] : memref<40x128xi32, #tpu.memory_space<vmem>> -> memref<1x128xi32, #tpu.memory_space<vmem>>
      %dma_start3A_36 = tpu.memref_squeeze %dma_start3A_35 : memref<1x128xi32, #tpu.memory_space<vmem>> -> memref<128xi32, #tpu.memory_space<vmem>>
      %dma_start3A_37 = arith.constant 0 : i32
      %dma_start3A_38 = arith.constant 0 : i32
      %dma_start3A_39 = tpu.memref_slice %arg2[%dma_start3A_37, %dma_start3A_38] : memref<10240x128xf32, #tpu.memory_space<hbm>> -> memref<10240x128xf32, #tpu.memory_space<hbm>>
      tpu.enqueue_indirect_dma source(%dma_start3A_39 : memref<10240x128xf32, #tpu.memory_space<hbm>>) target(%arg9 : memref<128x128xf32, #tpu.memory_space<vmem>>) offsets(%dma_start3A_36 : memref<128xi32, #tpu.memory_space<vmem>>) semaphore(%arg12 : memref<!tpu.dma_semaphore, #tpu.memory_space<semaphore_mem>>)
      %scan3A = arith.constant 0 : i32
      %scan3A_40 = arith.constant 0 : i32
      %scan3A_41 = arith.constant 20 : i32
      %scan3A_42 = arith.addi %scan3A_40, %scan3A_41 : i32
      %scan3A_43 = arith.constant 1 : i32
      scf.for %scan3A_45 = %scan3A_40 to %scan3A_42 step %scan3A_43  : i32 {
        %mul3A_46 = arith.constant 2 : i32
        %mul3A_47 = arith.muli %mul3A_46, %scan3A_45 : i32
        %add3A_48 = arith.constant 1 : i32
        %add3A_49 = arith.addi %mul3A_47, %add3A_48 : i32
        %dma_start3A_50 = arith.constant 0 : i32
        %dma_start3A_51 = tpu.memref_slice %arg7[%add3A_49, %dma_start3A_50] : memref<40x128xi32, #tpu.memory_space<vmem>> -> memref<1x128xi32, #tpu.memory_space<vmem>>
        %dma_start3A_52 = tpu.memref_squeeze %dma_start3A_51 : memref<1x128xi32, #tpu.memory_space<vmem>> -> memref<128xi32, #tpu.memory_space<vmem>>
        %dma_start3A_53 = arith.constant 0 : i32
        %dma_start3A_54 = arith.constant 0 : i32
        %dma_start3A_55 = tpu.memref_slice %arg2[%dma_start3A_53, %dma_start3A_54] : memref<10240x128xf32, #tpu.memory_space<hbm>> -> memref<10240x128xf32, #tpu.memory_space<hbm>>
        tpu.enqueue_indirect_dma source(%dma_start3A_55 : memref<10240x128xf32, #tpu.memory_space<hbm>>) target(%arg10 : memref<128x128xf32, #tpu.memory_space<vmem>>) offsets(%dma_start3A_52 : memref<128xi32, #tpu.memory_space<vmem>>) semaphore(%arg13 : memref<!tpu.dma_semaphore, #tpu.memory_space<semaphore_mem>>)
        %dma_wait3A = arith.constant 0 : i32
        %dma_wait3A_56 = tpu.memref_slice %arg7[%mul3A_47, %dma_wait3A] : memref<40x128xi32, #tpu.memory_space<vmem>> -> memref<1x128xi32, #tpu.memory_space<vmem>>
        %dma_wait3A_57 = tpu.memref_squeeze %dma_wait3A_56 : memref<1x128xi32, #tpu.memory_space<vmem>> -> memref<128xi32, #tpu.memory_space<vmem>>
        %dma_wait3A_58 = arith.constant 0 : i32
        %dma_wait3A_59 = arith.constant 0 : i32
        %dma_wait3A_60 = tpu.memref_slice %arg2[%dma_wait3A_58, %dma_wait3A_59] : memref<10240x128xf32, #tpu.memory_space<hbm>> -> memref<10240x128xf32, #tpu.memory_space<hbm>>
        tpu.wait_indirect_dma semaphore(%arg12 : memref<!tpu.dma_semaphore, #tpu.memory_space<semaphore_mem>>) src(%dma_wait3A_60 : memref<10240x128xf32, #tpu.memory_space<hbm>>) dst(%arg9 : memref<128x128xf32, #tpu.memory_space<vmem>>)
        "tpu.region"() ({
          %run_scoped3A = tpu.sem_alloc : memref<!tpu.dma_semaphore, #tpu.memory_space<semaphore_mem>>
          %dma_start3A_77 = arith.constant 0 : i32
          %dma_start3A_78 = tpu.memref_slice %arg8[%mul3A_47, %dma_start3A_77] : memref<40x128xi32, #tpu.memory_space<vmem>> -> memref<1x128xi32, #tpu.memory_space<vmem>>
          %dma_start3A_79 = tpu.memref_squeeze %dma_start3A_78 : memref<1x128xi32, #tpu.memory_space<vmem>> -> memref<128xi32, #tpu.memory_space<vmem>>
          %dma_start3A_80 = arith.constant 0 : i32
          %dma_start3A_81 = arith.constant 0 : i32
          %dma_start3A_82 = tpu.memref_slice %arg11[%dma_start3A_80, %dma_start3A_81] : memref<10240x128xf32, #tpu.memory_space<vmem_shared>> -> memref<10240x128xf32, #tpu.memory_space<vmem_shared>>
          tpu.enqueue_indirect_dma source(%arg9 : memref<128x128xf32, #tpu.memory_space<vmem>>) target(%dma_start3A_82 : memref<10240x128xf32, #tpu.memory_space<vmem_shared>>) offsets(%dma_start3A_79 : memref<128xi32, #tpu.memory_space<vmem>>) semaphore(%run_scoped3A : memref<!tpu.dma_semaphore, #tpu.memory_space<semaphore_mem>>) {add = true}
          %dma_wait3A_83 = arith.constant 0 : i32
          %dma_wait3A_84 = tpu.memref_slice %arg8[%mul3A_47, %dma_wait3A_83] : memref<40x128xi32, #tpu.memory_space<vmem>> -> memref<1x128xi32, #tpu.memory_space<vmem>>
          %dma_wait3A_85 = tpu.memref_squeeze %dma_wait3A_84 : memref<1x128xi32, #tpu.memory_space<vmem>> -> memref<128xi32, #tpu.memory_space<vmem>>
          %dma_wait3A_86 = arith.constant 0 : i32
          %dma_wait3A_87 = arith.constant 0 : i32
          %dma_wait3A_88 = tpu.memref_slice %arg11[%dma_wait3A_86, %dma_wait3A_87] : memref<10240x128xf32, #tpu.memory_space<vmem_shared>> -> memref<10240x128xf32, #tpu.memory_space<vmem_shared>>
          tpu.wait_indirect_dma semaphore(%run_scoped3A : memref<!tpu.dma_semaphore, #tpu.memory_space<semaphore_mem>>) src(%arg9 : memref<128x128xf32, #tpu.memory_space<vmem>>) dst(%dma_wait3A_88 : memref<10240x128xf32, #tpu.memory_space<vmem_shared>>)
          tpu.yield
        }) : () -> ()
        %add3A_61 = arith.constant 2 : i32
        %add3A_62 = arith.addi %mul3A_47, %add3A_61 : i32
        %lt3A = arith.constant 40 : i32
        %lt3A_63 = arith.cmpi slt, %add3A_62, %lt3A : i32
        %convert_element_type3A_64 = arith.extui %lt3A_63 : i1 to i32
        %cond3A_65 = arith.constant 0 : i32
        %cond3A_66 = arith.cmpi ne, %convert_element_type3A_64, %cond3A_65 : i32
        scf.if %cond3A_66 {
          %add3A_77 = arith.constant 2 : i32
          %add3A_78 = arith.addi %mul3A_47, %add3A_77 : i32
          %dma_start3A_79 = arith.constant 0 : i32
          %dma_start3A_80 = tpu.memref_slice %arg7[%add3A_78, %dma_start3A_79] : memref<40x128xi32, #tpu.memory_space<vmem>> -> memref<1x128xi32, #tpu.memory_space<vmem>>
          %dma_start3A_81 = tpu.memref_squeeze %dma_start3A_80 : memref<1x128xi32, #tpu.memory_space<vmem>> -> memref<128xi32, #tpu.memory_space<vmem>>
          %dma_start3A_82 = arith.constant 0 : i32
          %dma_start3A_83 = arith.constant 0 : i32
          %dma_start3A_84 = tpu.memref_slice %arg2[%dma_start3A_82, %dma_start3A_83] : memref<10240x128xf32, #tpu.memory_space<hbm>> -> memref<10240x128xf32, #tpu.memory_space<hbm>>
          tpu.enqueue_indirect_dma source(%dma_start3A_84 : memref<10240x128xf32, #tpu.memory_space<hbm>>) target(%arg9 : memref<128x128xf32, #tpu.memory_space<vmem>>) offsets(%dma_start3A_81 : memref<128xi32, #tpu.memory_space<vmem>>) semaphore(%arg12 : memref<!tpu.dma_semaphore, #tpu.memory_space<semaphore_mem>>)
        } else {
        }
        %add3A_67 = arith.constant 1 : i32
        %add3A_68 = arith.addi %mul3A_47, %add3A_67 : i32
        %dma_wait3A_69 = arith.constant 0 : i32
        %dma_wait3A_70 = tpu.memref_slice %arg7[%add3A_68, %dma_wait3A_69] : memref<40x128xi32, #tpu.memory_space<vmem>> -> memref<1x128xi32, #tpu.memory_space<vmem>>
        %dma_wait3A_71 = tpu.memref_squeeze %dma_wait3A_70 : memref<1x128xi32, #tpu.memory_space<vmem>> -> memref<128xi32, #tpu.memory_space<vmem>>
        %dma_wait3A_72 = arith.constant 0 : i32
        %dma_wait3A_73 = arith.constant 0 : i32
        %dma_wait3A_74 = tpu.memref_slice %arg2[%dma_wait3A_72, %dma_wait3A_73] : memref<10240x128xf32, #tpu.memory_space<hbm>> -> memref<10240x128xf32, #tpu.memory_space<hbm>>
        tpu.wait_indirect_dma semaphore(%arg13 : memref<!tpu.dma_semaphore, #tpu.memory_space<semaphore_mem>>) src(%dma_wait3A_74 : memref<10240x128xf32, #tpu.memory_space<hbm>>) dst(%arg10 : memref<128x128xf32, #tpu.memory_space<vmem>>)
        %add3A_75 = arith.constant 1 : i32
        %add3A_76 = arith.addi %mul3A_47, %add3A_75 : i32
        "tpu.region"() ({
          %run_scoped3A = tpu.sem_alloc : memref<!tpu.dma_semaphore, #tpu.memory_space<semaphore_mem>>
          %dma_start3A_77 = arith.constant 0 : i32
          %dma_start3A_78 = tpu.memref_slice %arg8[%add3A_76, %dma_start3A_77] : memref<40x128xi32, #tpu.memory_space<vmem>> -> memref<1x128xi32, #tpu.memory_space<vmem>>
          %dma_start3A_79 = tpu.memref_squeeze %dma_start3A_78 : memref<1x128xi32, #tpu.memory_space<vmem>> -> memref<128xi32, #tpu.memory_space<vmem>>
          %dma_start3A_80 = arith.constant 0 : i32
          %dma_start3A_81 = arith.constant 0 : i32
          %dma_start3A_82 = tpu.memref_slice %arg11[%dma_start3A_80, %dma_start3A_81] : memref<10240x128xf32, #tpu.memory_space<vmem_shared>> -> memref<10240x128xf32, #tpu.memory_space<vmem_shared>>
          tpu.enqueue_indirect_dma source(%arg10 : memref<128x128xf32, #tpu.memory_space<vmem>>) target(%dma_start3A_82 : memref<10240x128xf32, #tpu.memory_space<vmem_shared>>) offsets(%dma_start3A_79 : memref<128xi32, #tpu.memory_space<vmem>>) semaphore(%run_scoped3A : memref<!tpu.dma_semaphore, #tpu.memory_space<semaphore_mem>>) {add = true}
          %dma_wait3A_83 = arith.constant 0 : i32
          %dma_wait3A_84 = tpu.memref_slice %arg8[%add3A_76, %dma_wait3A_83] : memref<40x128xi32, #tpu.memory_space<vmem>> -> memref<1x128xi32, #tpu.memory_space<vmem>>
          %dma_wait3A_85 = tpu.memref_squeeze %dma_wait3A_84 : memref<1x128xi32, #tpu.memory_space<vmem>> -> memref<128xi32, #tpu.memory_space<vmem>>
          %dma_wait3A_86 = arith.constant 0 : i32
          %dma_wait3A_87 = arith.constant 0 : i32
          %dma_wait3A_88 = tpu.memref_slice %arg11[%dma_wait3A_86, %dma_wait3A_87] : memref<10240x128xf32, #tpu.memory_space<vmem_shared>> -> memref<10240x128xf32, #tpu.memory_space<vmem_shared>>
          tpu.wait_indirect_dma semaphore(%run_scoped3A : memref<!tpu.dma_semaphore, #tpu.memory_space<semaphore_mem>>) src(%arg10 : memref<128x128xf32, #tpu.memory_space<vmem>>) dst(%dma_wait3A_88 : memref<10240x128xf32, #tpu.memory_space<vmem_shared>>)
          tpu.yield
        }) : () -> ()
      }
      %scan3A_44 = arith.constant 20 : i32
    } else {
    }
    %barrier3A_25 = arith.constant 0 : index
    tpu.barrier barrier_id(%barrier3A_25)
    %mul3A_26 = arith.constant 640 : i32
    %mul3A_27 = arith.muli %arg1, %mul3A_26 : i32
    %mul3A_28 = arith.constant 640 : i32
    %mul3A_29 = arith.muli %arg1, %mul3A_28 : i32
    "tpu.region"() ({
      %run_scoped3A = tpu.sem_alloc : memref<!tpu.dma_semaphore, #tpu.memory_space<semaphore_mem>>
      %dma_start3A = arith.constant 0 : i32
      %dma_start3A_30 = tpu.memref_slice %arg6[%arg0, %mul3A_29, %dma_start3A] : memref<2x10240x128xf32, #tpu.memory_space<hbm>> -> memref<1x640x128xf32, #tpu.memory_space<hbm>>
      %dma_start3A_31 = tpu.memref_squeeze %dma_start3A_30 : memref<1x640x128xf32, #tpu.memory_space<hbm>> -> memref<640x128xf32, #tpu.memory_space<hbm>>
      %dma_start3A_32 = arith.constant 0 : i32
      %dma_start3A_33 = tpu.memref_slice %arg11[%mul3A_27, %dma_start3A_32] : memref<10240x128xf32, #tpu.memory_space<vmem_shared>> -> memref<640x128xf32, #tpu.memory_space<vmem_shared>>
      tpu.enqueue_dma source(%dma_start3A_33 : memref<640x128xf32, #tpu.memory_space<vmem_shared>>) target(%dma_start3A_31 : memref<640x128xf32, #tpu.memory_space<hbm>>) target_semaphore(%run_scoped3A : memref<!tpu.dma_semaphore, #tpu.memory_space<semaphore_mem>>)
      %dma_wait3A = arith.constant 0 : i32
      %dma_wait3A_34 = tpu.memref_slice %arg6[%arg0, %mul3A_29, %dma_wait3A] : memref<2x10240x128xf32, #tpu.memory_space<hbm>> -> memref<1x640x128xf32, #tpu.memory_space<hbm>>
      %dma_wait3A_35 = tpu.memref_squeeze %dma_wait3A_34 : memref<1x640x128xf32, #tpu.memory_space<hbm>> -> memref<640x128xf32, #tpu.memory_space<hbm>>
      %dma_wait3A_36 = arith.constant 0 : i32
      %dma_wait3A_37 = tpu.memref_slice %arg11[%mul3A_27, %dma_wait3A_36] : memref<10240x128xf32, #tpu.memory_space<vmem_shared>> -> memref<640x128xf32, #tpu.memory_space<vmem_shared>>
      tpu.wait_dma2 semaphore(%run_scoped3A : memref<!tpu.dma_semaphore, #tpu.memory_space<semaphore_mem>>) src(%dma_wait3A_37 : memref<640x128xf32, #tpu.memory_space<vmem_shared>>) dst(%dma_wait3A_35 : memref<640x128xf32, #tpu.memory_space<hbm>>)
      tpu.yield
    }) : () -> ()
    return
  }
}

module attributes {stable_mosaic.version = 14 : i64} {
  func.func @_prep_body(%arg0: i32, %arg1: memref<4xf32, #tpu.memory_space<smem>>, %arg2: memref<2x1280x128xf32, #tpu.memory_space<vmem>>, %arg3: memref<1280x128xf32, #tpu.memory_space<vmem>>, %arg4: memref<1280x1xf32, #tpu.memory_space<vmem>>, %arg5: memref<1280x1xf32, #tpu.memory_space<vmem>>, %arg6: memref<1280x128xf32, #tpu.memory_space<vmem>>, %arg7: memref<1280x128xf32, #tpu.memory_space<vmem>>) attributes {dimension_semantics = [#tpu.dimension_semantics<arbitrary>], iteration_bounds = array<i64: 8>, scalar_prefetch = 0 : i64, scratch_operands = 0 : i64, tpu.core_type = #tpu.core_type<tc>, window_params = [{transform_indices = @transform_0, window_bounds = array<i64: 4>}, {transform_indices = @transform_1, window_bounds = array<i64: 2, 1280, 128>}, {transform_indices = @transform_2, window_bounds = array<i64: 1280, 128>}, {transform_indices = @transform_3, window_bounds = array<i64: 1280, 1>}, {transform_indices = @transform_4, window_bounds = array<i64: 1280, 1>}, {transform_indices = @transform_5, window_bounds = array<i64: 1280, 128>}, {transform_indices = @transform_6, window_bounds = array<i64: 1280, 128>}]} {
    %get3A = arith.constant 0 : index
    %get3A_0 = arith.constant 0 : index
    %get3A_1 = arith.constant 0 : index
    %get3A_2 = vector.load %arg2[%get3A, %get3A_0, %get3A_1] : memref<2x1280x128xf32, #tpu.memory_space<vmem>>, vector<1x1280x1xf32>
    %get3A_3 = vector.shape_cast %get3A_2 : vector<1x1280x1xf32> to vector<1280x1xf32>
    %get3A_4 = arith.constant 1 : index
    %get3A_5 = arith.constant 0 : index
    %get3A_6 = arith.constant 0 : index
    %get3A_7 = vector.load %arg2[%get3A_4, %get3A_5, %get3A_6] : memref<2x1280x128xf32, #tpu.memory_space<vmem>>, vector<1x1280x1xf32>
    %get3A_8 = vector.shape_cast %get3A_7 : vector<1x1280x1xf32> to vector<1280x1xf32>
    %add3A = arith.addf %get3A_3, %get3A_8 : vector<1280x1xf32>
    %gt3A = arith.constant 0.000000e+00 : f32
    %gt3A_9 = vector.broadcast %gt3A : f32 to vector<1280x1xf32>
    %gt3A_10 = arith.cmpf ogt, %add3A, %gt3A_9 : vector<1280x1xf32>
    %jit3A = arith.constant 1.000000e+00 : f32
    %broadcast_in_dim3A = vector.broadcast %jit3A : f32 to vector<1280x1xf32>
    %select_n3A = arith.select %gt3A_10, %add3A, %broadcast_in_dim3A : vector<1280x1xi1>, vector<1280x1xf32>
    %rsqrt3A = math.rsqrt %select_n3A : vector<1280x1xf32>
    %jit3A_11 = arith.constant 0.000000e+00 : f32
    %broadcast_in_dim3A_12 = vector.broadcast %jit3A_11 : f32 to vector<1280x1xf32>
    %select_n3A_13 = arith.select %gt3A_10, %rsqrt3A, %broadcast_in_dim3A_12 : vector<1280x1xi1>, vector<1280x1xf32>
    %swap3A = arith.constant 0 : index
    %swap3A_14 = arith.constant 0 : index
    %swap3A_15 = vector.load %arg4[%swap3A, %swap3A_14] : memref<1280x1xf32, #tpu.memory_space<vmem>>, vector<1280x1xf32>
    tpu.vector_store %arg4[%swap3A, %swap3A_14], %select_n3A_13 {strides = array<i32>} : memref<1280x1xf32, #tpu.memory_space<vmem>>, vector<1280x1xf32>,
    %mul3A = arith.mulf %select_n3A_13, %select_n3A_13 : vector<1280x1xf32>
    %swap3A_16 = arith.constant 0 : index
    %swap3A_17 = arith.constant 0 : index
    %swap3A_18 = vector.load %arg5[%swap3A_16, %swap3A_17] : memref<1280x1xf32, #tpu.memory_space<vmem>>, vector<1280x1xf32>
    tpu.vector_store %arg5[%swap3A_16, %swap3A_17], %mul3A {strides = array<i32>} : memref<1280x1xf32, #tpu.memory_space<vmem>>, vector<1280x1xf32>,
    %get3A_19 = arith.constant 0 : index
    %get3A_20 = arith.constant 0 : index
    %get3A_21 = vector.load %arg3[%get3A_19, %get3A_20] : memref<1280x128xf32, #tpu.memory_space<vmem>>, vector<1280x128xf32>
    %mul3A_22 = vector.broadcast %select_n3A_13 : vector<1280x1xf32> to vector<1280x128xf32>
    %mul3A_23 = arith.mulf %get3A_21, %mul3A_22 : vector<1280x128xf32>
    %swap3A_24 = arith.constant 0 : index
    %swap3A_25 = arith.constant 0 : index
    %swap3A_26 = vector.load %arg6[%swap3A_24, %swap3A_25] : memref<1280x128xf32, #tpu.memory_space<vmem>>, vector<1280x128xf32>
    tpu.vector_store %arg6[%swap3A_24, %swap3A_25], %mul3A_23 {strides = array<i32>} : memref<1280x128xf32, #tpu.memory_space<vmem>>, vector<1280x128xf32>,
    %get3A_27 = arith.constant 0 : index
    %get3A_28 = memref.load %arg1[%get3A_27] : memref<4xf32, #tpu.memory_space<smem>>
    %mul3A_29 = vector.broadcast %get3A_28 : f32 to vector<1280x128xf32>
    %mul3A_30 = arith.mulf %get3A_21, %mul3A_29 : vector<1280x128xf32>
    %swap3A_31 = arith.constant 0 : index
    %swap3A_32 = arith.constant 0 : index
    %swap3A_33 = vector.load %arg7[%swap3A_31, %swap3A_32] : memref<1280x128xf32, #tpu.memory_space<vmem>>, vector<1280x128xf32>
    tpu.vector_store %arg7[%swap3A_31, %swap3A_32], %mul3A_30 {strides = array<i32>} : memref<1280x128xf32, #tpu.memory_space<vmem>>, vector<1280x128xf32>,
    return
  }
  func.func @transform_0(%arg0: i32) -> i32 {
    %c0_i32 = arith.constant 0 : i32
    %c0_i32_0 = arith.constant 0 : i32
    return %c0_i32 : i32
  }
  func.func @transform_1(%arg0: i32) -> (i32, i32, i32) {
    %c0_i32 = arith.constant 0 : i32
    %c0_i32_0 = arith.constant 0 : i32
    %c0_i32_1 = arith.constant 0 : i32
    return %c0_i32, %arg0, %c0_i32_0 : i32, i32, i32
  }
  func.func @transform_2(%arg0: i32) -> (i32, i32) {
    %c0_i32 = arith.constant 0 : i32
    %c0_i32_0 = arith.constant 0 : i32
    return %arg0, %c0_i32 : i32, i32
  }
  func.func @transform_3(%arg0: i32) -> (i32, i32) {
    %c0_i32 = arith.constant 0 : i32
    %c0_i32_0 = arith.constant 0 : i32
    return %arg0, %c0_i32 : i32, i32
  }
  func.func @transform_4(%arg0: i32) -> (i32, i32) {
    %c0_i32 = arith.constant 0 : i32
    %c0_i32_0 = arith.constant 0 : i32
    return %arg0, %c0_i32 : i32, i32
  }
  func.func @transform_5(%arg0: i32) -> (i32, i32) {
    %c0_i32 = arith.constant 0 : i32
    %c0_i32_0 = arith.constant 0 : i32
    return %arg0, %c0_i32 : i32, i32
  }
  func.func @transform_6(%arg0: i32) -> (i32, i32) {
    %c0_i32 = arith.constant 0 : i32
    %c0_i32_0 = arith.constant 0 : i32
    return %arg0, %c0_i32 : i32, i32
  }
}

module attributes {stable_mosaic.version = 14 : i64} {
  func.func @_comb_body(%arg0: i32, %arg1: memref<4xf32, #tpu.memory_space<smem>>, %arg2: memref<2x1280x128xf32, #tpu.memory_space<vmem>>, %arg3: memref<1280x1xf32, #tpu.memory_space<vmem>>, %arg4: memref<1280x1xf32, #tpu.memory_space<vmem>>, %arg5: memref<1280x128xf32, #tpu.memory_space<vmem>>, %arg6: memref<1280x128xf32, #tpu.memory_space<vmem>>, %arg7: memref<1280x128xf32, #tpu.memory_space<vmem>>) attributes {dimension_semantics = [#tpu.dimension_semantics<arbitrary>], iteration_bounds = array<i64: 8>, scalar_prefetch = 0 : i64, scratch_operands = 0 : i64, tpu.core_type = #tpu.core_type<tc>, window_params = [{transform_indices = @transform_0, window_bounds = array<i64: 4>}, {transform_indices = @transform_1, window_bounds = array<i64: 2, 1280, 128>}, {transform_indices = @transform_2, window_bounds = array<i64: 1280, 1>}, {transform_indices = @transform_3, window_bounds = array<i64: 1280, 1>}, {transform_indices = @transform_4, window_bounds = array<i64: 1280, 128>}, {transform_indices = @transform_5, window_bounds = array<i64: 1280, 128>}, {transform_indices = @transform_6, window_bounds = array<i64: 1280, 128>}]} {
    %get3A = arith.constant 0 : index
    %get3A_0 = arith.constant 0 : index
    %get3A_1 = arith.constant 0 : index
    %get3A_2 = vector.load %arg2[%get3A, %get3A_0, %get3A_1] : memref<2x1280x128xf32, #tpu.memory_space<vmem>>, vector<1x1280x128xf32>
    %get3A_3 = vector.shape_cast %get3A_2 : vector<1x1280x128xf32> to vector<1280x128xf32>
    %get3A_4 = arith.constant 1 : index
    %get3A_5 = arith.constant 0 : index
    %get3A_6 = arith.constant 0 : index
    %get3A_7 = vector.load %arg2[%get3A_4, %get3A_5, %get3A_6] : memref<2x1280x128xf32, #tpu.memory_space<vmem>>, vector<1x1280x128xf32>
    %get3A_8 = vector.shape_cast %get3A_7 : vector<1x1280x128xf32> to vector<1280x128xf32>
    %add3A = arith.addf %get3A_3, %get3A_8 : vector<1280x128xf32>
    %get3A_9 = arith.constant 0 : index
    %get3A_10 = arith.constant 0 : index
    %get3A_11 = vector.load %arg4[%get3A_9, %get3A_10] : memref<1280x1xf32, #tpu.memory_space<vmem>>, vector<1280x1xf32>
    %mul3A = vector.broadcast %get3A_11 : vector<1280x1xf32> to vector<1280x128xf32>
    %mul3A_12 = arith.mulf %add3A, %mul3A : vector<1280x128xf32>
    %swap3A = arith.constant 0 : index
    %swap3A_13 = arith.constant 0 : index
    %swap3A_14 = vector.load %arg6[%swap3A, %swap3A_13] : memref<1280x128xf32, #tpu.memory_space<vmem>>, vector<1280x128xf32>
    tpu.vector_store %arg6[%swap3A, %swap3A_13], %mul3A_12 {strides = array<i32>} : memref<1280x128xf32, #tpu.memory_space<vmem>>, vector<1280x128xf32>,
    %get3A_15 = arith.constant 0 : index
    %get3A_16 = arith.constant 0 : index
    %get3A_17 = vector.load %arg5[%get3A_15, %get3A_16] : memref<1280x128xf32, #tpu.memory_space<vmem>>, vector<1280x128xf32>
    %get3A_18 = arith.constant 0 : index
    %get3A_19 = arith.constant 0 : index
    %get3A_20 = vector.load %arg3[%get3A_18, %get3A_19] : memref<1280x1xf32, #tpu.memory_space<vmem>>, vector<1280x1xf32>
    %mul3A_21 = vector.broadcast %get3A_20 : vector<1280x1xf32> to vector<1280x128xf32>
    %mul3A_22 = arith.mulf %add3A, %mul3A_21 : vector<1280x128xf32>
    %get3A_23 = arith.constant 1 : index
    %get3A_24 = memref.load %arg1[%get3A_23] : memref<4xf32, #tpu.memory_space<smem>>
    %mul3A_25 = vector.broadcast %get3A_24 : f32 to vector<1280x128xf32>
    %mul3A_26 = arith.mulf %mul3A_22, %mul3A_25 : vector<1280x128xf32>
    %add3A_27 = arith.addf %get3A_17, %mul3A_26 : vector<1280x128xf32>
    %swap3A_28 = arith.constant 0 : index
    %swap3A_29 = arith.constant 0 : index
    %swap3A_30 = vector.load %arg7[%swap3A_28, %swap3A_29] : memref<1280x128xf32, #tpu.memory_space<vmem>>, vector<1280x128xf32>
    tpu.vector_store %arg7[%swap3A_28, %swap3A_29], %add3A_27 {strides = array<i32>} : memref<1280x128xf32, #tpu.memory_space<vmem>>, vector<1280x128xf32>,
    return
  }
  func.func @transform_0(%arg0: i32) -> i32 {
    %c0_i32 = arith.constant 0 : i32
    %c0_i32_0 = arith.constant 0 : i32
    return %c0_i32 : i32
  }
  func.func @transform_1(%arg0: i32) -> (i32, i32, i32) {
    %c0_i32 = arith.constant 0 : i32
    %c0_i32_0 = arith.constant 0 : i32
    %c0_i32_1 = arith.constant 0 : i32
    return %c0_i32, %arg0, %c0_i32_0 : i32, i32, i32
  }
  func.func @transform_2(%arg0: i32) -> (i32, i32) {
    %c0_i32 = arith.constant 0 : i32
    %c0_i32_0 = arith.constant 0 : i32
    return %arg0, %c0_i32 : i32, i32
  }
  func.func @transform_3(%arg0: i32) -> (i32, i32) {
    %c0_i32 = arith.constant 0 : i32
    %c0_i32_0 = arith.constant 0 : i32
    return %arg0, %c0_i32 : i32, i32
  }
  func.func @transform_4(%arg0: i32) -> (i32, i32) {
    %c0_i32 = arith.constant 0 : i32
    %c0_i32_0 = arith.constant 0 : i32
    return %arg0, %c0_i32 : i32, i32
  }
  func.func @transform_5(%arg0: i32) -> (i32, i32) {
    %c0_i32 = arith.constant 0 : i32
    %c0_i32_0 = arith.constant 0 : i32
    return %arg0, %c0_i32 : i32, i32
  }
  func.func @transform_6(%arg0: i32) -> (i32, i32) {
    %c0_i32 = arith.constant 0 : i32
    %c0_i32_0 = arith.constant 0 : i32
    return %arg0, %c0_i32 : i32, i32
  }
}

module attributes {stable_mosaic.version = 14 : i64} {
  func.func @_comb_body(%arg0: i32, %arg1: memref<4xf32, #tpu.memory_space<smem>>, %arg2: memref<2x1280x128xf32, #tpu.memory_space<vmem>>, %arg3: memref<1280x1xf32, #tpu.memory_space<vmem>>, %arg4: memref<1280x1xf32, #tpu.memory_space<vmem>>, %arg5: memref<1280x128xf32, #tpu.memory_space<vmem>>, %arg6: memref<1280x128xf32, #tpu.memory_space<vmem>>, %arg7: memref<1280x128xf32, #tpu.memory_space<vmem>>) attributes {dimension_semantics = [#tpu.dimension_semantics<arbitrary>], iteration_bounds = array<i64: 8>, scalar_prefetch = 0 : i64, scratch_operands = 0 : i64, tpu.core_type = #tpu.core_type<tc>, window_params = [{transform_indices = @transform_0, window_bounds = array<i64: 4>}, {transform_indices = @transform_1, window_bounds = array<i64: 2, 1280, 128>}, {transform_indices = @transform_2, window_bounds = array<i64: 1280, 1>}, {transform_indices = @transform_3, window_bounds = array<i64: 1280, 1>}, {transform_indices = @transform_4, window_bounds = array<i64: 1280, 128>}, {transform_indices = @transform_5, window_bounds = array<i64: 1280, 128>}, {transform_indices = @transform_6, window_bounds = array<i64: 1280, 128>}]} {
    %get3A = arith.constant 0 : index
    %get3A_0 = arith.constant 0 : index
    %get3A_1 = arith.constant 0 : index
    %get3A_2 = vector.load %arg2[%get3A, %get3A_0, %get3A_1] : memref<2x1280x128xf32, #tpu.memory_space<vmem>>, vector<1x1280x128xf32>
    %get3A_3 = vector.shape_cast %get3A_2 : vector<1x1280x128xf32> to vector<1280x128xf32>
    %get3A_4 = arith.constant 1 : index
    %get3A_5 = arith.constant 0 : index
    %get3A_6 = arith.constant 0 : index
    %get3A_7 = vector.load %arg2[%get3A_4, %get3A_5, %get3A_6] : memref<2x1280x128xf32, #tpu.memory_space<vmem>>, vector<1x1280x128xf32>
    %get3A_8 = vector.shape_cast %get3A_7 : vector<1x1280x128xf32> to vector<1280x128xf32>
    %add3A = arith.addf %get3A_3, %get3A_8 : vector<1280x128xf32>
    %get3A_9 = arith.constant 0 : index
    %get3A_10 = arith.constant 0 : index
    %get3A_11 = vector.load %arg4[%get3A_9, %get3A_10] : memref<1280x1xf32, #tpu.memory_space<vmem>>, vector<1280x1xf32>
    %mul3A = vector.broadcast %get3A_11 : vector<1280x1xf32> to vector<1280x128xf32>
    %mul3A_12 = arith.mulf %add3A, %mul3A : vector<1280x128xf32>
    %swap3A = arith.constant 0 : index
    %swap3A_13 = arith.constant 0 : index
    %swap3A_14 = vector.load %arg6[%swap3A, %swap3A_13] : memref<1280x128xf32, #tpu.memory_space<vmem>>, vector<1280x128xf32>
    tpu.vector_store %arg6[%swap3A, %swap3A_13], %mul3A_12 {strides = array<i32>} : memref<1280x128xf32, #tpu.memory_space<vmem>>, vector<1280x128xf32>,
    %get3A_15 = arith.constant 0 : index
    %get3A_16 = arith.constant 0 : index
    %get3A_17 = vector.load %arg5[%get3A_15, %get3A_16] : memref<1280x128xf32, #tpu.memory_space<vmem>>, vector<1280x128xf32>
    %get3A_18 = arith.constant 0 : index
    %get3A_19 = arith.constant 0 : index
    %get3A_20 = vector.load %arg3[%get3A_18, %get3A_19] : memref<1280x1xf32, #tpu.memory_space<vmem>>, vector<1280x1xf32>
    %mul3A_21 = vector.broadcast %get3A_20 : vector<1280x1xf32> to vector<1280x128xf32>
    %mul3A_22 = arith.mulf %add3A, %mul3A_21 : vector<1280x128xf32>
    %get3A_23 = arith.constant 2 : index
    %get3A_24 = memref.load %arg1[%get3A_23] : memref<4xf32, #tpu.memory_space<smem>>
    %mul3A_25 = vector.broadcast %get3A_24 : f32 to vector<1280x128xf32>
    %mul3A_26 = arith.mulf %mul3A_22, %mul3A_25 : vector<1280x128xf32>
    %add3A_27 = arith.addf %get3A_17, %mul3A_26 : vector<1280x128xf32>
    %swap3A_28 = arith.constant 0 : index
    %swap3A_29 = arith.constant 0 : index
    %swap3A_30 = vector.load %arg7[%swap3A_28, %swap3A_29] : memref<1280x128xf32, #tpu.memory_space<vmem>>, vector<1280x128xf32>
    tpu.vector_store %arg7[%swap3A_28, %swap3A_29], %add3A_27 {strides = array<i32>} : memref<1280x128xf32, #tpu.memory_space<vmem>>, vector<1280x128xf32>,
    return
  }
  func.func @transform_0(%arg0: i32) -> i32 {
    %c0_i32 = arith.constant 0 : i32
    %c0_i32_0 = arith.constant 0 : i32
    return %c0_i32 : i32
  }
  func.func @transform_1(%arg0: i32) -> (i32, i32, i32) {
    %c0_i32 = arith.constant 0 : i32
    %c0_i32_0 = arith.constant 0 : i32
    %c0_i32_1 = arith.constant 0 : i32
    return %c0_i32, %arg0, %c0_i32_0 : i32, i32, i32
  }
  func.func @transform_2(%arg0: i32) -> (i32, i32) {
    %c0_i32 = arith.constant 0 : i32
    %c0_i32_0 = arith.constant 0 : i32
    return %arg0, %c0_i32 : i32, i32
  }
  func.func @transform_3(%arg0: i32) -> (i32, i32) {
    %c0_i32 = arith.constant 0 : i32
    %c0_i32_0 = arith.constant 0 : i32
    return %arg0, %c0_i32 : i32, i32
  }
  func.func @transform_4(%arg0: i32) -> (i32, i32) {
    %c0_i32 = arith.constant 0 : i32
    %c0_i32_0 = arith.constant 0 : i32
    return %arg0, %c0_i32 : i32, i32
  }
  func.func @transform_5(%arg0: i32) -> (i32, i32) {
    %c0_i32 = arith.constant 0 : i32
    %c0_i32_0 = arith.constant 0 : i32
    return %arg0, %c0_i32 : i32, i32
  }
  func.func @transform_6(%arg0: i32) -> (i32, i32) {
    %c0_i32 = arith.constant 0 : i32
    %c0_i32_0 = arith.constant 0 : i32
    return %arg0, %c0_i32 : i32, i32
  }
}

module attributes {stable_mosaic.version = 14 : i64} {
  func.func @_comb_body(%arg0: i32, %arg1: memref<4xf32, #tpu.memory_space<smem>>, %arg2: memref<2x1280x128xf32, #tpu.memory_space<vmem>>, %arg3: memref<1280x1xf32, #tpu.memory_space<vmem>>, %arg4: memref<1280x1xf32, #tpu.memory_space<vmem>>, %arg5: memref<1280x128xf32, #tpu.memory_space<vmem>>, %arg6: memref<1280x128xf32, #tpu.memory_space<vmem>>, %arg7: memref<1280x128xf32, #tpu.memory_space<vmem>>) attributes {dimension_semantics = [#tpu.dimension_semantics<arbitrary>], iteration_bounds = array<i64: 8>, scalar_prefetch = 0 : i64, scratch_operands = 0 : i64, tpu.core_type = #tpu.core_type<tc>, window_params = [{transform_indices = @transform_0, window_bounds = array<i64: 4>}, {transform_indices = @transform_1, window_bounds = array<i64: 2, 1280, 128>}, {transform_indices = @transform_2, window_bounds = array<i64: 1280, 1>}, {transform_indices = @transform_3, window_bounds = array<i64: 1280, 1>}, {transform_indices = @transform_4, window_bounds = array<i64: 1280, 128>}, {transform_indices = @transform_5, window_bounds = array<i64: 1280, 128>}, {transform_indices = @transform_6, window_bounds = array<i64: 1280, 128>}]} {
    %get3A = arith.constant 0 : index
    %get3A_0 = arith.constant 0 : index
    %get3A_1 = arith.constant 0 : index
    %get3A_2 = vector.load %arg2[%get3A, %get3A_0, %get3A_1] : memref<2x1280x128xf32, #tpu.memory_space<vmem>>, vector<1x1280x128xf32>
    %get3A_3 = vector.shape_cast %get3A_2 : vector<1x1280x128xf32> to vector<1280x128xf32>
    %get3A_4 = arith.constant 1 : index
    %get3A_5 = arith.constant 0 : index
    %get3A_6 = arith.constant 0 : index
    %get3A_7 = vector.load %arg2[%get3A_4, %get3A_5, %get3A_6] : memref<2x1280x128xf32, #tpu.memory_space<vmem>>, vector<1x1280x128xf32>
    %get3A_8 = vector.shape_cast %get3A_7 : vector<1x1280x128xf32> to vector<1280x128xf32>
    %add3A = arith.addf %get3A_3, %get3A_8 : vector<1280x128xf32>
    %get3A_9 = arith.constant 0 : index
    %get3A_10 = arith.constant 0 : index
    %get3A_11 = vector.load %arg4[%get3A_9, %get3A_10] : memref<1280x1xf32, #tpu.memory_space<vmem>>, vector<1280x1xf32>
    %mul3A = vector.broadcast %get3A_11 : vector<1280x1xf32> to vector<1280x128xf32>
    %mul3A_12 = arith.mulf %add3A, %mul3A : vector<1280x128xf32>
    %swap3A = arith.constant 0 : index
    %swap3A_13 = arith.constant 0 : index
    %swap3A_14 = vector.load %arg6[%swap3A, %swap3A_13] : memref<1280x128xf32, #tpu.memory_space<vmem>>, vector<1280x128xf32>
    tpu.vector_store %arg6[%swap3A, %swap3A_13], %mul3A_12 {strides = array<i32>} : memref<1280x128xf32, #tpu.memory_space<vmem>>, vector<1280x128xf32>,
    %get3A_15 = arith.constant 0 : index
    %get3A_16 = arith.constant 0 : index
    %get3A_17 = vector.load %arg5[%get3A_15, %get3A_16] : memref<1280x128xf32, #tpu.memory_space<vmem>>, vector<1280x128xf32>
    %get3A_18 = arith.constant 0 : index
    %get3A_19 = arith.constant 0 : index
    %get3A_20 = vector.load %arg3[%get3A_18, %get3A_19] : memref<1280x1xf32, #tpu.memory_space<vmem>>, vector<1280x1xf32>
    %mul3A_21 = vector.broadcast %get3A_20 : vector<1280x1xf32> to vector<1280x128xf32>
    %mul3A_22 = arith.mulf %add3A, %mul3A_21 : vector<1280x128xf32>
    %get3A_23 = arith.constant 3 : index
    %get3A_24 = memref.load %arg1[%get3A_23] : memref<4xf32, #tpu.memory_space<smem>>
    %mul3A_25 = vector.broadcast %get3A_24 : f32 to vector<1280x128xf32>
    %mul3A_26 = arith.mulf %mul3A_22, %mul3A_25 : vector<1280x128xf32>
    %add3A_27 = arith.addf %get3A_17, %mul3A_26 : vector<1280x128xf32>
    %swap3A_28 = arith.constant 0 : index
    %swap3A_29 = arith.constant 0 : index
    %swap3A_30 = vector.load %arg7[%swap3A_28, %swap3A_29] : memref<1280x128xf32, #tpu.memory_space<vmem>>, vector<1280x128xf32>
    tpu.vector_store %arg7[%swap3A_28, %swap3A_29], %add3A_27 {strides = array<i32>} : memref<1280x128xf32, #tpu.memory_space<vmem>>, vector<1280x128xf32>,
    return
  }
  func.func @transform_0(%arg0: i32) -> i32 {
    %c0_i32 = arith.constant 0 : i32
    %c0_i32_0 = arith.constant 0 : i32
    return %c0_i32 : i32
  }
  func.func @transform_1(%arg0: i32) -> (i32, i32, i32) {
    %c0_i32 = arith.constant 0 : i32
    %c0_i32_0 = arith.constant 0 : i32
    %c0_i32_1 = arith.constant 0 : i32
    return %c0_i32, %arg0, %c0_i32_0 : i32, i32, i32
  }
  func.func @transform_2(%arg0: i32) -> (i32, i32) {
    %c0_i32 = arith.constant 0 : i32
    %c0_i32_0 = arith.constant 0 : i32
    return %arg0, %c0_i32 : i32, i32
  }
  func.func @transform_3(%arg0: i32) -> (i32, i32) {
    %c0_i32 = arith.constant 0 : i32
    %c0_i32_0 = arith.constant 0 : i32
    return %arg0, %c0_i32 : i32, i32
  }
  func.func @transform_4(%arg0: i32) -> (i32, i32) {
    %c0_i32 = arith.constant 0 : i32
    %c0_i32_0 = arith.constant 0 : i32
    return %arg0, %c0_i32 : i32, i32
  }
  func.func @transform_5(%arg0: i32) -> (i32, i32) {
    %c0_i32 = arith.constant 0 : i32
    %c0_i32_0 = arith.constant 0 : i32
    return %arg0, %c0_i32 : i32, i32
  }
  func.func @transform_6(%arg0: i32) -> (i32, i32) {
    %c0_i32 = arith.constant 0 : i32
    %c0_i32_0 = arith.constant 0 : i32
    return %arg0, %c0_i32 : i32, i32
  }
}

</mosaic_0001>

<sc_bundles>
// kernel: kernel.10.cloned.1.call-start
scs
__scs_entry_jumppad:
0x0: {  	(pc) =	sbr.rel $0x88, $3  }
0x1: {  	(tag) =	ssettag $0x0;
	lr =	simm.s32 $0x1  }
0x2: {  	[smem:$0x3F9E] =	sst lr;
	_ =	strace $0xD0000000  }
0x3: {  	_ = 	snop  }
0x4: {  	_ = 	snop  }
0x5: {  	_ = 	snop  }
0x6: {  	_ = 	snop  }
0x7: {  	_ = 	snop  }
__scs_overlays_trampoline_lowered:
0x8: {  	[smem:$0x3FAD] =	sst s0  }
0x9: {  	[smem:$0x3FAE] =	sst s1  }
0xa: {  	[smem:$0x3FAF] =	sst s2  }
0xb: {  	[smem:$0x3FB0] =	sst s3  }
0xc: {  	[smem:$0x3FB1] =	sst s4  }
0xd: {  	[smem:$0x3FB2] =	sst s5  }
0xe: {  	[smem:$0x3FB3] =	sst s6  }
0xf: {  	[smem:$0x3FB4] =	sst s7  }
0x10: {  	[smem:$0x3FB5] =	sst s8  }
0x11: {  	[smem:$0x3FB6] =	sst s9;
	s0 =	simm.s32 @!p0 $0x0  }
0x12: {  	s1 =	sld [smem:$0x3F9C];
	s0 =	simm.s32 @p0 $0x1  }
0x13: {  	[smem:$0x3FB7] =	sst s0;
	s0 =	simm.s32 @!p1 $0x0  }
0x14: {  	s2 =	sld [smem:$0x3F9B];
	s0 =	simm.s32 @p1 $0x1  }
0x15: {  	[smem:$0x3FB8] =	sst s0;
	s0 =	simm.s32 @!p2 $0x0  }
0x16: {  	s3 =	sld [smem:$0x3FDB];
	s0 =	simm.s32 @p2 $0x1  }
0x17: {  	s4 =	simm.s32 $0x1BF5;
	[smem:$0x3FBA] =	sst s0  }
0x18: {  	s0 =	sld [smem:$0x3F9D];
	_ =	swait.ge [sflag:s4], $0x0  }
0x19: {  	s7 =	sld [smem:$0x3F9E]  }
0x1a: {  	s8 =	sadd.s32 $0xFFFFE003, lr  }
0x1b: {  	s9 =	sadd.s32 $0xFFFFFEF7, lr;
	s5 =	simm.s32 $0xFFFFFFFF;
	p2 =	slt.u32 s8, $0xFFFFF086  }
0x1c: {  	p1 =	slt.u32 s9, $0xF7A;
	s5 =	simm.s32 @!p2 $0x0  }
0x1d: {  	s5 =	simm.s32 @p1 $0x1;
	p0 =	seq.s32 s7, s2  }
0x1e: {  	s7 =	smul.u32 @!p0 $0xF7A, s2;
	p2 =	seq.s32 @!p0 s5, $0x0  }
0x1f: {  	s9 =	smul.u32 $0xF7A, s1;
	s8 =	simm.s32 @!p0 $0x1BF5;
	p2 =	por !p2, p0  }
0x20: {  	[sflag:s8] =	ssyncset.s32 @!p0 $0xFFFFF086;
	s6 =	sadd.s32 @!p0 s3, s7;
	s7 =	simm.s32 @!p0 $0x108  }
0x21: {  	s3 =	sadd.s32 s3, s9;
	s6 =	sadd.s32 @!p0 $0x88, s6;
	s7 =	simm.s32 @p2 $0x1082  }
0x22: {  	[simem:s7], [sflag:s8] =	dma.local @!p0 [hbm:s6], $0xF7A  }
0x23: {  	s9 =	sor.u32 $0xD0000000, s2;
	s6 =	simm.s32 $0x108;
	_ =	swait.ge @!p0 [sflag:s8], $0x0  }
0x24: {  	s3 =	sadd.s32 $0x88, s3;
	s6 =	simm.s32 @!p1 $0x1082;
	[sflag:s4] =	ssyncset.s32 $0xFFFFF086  }
0x25: {  	[simem:s6], [sflag:s4] =	dma.local [hbm:s3], $0xF7A  }
0x26: {  	[smem:$0x3F9E] =	sst s1;
	(tag) =	ssettag s2;
	_ =	strace s9  }
0x27: {  	s1 =	sld [smem:$0x3FAE]  }
0x28: {  	s2 =	sld [smem:$0x3FAF]  }
0x29: {  	s4 =	sld [smem:$0x3FB1]  }
0x2a: {  	p0 =	seq.s32 s5, $0x0;
	s5 =	sld [smem:$0x3FB2]  }
0x2b: {  	s6 =	sld [smem:$0x3FB3]  }
0x2c: {  	s7 =	sld [smem:$0x3FB4]  }
0x2d: {  	s3 =	simm.s32 $0x108;
	s8 =	sld [smem:$0x3FB5]  }
0x2e: {  	s3 =	simm.s32 @!p0 $0x1082;
	s9 =	sld [smem:$0x3FB6]  }
0x2f: {  	lr =	sadd.s32 s0, s3;
	s0 =	sld [smem:$0x3FAD]  }
0x30: {  	s3 =	sld [smem:$0x3FB0]  }
0x31: {  	[smem:$0x3FB9] =	sst s10  }
0x32: {  	s10 =	sld [smem:$0x3FB7];
	_ =	sdelay $0x3  }
0x33: {  	p0 =	seq.s32 s10, $0x1;
	s10 =	sld [smem:$0x3FB9];
	_ =	sdelay $0x3  }
0x34: {  	[smem:$0x3FB9] =	sst s10  }
0x35: {  	s10 =	sld [smem:$0x3FB8];
	_ =	sdelay $0x3  }
0x36: {  	p1 =	seq.s32 s10, $0x1;
	s10 =	sld [smem:$0x3FB9];
	_ =	sdelay $0x3  }
0x37: {  	[smem:$0x3FB9] =	sst s10  }
0x38: {  	s10 =	sld [smem:$0x3FBA]  }
0x39: {  	_ = 	snop;
	(pc) =	sbr.ind lr, $3  }
0x3a: {  	_ = 	snop  }
0x3b: {  	_ = 	snop  }
0x3c: {  	p2 =	seq.s32 s10, $0x1;
	s10 =	sld [smem:$0x3FB9]  }
0x3d: {  	_ =	shalt  }
0x3e: {  	_ =	shalt  }
0x3f: {  	_ =	shalt  }
0x40: {  	_ =	shalt  }
0x41: {  	_ =	shalt  }
0x42: {  	_ =	shalt  }
0x43: {  	_ =	shalt  }
0x44: {  	_ =	shalt  }
0x45: {  	_ =	shalt  }
0x46: {  	_ =	shalt  }
0x47: {  	_ =	shalt  }
0x48: {  	_ =	shalt  }
0x49: {  	_ =	shalt  }
0x4a: {  	_ =	shalt  }
0x4b: {  	_ =	shalt  }
0x4c: {  	_ =	shalt  }
0x4d: {  	_ =	shalt  }
0x4e: {  	_ =	shalt  }
0x4f: {  	_ =	shalt  }
0x50: {  	_ =	shalt  }
0x51: {  	_ =	shalt  }
0x52: {  	_ =	shalt  }
0x53: {  	_ =	shalt  }
0x54: {  	_ =	shalt  }
0x55: {  	_ =	shalt  }
0x56: {  	_ =	shalt  }
0x57: {  	_ =	shalt  }
0x58: {  	_ =	shalt  }
0x59: {  	_ =	shalt  }
0x5a: {  	_ =	shalt  }
0x5b: {  	_ =	shalt  }
0x5c: {  	_ =	shalt  }
0x5d: {  	_ =	shalt  }
0x5e: {  	_ =	shalt  }
0x5f: {  	_ =	shalt  }
0x60: {  	_ =	shalt  }
0x61: {  	_ =	shalt  }
0x62: {  	_ =	shalt  }
0x63: {  	_ =	shalt  }
0x64: {  	_ =	shalt  }
0x65: {  	_ =	shalt  }
0x66: {  	_ =	shalt  }
0x67: {  	_ =	shalt  }
0x68: {  	_ =	shalt  }
0x69: {  	_ =	shalt  }
0x6a: {  	_ =	shalt  }
0x6b: {  	_ =	shalt  }
0x6c: {  	_ =	shalt  }
0x6d: {  	_ =	shalt  }
0x6e: {  	_ =	shalt  }
0x6f: {  	_ =	shalt  }
0x70: {  	_ =	shalt  }
0x71: {  	_ =	shalt  }
0x72: {  	_ =	shalt  }
0x73: {  	_ =	shalt  }
0x74: {  	_ =	shalt  }
0x75: {  	_ =	shalt  }
0x76: {  	_ =	shalt  }
0x77: {  	_ =	shalt  }
0x78: {  	_ =	shalt  }
0x79: {  	_ =	shalt  }
0x7a: {  	_ =	shalt  }
0x7b: {  	_ =	shalt  }
0x7c: {  	_ =	shalt  }
0x7d: {  	_ =	shalt  }
0x7e: {  	_ =	shalt  }
0x7f: {  	_ =	shalt  }
0x80: {  	_ =	shalt  }
0x81: {  	_ =	shalt  }
0x82: {  	_ =	shalt  }
0x83: {  	_ =	shalt  }
0x84: {  	_ =	shalt  }
0x85: {  	_ =	shalt  }
0x86: {  	_ =	shalt  }
0x87: {  	_ =	shalt  }
.Lfunc_end0:
.L_simem_size_0:
called_computation_lowered:
.L_overlay_start_0:
0x88: {  	s2 =	sld [smem:$0x3FD9]  }
0x89: {  	s3 =	sld [smem:$0x3FFE];
	_ =	sdelay $0x1  }
0x8a: {  	s1 =	srdreg.scid  }
0x8b: {  	s0 =	sand.u32 $0x1, s1  }
0x8c: {  	s16 =	sshll.u32 s0, $0xA;
	s2 =	sadd.s32 s3, s2  }
0x8d: {  	s2 =	sadd.s32 s2, s16  }
0x8e: {  	[smem:$0x3FC5] =	sst s2  }
0x8f: {  	_ = 	snop  }
0x90: {  	(tm) =	ssettm $0x1  }
0x91: {  	s17 =	sld [smem:$0x3FFB];
	_ =	sdelay $0x3  }
0x92: {  	_ =	strace s17  }
0x93: {  	s2 =	sld [smem:$0x3FFC];
	_ =	sdelay $0x3  }
0x94: {  	_ =	strace s2  }
0x95: {  	s2 =	sld [smem:$0x3FFD];
	_ =	sdelay $0x3  }
0x96: {  	_ =	strace s2  }
0x97: {  	_ =	strace $0x8FFFFFFF  }
0x98: {  	s18 =	sld [smem:$0x3FDB];
	_ =	sdelay $0x1  }
0x99: {  	s19 =	simm.s32 $_scs_section_size  }
0x9a: {  	s4 =	simm.s32 $_size__tile_overlayer_lowered;
	s5 =	simm.s32 $_tile_overlayer_lowered  }
0x9b: {  	s22 =	simm.s32 $0x1BFF;
	s21 =	sshll.u32 s5, $0x1;
	s2 =	sadd.s32 s19, s18  }
0x9c: {  	s6 =	simm.s32 $0x0;
	s20 =	sshll.u32 s4, $0x1;
	s4 =	sadd.s32 s21, s2  }
0x9d: {  	[timem:s6], [sflag:s22] =	dma.local [hbm:s4], s20  }
0x9e: {  	_ =	swait.ge [sflag:s22], s20  }
0x9f: {  	s3 =	ssub.s32 $0x0, s20;
	[sflag:s22] =	ssyncset.done $0x0  }
0xa0: {  	[sflag:s22] =	ssyncadd.s32 s3;
	_ =	sdelay $0x1  }
0xa1: {  	s23 =	simm.s32 $0x1B8B  }
0xa2: {  	_ =	swait.ge [sflag:s23], $0x1  }
0xa3: {  	[sflag:s23] =	ssyncset.done $0x0  }
0xa4: {  	s25 =	simm.s32 $0x1B8E;
	s24 =	sld [smem:$0x3FFE];
	[sflag:s23] =	ssyncadd.s32 $0xFFFFFFFF  }
0xa5: {  	s26 =	simm.s32 $execute0_lowered;
	[smem:$0x3FD2] =	sst s25  }
0xa6: {  	s4 =	sshll.u32 s26, $0x1;
	_ =	strace $0x80000046;
	[dreg:$0x1] =	wrdreg $0xFFFFFFFF  }
0xa7: {  	s28 =	simm.s32 $_size_execute0_lowered;
	s2 =	sadd.s32 s2, s4;
	[dreg:$0x0] =	wrdreg $0x0  }
0xa8: {  	s4 =	sshll.u32 s28, $0x1;
	[dreg:$0x2] =	wrdreg s2  }
0xa9: {  	[dreg:$0x3] =	wrdreg s4  }
0xaa: {  	[dreg:$0x4] =	wrdreg $0xC0  }
0xab: {  	_ =	task [dreg:s6], $0x5FFFF  }
0xac: {  	[dreg:$0x1] =	wrdreg $0xFFFFFFFF  }
0xad: {  	[dreg:$0x0] =	wrdreg $0x60  }
0xae: {  	[dreg:$0x2] =	wrdreg s24  }
0xaf: {  	[dreg:$0x3] =	wrdreg $0x68000  }
0xb0: {  	[dreg:$0x4] =	wrdreg $0x9  }
0xb1: {  	_ =	task.clear_ibuf [dreg:s6], $0x5FFFF;
	_ =	strace $0x90000046  }
0xb2: {  	s29 =	simm.s32 $0x9;
	_ =	strace $0x80000048  }
0xb3: {  	_ =	swait.ge [sflag:s29], $0x1  }
0xb4: {  	[sflag:s29] =	ssyncadd.s32 $0xFFFFFFFF  }
0xb5: {  	_ =	strace $0x90000048  }
0xb6: {  	_ =	sfence  }
0xb7: {  	s30 =	sld [smem:$0x0];
	_ =	sdelay $0x2  }
0xb8: {  	s31 =	sshll.u32 s1, $0xD;
	s1 =	sshrl.u32 s1, $0x2  }
0xb9: {  	s3 =	sand.u32 $0x4000, s31;
	s1 =	sadd.s32 s1, s30  }
0xba: {  	s0 =	sor.u32 s3, s0;
	s1 =	sshll.u32 s1, $0x11  }
0xbb: {  	s0 =	sor.u32 s1, s0  }
0xbc: {  	s0 =	sadd.s32 $0x8F2B, s0  }
0xbd: {  	[sflag:s0] =	ssyncadd.remote.s32 $0x1  }
0xbe: {  	_ =	sfence.sel $0xFFFF  }
0xbf: {  	[dreg:$0x0] =	wrdreg $0xFFFFFFFF;
	(pc) =	sbr.abs _section_cstart, $3  }
0xc0: {  	[dreg:$0x1] =	wrdreg $0xFFFFFFFF  }
0xc1: {  	_ =	task.clear_ibuf [dreg:s6], $0x2FFFF;
	_ =	strace $0x9FFFFFFF  }
0xc2: {  	(tm) =	ssettm $0x7FFFFFFF  }
0xc3: {  	_ =	shalt  }
tec
execute0_lowered:
.L_overlay_start_1:
0x0: {  	(tag) =	ssettag $0x1  }
0x1: {  	s1 =	srdreg.scid;
	s5 =	rddreg [dreg:$0x0]  }
0x2: {  	s0 =	stileid.u32;
	s2 =	rddreg [dreg:$0x1];
	s3 =	simm.s32 $0x0  }
0x3: {  	s14 =	simm.s32 $0x0;
	s4 =	sand.u32 $0x1, s1;
	s1 =	rddreg [dreg:$0x2]  }
0x4: {  	s25 =	sshll.u32 s0, $0x1;
	s7 =	smul.u32 $0x14000, s0;
	[smem:$0x7FF] =	sst s3  }
0x5: {  	s29 =	smul.u32 $0x50000, s0;
	s31 =	sshll.u32 s0, $0x6;
	s6 =	sor.u32 s4, s25  }
0x6: {  	s9 =	smul.u32 $0x140000, s4;
	_ =	strace $0x80000047;
	s28 =	ssub.s32 $0x2, s4  }
0x7: {  	s4 =	sadd.s32 $0xC800, s5;
	s6 =	smul.u32 $0x500, s6;
	s8 =	sshrl.u32 s7, $0x3  }
0x8: {  	s11 =	sshrl.u32 s28, $0x1;
	s30 =	sshrl.u32 s29, $0x2;
	s26 =	sadd.s32 s8, s5  }
0x9: {  	s7 =	sadd.s32 s7, s9;
	s11 =	ssub.s32 s28, s11;
	s13 =	sadd.s32 s30, s2  }
0xa: {  	s10 =	sadd.s32 s6, s5;
	s7 =	sshrl.u32 s7, $0x3;
	s6 =	sor.u32 $0x1C01, s31  }
0xb: {  	s9 =	smax.u32 s11, $0x1;
	s11 =	simm.s32 $0x1;
	s12 =	sadd.s32 s7, s5  }
0xc: {  	s5 =	sadd.s32 $0xD000, s26;
	s7 =	sadd.s32 $0x2800, s10;
	s10 =	sshrl.u32 s13, $0x3  }
0xd: {  	s13 =	simm.s32 $0x80;
	s8 =	sadd.s32 $0x35000, s12;
	s12 =	simm.s32 $0x2800  }
.LBB2_1:
0xe: {  	[spmem:s10], [sflag:s6] =	dma.local [hbm:s5], $0x2800  }
0xf: {  	_ =	swait.ge [sflag:s11], $0x2800  }
0x10: {  	[sflag:s11] =	ssyncset.done $0x0  }
0x11: {  	[sflag:s11] =	ssyncadd.s32 $0xFFFFD800  }
0x12: {  	[tilespmem:s3], [sflag:$0x1] =	stream.linear.gather [hbm4b:s7+s3], $0x2800, $0x38;
	[tilespmem:$0x1A800] =	vst v63  }
0x13: {  	_ =	swait.ge [sflag:s11], $0x2800  }
0x14: {  	[sflag:s11] =	ssyncset.done $0x0  }
0x15: {  	[sflag:s11] =	ssyncadd.s32 $0xFFFFD800  }
0x16: {  	[tilespmem:s12], [sflag:$0x1] =	stream.linear.gather [hbm4b:s4+s3], $0x4000, $0x38;
	[tilespmem:$0x1A800] =	vst v63  }
0x17: {  	_ =	swait.ge [sflag:s11], $0x4000  }
0x18: {  	[sflag:s11] =	ssyncset.done $0x0  }
0x19: {  	[sflag:s11] =	ssyncadd.s32 $0xFFFFC000  }
0x1a: {  	s15 =	simm.s32 $0x0;
	[bflag:$0x0] =	sbarrier.arrive $0xFFFF  }
0x1b: {  	[spmem:s2] =	stream.indirect.scatter.add.f32 [tilespmem:s12], [sflag:$0x1], $0x80, s15, s13, $0xb8;
	[tilespmem:$0x1A800] =	vst v63  }
0x1c: {  	_ =	swait.ge [sflag:s11], $0x4000  }
0x1d: {  	s15 =	simm.s32 $0x200;
	[sflag:s11] =	ssyncset.done $0x0  }
.LBB2_2:
0x1e: {  	s16 =	sshra.s32 s15, $0x2;
	[sflag:s11] =	ssyncadd.s32 $0xFFFFC000;
	p0 =	sne.s32 s15, $0x9E00  }
0x1f: {  	[spmem:s2] =	stream.indirect.scatter.add.f32 [tilespmem:s12], [sflag:$0x1], $0x80, s16, s13, $0xb8;
	[tilespmem:$0x1A800] =	vst v63  }
.Ltmp0:
0x20: {  	_ = 	snop;
	(pc) =	sbr.rel @p0 .LBB2_2-.Ltmp0, $4  }
0x21: {  	_ = 	snop  }
0x22: {  	s15 =	sadd.s32 $0x200, s15  }
0x23: {  	_ =	swait.ge [sflag:s11], $0x4000  }
0x24: {  	[sflag:s11] =	ssyncset.done $0x0  }
0x25: {  	s14 =	sadd.s32 $0x1, s14  }
0x26: {  	[sflag:s11] =	ssyncadd.s32 $0xFFFFC000;
	p0 =	sne.s32 s14, s9  }
.Ltmp1:
0x27: {  	[bflag:$0x0] =	sbarrier.arrive $0xFFFF;
	(pc) =	sbr.rel @p0 .LBB2_1-.Ltmp1, $4  }
0x28: {  	[hbm:s8], [sflag:s6] =	dma.local [spmem:s10], $0x2800  }
0x29: {  	_ =	swait.ge [sflag:s11], $0x2800  }
0x2a: {  	[sflag:s11] =	ssyncset.done $0x0  }
0x2b: {  	[sflag:s11] =	ssyncadd.s32 $0xFFFFD800  }
0x2c: {  	_ =	sfence.sel $0x180000  }
0x2d: {  	[bflag:$0x0] =	sbarrier.arrive $0xFFFF  }
0x2e: {  	p0 =	sne.s32 s0, $0x0;
	_ =	strace $0x90000047  }
0x2f: {  	s0 =	sadd.s32 @!p0 $0x100000, s1;
	[bflag:$0x2] =	sbarrier.arrive $0xFFFF  }
0x30: {  	[sflag:s0] =	ssyncadd.tile.s32 @!p0 $0x1;
	_ =	shalt  }
.Lfunc_end2:
_tile_overlayer_lowered:
.L_overlay_start_2:
0x31: {  	(tag) =	ssettag $0x2  }
0x32: {  	s0 =	rddreg [dreg:$0x0];
	s2 =	stileid.u32  }
0x33: {  	s1 =	rddreg [dreg:$0x1];
	p0 =	sne.s32 s2, $0x0  }
0x34: {  	s3 =	rddreg [dreg:$0x2];
	[bflag:$0x3] =	sbarrier.arrive $0xFFFF;
	s2 =	simm.s32 @!p0 $0x1C01  }
0x35: {  	[timem:s3], [sflag:s2] =	dma.local @!p0 [hbm:s0], s1  }
0x36: {  	s0 =	simm.s32 @!p0 $0x1  }
0x37: {  	_ =	swait.ge @!p0 [sflag:s0], s1  }
0x38: {  	s1 =	ssub.s32 @!p0 $0x0, s1;
	[sflag:s0] =	ssyncset.done @!p0 $0x0  }
0x39: {  	[sflag:s0] =	ssyncadd.s32 @!p0 s1  }
0x3a: {  	[bflag:$0x3] =	sbarrier.arrive $0xFFFF  }
0x3b: {  	_ =	shalt  }

// kernel: kernel.13.cloned.1.call-start
scs
__scs_entry_jumppad:
0x0: {  	(pc) =	sbr.rel $0x88, $3  }
0x1: {  	(tag) =	ssettag $0x0;
	lr =	simm.s32 $0x1  }
0x2: {  	[smem:$0x3F9E] =	sst lr;
	_ =	strace $0xD0000000  }
0x3: {  	_ = 	snop  }
0x4: {  	_ = 	snop  }
0x5: {  	_ = 	snop  }
0x6: {  	_ = 	snop  }
0x7: {  	_ = 	snop  }
__scs_overlays_trampoline_lowered:
0x8: {  	[smem:$0x3FAD] =	sst s0  }
0x9: {  	[smem:$0x3FAE] =	sst s1  }
0xa: {  	[smem:$0x3FAF] =	sst s2  }
0xb: {  	[smem:$0x3FB0] =	sst s3  }
0xc: {  	[smem:$0x3FB1] =	sst s4  }
0xd: {  	[smem:$0x3FB2] =	sst s5  }
0xe: {  	[smem:$0x3FB3] =	sst s6  }
0xf: {  	[smem:$0x3FB4] =	sst s7  }
0x10: {  	[smem:$0x3FB5] =	sst s8  }
0x11: {  	[smem:$0x3FB6] =	sst s9;
	s0 =	simm.s32 @!p0 $0x0  }
0x12: {  	s1 =	sld [smem:$0x3F9C];
	s0 =	simm.s32 @p0 $0x1  }
0x13: {  	[smem:$0x3FB7] =	sst s0;
	s0 =	simm.s32 @!p1 $0x0  }
0x14: {  	s2 =	sld [smem:$0x3F9B];
	s0 =	simm.s32 @p1 $0x1  }
0x15: {  	[smem:$0x3FB8] =	sst s0;
	s0 =	simm.s32 @!p2 $0x0  }
0x16: {  	s3 =	sld [smem:$0x3FDB];
	s0 =	simm.s32 @p2 $0x1  }
0x17: {  	s4 =	simm.s32 $0x1BF5;
	[smem:$0x3FBA] =	sst s0  }
0x18: {  	s0 =	sld [smem:$0x3F9D];
	_ =	swait.ge [sflag:s4], $0x0  }
0x19: {  	s7 =	sld [smem:$0x3F9E]  }
0x1a: {  	s8 =	sadd.s32 $0xFFFFE003, lr  }
0x1b: {  	s9 =	sadd.s32 $0xFFFFFEF7, lr;
	s5 =	simm.s32 $0xFFFFFFFF;
	p2 =	slt.u32 s8, $0xFFFFF086  }
0x1c: {  	p1 =	slt.u32 s9, $0xF7A;
	s5 =	simm.s32 @!p2 $0x0  }
0x1d: {  	s5 =	simm.s32 @p1 $0x1;
	p0 =	seq.s32 s7, s2  }
0x1e: {  	s7 =	smul.u32 @!p0 $0xF7A, s2;
	p2 =	seq.s32 @!p0 s5, $0x0  }
0x1f: {  	s9 =	smul.u32 $0xF7A, s1;
	s8 =	simm.s32 @!p0 $0x1BF5;
	p2 =	por !p2, p0  }
0x20: {  	[sflag:s8] =	ssyncset.s32 @!p0 $0xFFFFF086;
	s6 =	sadd.s32 @!p0 s3, s7;
	s7 =	simm.s32 @!p0 $0x108  }
0x21: {  	s3 =	sadd.s32 s3, s9;
	s6 =	sadd.s32 @!p0 $0x88, s6;
	s7 =	simm.s32 @p2 $0x1082  }
0x22: {  	[simem:s7], [sflag:s8] =	dma.local @!p0 [hbm:s6], $0xF7A  }
0x23: {  	s9 =	sor.u32 $0xD0000000, s2;
	s6 =	simm.s32 $0x108;
	_ =	swait.ge @!p0 [sflag:s8], $0x0  }
0x24: {  	s3 =	sadd.s32 $0x88, s3;
	s6 =	simm.s32 @!p1 $0x1082;
	[sflag:s4] =	ssyncset.s32 $0xFFFFF086  }
0x25: {  	[simem:s6], [sflag:s4] =	dma.local [hbm:s3], $0xF7A  }
0x26: {  	[smem:$0x3F9E] =	sst s1;
	(tag) =	ssettag s2;
	_ =	strace s9  }
0x27: {  	s1 =	sld [smem:$0x3FAE]  }
0x28: {  	s2 =	sld [smem:$0x3FAF]  }
0x29: {  	s4 =	sld [smem:$0x3FB1]  }
0x2a: {  	p0 =	seq.s32 s5, $0x0;
	s5 =	sld [smem:$0x3FB2]  }
0x2b: {  	s6 =	sld [smem:$0x3FB3]  }
0x2c: {  	s7 =	sld [smem:$0x3FB4]  }
0x2d: {  	s3 =	simm.s32 $0x108;
	s8 =	sld [smem:$0x3FB5]  }
0x2e: {  	s3 =	simm.s32 @!p0 $0x1082;
	s9 =	sld [smem:$0x3FB6]  }
0x2f: {  	lr =	sadd.s32 s0, s3;
	s0 =	sld [smem:$0x3FAD]  }
0x30: {  	s3 =	sld [smem:$0x3FB0]  }
0x31: {  	[smem:$0x3FB9] =	sst s10  }
0x32: {  	s10 =	sld [smem:$0x3FB7];
	_ =	sdelay $0x3  }
0x33: {  	p0 =	seq.s32 s10, $0x1;
	s10 =	sld [smem:$0x3FB9];
	_ =	sdelay $0x3  }
0x34: {  	[smem:$0x3FB9] =	sst s10  }
0x35: {  	s10 =	sld [smem:$0x3FB8];
	_ =	sdelay $0x3  }
0x36: {  	p1 =	seq.s32 s10, $0x1;
	s10 =	sld [smem:$0x3FB9];
	_ =	sdelay $0x3  }
0x37: {  	[smem:$0x3FB9] =	sst s10  }
0x38: {  	s10 =	sld [smem:$0x3FBA]  }
0x39: {  	_ = 	snop;
	(pc) =	sbr.ind lr, $3  }
0x3a: {  	_ = 	snop  }
0x3b: {  	_ = 	snop  }
0x3c: {  	p2 =	seq.s32 s10, $0x1;
	s10 =	sld [smem:$0x3FB9]  }
0x3d: {  	_ =	shalt  }
0x3e: {  	_ =	shalt  }
0x3f: {  	_ =	shalt  }
0x40: {  	_ =	shalt  }
0x41: {  	_ =	shalt  }
0x42: {  	_ =	shalt  }
0x43: {  	_ =	shalt  }
0x44: {  	_ =	shalt  }
0x45: {  	_ =	shalt  }
0x46: {  	_ =	shalt  }
0x47: {  	_ =	shalt  }
0x48: {  	_ =	shalt  }
0x49: {  	_ =	shalt  }
0x4a: {  	_ =	shalt  }
0x4b: {  	_ =	shalt  }
0x4c: {  	_ =	shalt  }
0x4d: {  	_ =	shalt  }
0x4e: {  	_ =	shalt  }
0x4f: {  	_ =	shalt  }
0x50: {  	_ =	shalt  }
0x51: {  	_ =	shalt  }
0x52: {  	_ =	shalt  }
0x53: {  	_ =	shalt  }
0x54: {  	_ =	shalt  }
0x55: {  	_ =	shalt  }
0x56: {  	_ =	shalt  }
0x57: {  	_ =	shalt  }
0x58: {  	_ =	shalt  }
0x59: {  	_ =	shalt  }
0x5a: {  	_ =	shalt  }
0x5b: {  	_ =	shalt  }
0x5c: {  	_ =	shalt  }
0x5d: {  	_ =	shalt  }
0x5e: {  	_ =	shalt  }
0x5f: {  	_ =	shalt  }
0x60: {  	_ =	shalt  }
0x61: {  	_ =	shalt  }
0x62: {  	_ =	shalt  }
0x63: {  	_ =	shalt  }
0x64: {  	_ =	shalt  }
0x65: {  	_ =	shalt  }
0x66: {  	_ =	shalt  }
0x67: {  	_ =	shalt  }
0x68: {  	_ =	shalt  }
0x69: {  	_ =	shalt  }
0x6a: {  	_ =	shalt  }
0x6b: {  	_ =	shalt  }
0x6c: {  	_ =	shalt  }
0x6d: {  	_ =	shalt  }
0x6e: {  	_ =	shalt  }
0x6f: {  	_ =	shalt  }
0x70: {  	_ =	shalt  }
0x71: {  	_ =	shalt  }
0x72: {  	_ =	shalt  }
0x73: {  	_ =	shalt  }
0x74: {  	_ =	shalt  }
0x75: {  	_ =	shalt  }
0x76: {  	_ =	shalt  }
0x77: {  	_ =	shalt  }
0x78: {  	_ =	shalt  }
0x79: {  	_ =	shalt  }
0x7a: {  	_ =	shalt  }
0x7b: {  	_ =	shalt  }
0x7c: {  	_ =	shalt  }
0x7d: {  	_ =	shalt  }
0x7e: {  	_ =	shalt  }
0x7f: {  	_ =	shalt  }
0x80: {  	_ =	shalt  }
0x81: {  	_ =	shalt  }
0x82: {  	_ =	shalt  }
0x83: {  	_ =	shalt  }
0x84: {  	_ =	shalt  }
0x85: {  	_ =	shalt  }
0x86: {  	_ =	shalt  }
0x87: {  	_ =	shalt  }
.Lfunc_end0:
.L_simem_size_0:
called_computation.1_lowered:
.L_overlay_start_0:
0x88: {  	s2 =	sld [smem:$0x3FD9]  }
0x89: {  	s3 =	sld [smem:$0x3FFE];
	_ =	sdelay $0x1  }
0x8a: {  	s1 =	srdreg.scid  }
0x8b: {  	s0 =	sand.u32 $0x1, s1  }
0x8c: {  	s17 =	sshll.u32 s0, $0xA;
	s2 =	sadd.s32 s3, s2  }
0x8d: {  	s2 =	sadd.s32 s2, s17  }
0x8e: {  	[smem:$0x3FC5] =	sst s2  }
0x8f: {  	_ = 	snop  }
0x90: {  	s2 =	sld [smem:$0x3FD0];
	(tm) =	ssettm $0x1  }
0x91: {  	s18 =	sld [smem:$0x3FFB];
	_ =	sdelay $0x3  }
0x92: {  	_ =	strace s18  }
0x93: {  	s3 =	sld [smem:$0x3FFC];
	_ =	sdelay $0x3  }
0x94: {  	_ =	strace s3  }
0x95: {  	s3 =	sld [smem:$0x3FFD];
	_ =	sdelay $0x3  }
0x96: {  	_ =	strace s3  }
0x97: {  	_ =	strace $0x8FFFFFFF  }
0x98: {  	s19 =	sld [smem:$0x3FDB];
	_ =	sdelay $0x1  }
0x99: {  	s4 =	simm.s32 $_scs_section_size  }
0x9a: {  	s5 =	simm.s32 $_size__tile_overlayer_lowered;
	s6 =	simm.s32 $_tile_overlayer_lowered  }
0x9b: {  	s22 =	simm.s32 $0x1BFF;
	s21 =	sshll.u32 s6, $0x1;
	s3 =	sadd.s32 s4, s19  }
0x9c: {  	s7 =	simm.s32 $0x0;
	s20 =	sshll.u32 s5, $0x1;
	s5 =	sadd.s32 s21, s3  }
0x9d: {  	[timem:s7], [sflag:s22] =	dma.local [hbm:s5], s20  }
0x9e: {  	_ =	swait.ge [sflag:s22], s20  }
0x9f: {  	s4 =	ssub.s32 $0x0, s20;
	[sflag:s22] =	ssyncset.done $0x0  }
0xa0: {  	[sflag:s22] =	ssyncadd.s32 s4;
	_ =	sdelay $0x1  }
0xa1: {  	s23 =	simm.s32 $0x1B8B  }
0xa2: {  	_ =	swait.ge [sflag:s23], $0x1  }
0xa3: {  	[sflag:s23] =	ssyncset.done $0x0  }
0xa4: {  	s25 =	simm.s32 $0x1B8E;
	s24 =	sld [smem:$0x3FFE];
	[sflag:s23] =	ssyncadd.s32 $0xFFFFFFFF  }
0xa5: {  	s26 =	simm.s32 $execute0_lowered;
	[smem:$0x3FD2] =	sst s25  }
0xa6: {  	s5 =	sshll.u32 s26, $0x1;
	_ =	strace $0x80000049;
	[dreg:$0x1] =	wrdreg $0xFFFFFFFF  }
0xa7: {  	s28 =	simm.s32 $_size_execute0_lowered;
	s3 =	sadd.s32 s3, s5;
	[dreg:$0x0] =	wrdreg $0x0  }
0xa8: {  	s5 =	sshll.u32 s28, $0x1;
	[dreg:$0x2] =	wrdreg s3  }
0xa9: {  	[dreg:$0x3] =	wrdreg s5  }
0xaa: {  	[dreg:$0x4] =	wrdreg $0xC0  }
0xab: {  	_ =	task [dreg:s7], $0x5FFFF  }
0xac: {  	[dreg:$0x1] =	wrdreg $0xFFFFFFFF  }
0xad: {  	[dreg:$0x0] =	wrdreg $0x60  }
0xae: {  	[dreg:$0x2] =	wrdreg s24  }
0xaf: {  	[dreg:$0x3] =	wrdreg s2  }
0xb0: {  	[dreg:$0x4] =	wrdreg $0xA8000  }
0xb1: {  	[dreg:$0x5] =	wrdreg $0x9  }
0xb2: {  	_ =	task.clear_ibuf [dreg:s7], $0x6FFFF;
	_ =	strace $0x90000049  }
0xb3: {  	s29 =	simm.s32 $0x9;
	_ =	strace $0x8000004B  }
0xb4: {  	_ =	swait.ge [sflag:s29], $0x1  }
0xb5: {  	[sflag:s29] =	ssyncadd.s32 $0xFFFFFFFF  }
0xb6: {  	_ =	strace $0x9000004B  }
0xb7: {  	_ =	sfence  }
0xb8: {  	s30 =	sld [smem:$0x0];
	_ =	sdelay $0x2  }
0xb9: {  	s31 =	sshll.u32 s1, $0xD;
	s1 =	sshrl.u32 s1, $0x2  }
0xba: {  	s3 =	sand.u32 $0x4000, s31;
	s1 =	sadd.s32 s1, s30  }
0xbb: {  	s0 =	sor.u32 s3, s0;
	s1 =	sshll.u32 s1, $0x11  }
0xbc: {  	s0 =	sor.u32 s1, s0  }
0xbd: {  	s0 =	sadd.s32 $0x8F2B, s0  }
0xbe: {  	[sflag:s0] =	ssyncadd.remote.s32 $0x1  }
0xbf: {  	_ =	sfence.sel $0xFFFF  }
0xc0: {  	[dreg:$0x0] =	wrdreg $0xFFFFFFFF;
	(pc) =	sbr.abs _section_cstart, $3  }
0xc1: {  	[dreg:$0x1] =	wrdreg $0xFFFFFFFF  }
0xc2: {  	_ =	task.clear_ibuf [dreg:s7], $0x2FFFF;
	_ =	strace $0x9FFFFFFF  }
0xc3: {  	(tm) =	ssettm $0x7FFFFFFF  }
tec
execute0_lowered:
.L_overlay_start_1:
0x0: {  	(tag) =	ssettag $0x1  }
0x1: {  	s5 =	rddreg [dreg:$0x0]  }
0x2: {  	s11 =	rddreg [dreg:$0x1]  }
0x3: {  	s2 =	rddreg [dreg:$0x2]  }
0x4: {  	s1 =	stileid.u32;
	s4 =	srdreg.scid  }
0x5: {  	s3 =	simm.s32 $0x0;
	s18 =	simm.s32 $0x80;
	s19 =	simm.s32 $0x2800  }
0x6: {  	s20 =	simm.s32 $0x6800;
	s21 =	simm.s32 $0x1;
	s6 =	smul.u32 $0x14000, s1  }
0x7: {  	s22 =	simm.s32 $0x2;
	s23 =	sand.u32 $0x1, s4;
	s9 =	smul.u32 $0x50000, s1  }
0x8: {  	[smem:$0x7FF] =	sst s3;
	s4 =	sadd.s32 $0x35000, s5;
	s26 =	smul.u32 $0x28, s1  }
0x9: {  	s12 =	sadd.s32 $0x2800, s5;
	s29 =	smul.u32 $0x3C00, s1;
	s30 =	sshll.u32 s1, $0x6  }
0xa: {  	s7 =	smul.u32 $0x140000, s23;
	_ =	strace $0x8000004A;
	s24 =	ssub.s32 $0x2, s23  }
0xb: {  	p0 =	seq.s32 s23, $0x0;
	s8 =	sshrl.u32 s6, $0x3;
	s25 =	sshrl.u32 s24, $0x1  }
0xc: {  	s28 =	sshrl.u32 s9, $0x2;
	s10 =	sshrl.u32 s29, $0x3;
	s8 =	sadd.s32 s8, s5  }
0xd: {  	s6 =	sadd.s32 s6, s7;
	s14 =	ssub.s32 s24, s25;
	s7 =	smul.u32 $0x78, s1  }
0xe: {  	s15 =	sadd.s32 s28, s2;
	s16 =	sadd.s32 $0x280, s10;
	s17 =	sadd.s32 $0x500, s10  }
0xf: {  	s24 =	simm.s32 $0x2700;
	s25 =	simm.s32 $0x2780;
	s6 =	sshrl.u32 s6, $0x3  }
0x10: {  	s9 =	sadd.s32 s11, s16;
	s10 =	sadd.s32 s12, s16;
	s14 =	smax.u32 s14, $0x1  }
0x11: {  	s15 =	sshrl.u32 s15, $0x3;
	s16 =	simm.s32 $0x3;
	s13 =	sadd.s32 s6, s5  }
.Ltmp0:
0x12: {  	s6 =	sadd.s32 $0x780, s26;
	s5 =	sadd.s32 $0xD000, s8;
	(pc) =	sbr.rel .LBB2_1-.Ltmp0, $4  }
0x13: {  	s26 =	simm.s32 $0x0;
	s6 =	smov.u32 @p0 s7;
	s13 =	sadd.s32 $0x85000, s13  }
0x14: {  	p0 =	sne.s32 s23, $0x0;
	s23 =	simm.s32 $0x1380;
	s31 =	sshll.u32 s6, $0x4  }
0x15: {  	s6 =	sor.u32 $0x1C03, s30;
	s7 =	sadd.s32 s11, s31;
	s8 =	sadd.s32 s12, s31  }
0x16: {  	s11 =	sadd.s32 s11, s17;
	s12 =	sadd.s32 s12, s17;
	s17 =	simm.s32 $0x1400  }
.LBB2_8:
0x17: {  	s0 =	sadd.s32 $0x80, s28;
	[sflag:s16] =	ssyncadd.s32 $0xFFFFC000  }
0x18: {  	[tilespmem:s20], [sflag:$0x2] =	stream.indirect.gather [hbm4b:s4+s18], $0x80, s0, s18, $0xb8;
	[tilespmem:$0x1E800] =	vst v63  }
0x19: {  	_ =	swait.ge [sflag:s21], $0x4000  }
0x1a: {  	[sflag:s21] =	ssyncset.done $0x0  }
0x1b: {  	s29 =	sadd.s32 $0x1400, s28;
	[sflag:s21] =	ssyncadd.s32 $0xFFFFC000  }
0x1c: {  	[spmem:s2] =	stream.indirect.scatter.add.f32 [tilespmem:s19], [sflag:$0x3], $0x80, s29, s18, $0xb8;
	[tilespmem:$0x1E800] =	vst v63  }
0x1d: {  	_ =	swait.ge [sflag:s16], $0x4000  }
0x1e: {  	[sflag:s16] =	ssyncset.done $0x0  }
0x1f: {  	s30 =	sadd.s32 $0x100, s28;
	[sflag:s16] =	ssyncadd.s32 $0xFFFFC000  }
0x20: {  	[tilespmem:s19], [sflag:$0x1] =	stream.indirect.gather [hbm4b:s4+s18], $0x80, s30, s18, $0xb8;
	[tilespmem:$0x1E800] =	vst v63  }
0x21: {  	_ =	swait.ge [sflag:s22], $0x4000  }
0x22: {  	[sflag:s22] =	ssyncset.done $0x0  }
0x23: {  	s31 =	sadd.s32 $0x1480, s28;
	[sflag:s22] =	ssyncadd.s32 $0xFFFFC000  }
0x24: {  	[spmem:s2] =	stream.indirect.scatter.add.f32 [tilespmem:s20], [sflag:$0x3], $0x80, s31, s18, $0xb8;
	[tilespmem:$0x1E800] =	vst v63  }
0x25: {  	_ =	swait.ge [sflag:s16], $0x4000  }
0x26: {  	[sflag:s16] =	ssyncset.done $0x0  }
0x27: {  	[sflag:s16] =	ssyncadd.s32 $0xFFFFC000  }
0x28: {  	[tilespmem:s20], [sflag:$0x2] =	stream.indirect.gather [hbm4b:s4+s18], $0x80, s23, s18, $0xb8;
	[tilespmem:$0x1E800] =	vst v63  }
0x29: {  	_ =	swait.ge [sflag:s21], $0x4000  }
0x2a: {  	[sflag:s21] =	ssyncset.done $0x0  }
0x2b: {  	[sflag:s21] =	ssyncadd.s32 $0xFFFFC000  }
0x2c: {  	[spmem:s2] =	stream.indirect.scatter.add.f32 [tilespmem:s19], [sflag:$0x3], $0x80, s24, s18, $0xb8;
	[tilespmem:$0x1E800] =	vst v63  }
0x2d: {  	_ =	swait.ge [sflag:s16], $0x4000  }
0x2e: {  	[sflag:s16] =	ssyncset.done $0x0  }
0x2f: {  	[sflag:s16] =	ssyncadd.s32 $0xFFFFC000  }
0x30: {  	_ =	swait.ge [sflag:s22], $0x4000  }
0x31: {  	[sflag:s22] =	ssyncset.done $0x0  }
0x32: {  	[sflag:s22] =	ssyncadd.s32 $0xFFFFC000  }
0x33: {  	[spmem:s2] =	stream.indirect.scatter.add.f32 [tilespmem:s20], [sflag:$0x3], $0x80, s25, s18, $0xb8;
	[tilespmem:$0x1E800] =	vst v63  }
0x34: {  	_ =	swait.ge [sflag:s16], $0x4000  }
0x35: {  	[sflag:s16] =	ssyncset.done $0x0  }
0x36: {  	[sflag:s16] =	ssyncadd.s32 $0xFFFFC000  }
.LBB2_9:
0x37: {  	s26 =	sadd.s32 $0x1, s26  }
0x38: {  	p1 =	sne.s32 s26, s14  }
.Ltmp1:
0x39: {  	[bflag:$0x0] =	sbarrier.arrive $0xFFFF;
	(pc) =	sbr.rel @!p1 .LBB2_10-.Ltmp1, $4  }
0x3a: {  	[hbm:s13], [sflag:s6] =	dma.local [spmem:s15], $0x2800  }
0x3b: {  	_ =	swait.ge [sflag:s16], $0x2800  }
0x3c: {  	[sflag:s16] =	ssyncset.done $0x0  }
0x3d: {  	[sflag:s16] =	ssyncadd.s32 $0xFFFFD800  }
.LBB2_1:
0x3e: {  	[spmem:s15], [sflag:s6] =	dma.local [hbm:s5], $0x2800  }
0x3f: {  	_ =	swait.ge [sflag:s16], $0x2800  }
0x40: {  	[sflag:s16] =	ssyncset.done $0x0  }
0x41: {  	[sflag:s16] =	ssyncadd.s32 $0xFFFFD800  }
0x42: {  	[bflag:$0x0] =	sbarrier.arrive $0xFFFF  }
0x43: {  	[tilespmem:s3], [sflag:$0x3] =	stream.linear.gather [hbm4b:s7+s3], $0x1400, $0x38;
	[tilespmem:$0x1E800] =	vst v63  }
0x44: {  	_ =	swait.ge [sflag:s16], $0x1400  }
0x45: {  	[sflag:s16] =	ssyncset.done $0x0  }
0x46: {  	[sflag:s16] =	ssyncadd.s32 $0xFFFFEC00  }
0x47: {  	[tilespmem:s17], [sflag:$0x3] =	stream.linear.gather [hbm4b:s8+s3], $0x1400, $0x38;
	[tilespmem:$0x1E800] =	vst v63  }
0x48: {  	_ =	swait.ge [sflag:s16], $0x1400  }
0x49: {  	[sflag:s16] =	ssyncset.done $0x0  }
0x4a: {  	[sflag:s16] =	ssyncadd.s32 $0xFFFFEC00  }
0x4b: {  	[tilespmem:s19], [sflag:$0x1] =	stream.indirect.gather [hbm4b:s4+s18], $0x80, s3, s18, $0xb8;
	[tilespmem:$0x1E800] =	vst v63  }
0x4c: {  	s28 =	simm.s32 $0x80  }
0x4d: {  	[tilespmem:s20], [sflag:$0x2] =	stream.indirect.gather [hbm4b:s4+s18], $0x80, s28, s18, $0xb8;
	[tilespmem:$0x1E800] =	vst v63  }
0x4e: {  	_ =	swait.ge [sflag:s21], $0x4000  }
0x4f: {  	[sflag:s21] =	ssyncset.done $0x0  }
0x50: {  	s28 =	simm.s32 $0x1400;
	[sflag:s21] =	ssyncadd.s32 $0xFFFFC000  }
0x51: {  	[spmem:s2] =	stream.indirect.scatter.add.f32 [tilespmem:s19], [sflag:$0x3], $0x80, s28, s18, $0xb8;
	[tilespmem:$0x1E800] =	vst v63  }
0x52: {  	_ =	swait.ge [sflag:s16], $0x4000  }
0x53: {  	[sflag:s16] =	ssyncset.done $0x0  }
0x54: {  	s28 =	simm.s32 $0x100;
	[sflag:s16] =	ssyncadd.s32 $0xFFFFC000  }
0x55: {  	[tilespmem:s19], [sflag:$0x1] =	stream.indirect.gather [hbm4b:s4+s18], $0x80, s28, s18, $0xb8;
	[tilespmem:$0x1E800] =	vst v63  }
0x56: {  	_ =	swait.ge [sflag:s22], $0x4000  }
0x57: {  	[sflag:s22] =	ssyncset.done $0x0  }
0x58: {  	s28 =	simm.s32 $0x1480;
	[sflag:s22] =	ssyncadd.s32 $0xFFFFC000  }
0x59: {  	[spmem:s2] =	stream.indirect.scatter.add.f32 [tilespmem:s20], [sflag:$0x3], $0x80, s28, s18, $0xb8;
	[tilespmem:$0x1E800] =	vst v63  }
0x5a: {  	_ =	swait.ge [sflag:s16], $0x4000  }
0x5b: {  	s29 =	simm.s32 $0x800;
	s28 =	simm.s32 $0x100;
	[sflag:s16] =	ssyncset.done $0x0  }
.LBB2_2:
0x5c: {  	s30 =	sadd.s32 $0x80, s28  }
0x5d: {  	[sflag:s16] =	ssyncadd.s32 $0xFFFFC000;
	s31 =	smov.u32 s29;
	s0 =	sadd.s32 $0x400, s29  }
0x5e: {  	[tilespmem:s20], [sflag:$0x2] =	stream.indirect.gather [hbm4b:s4+s18], $0x80, s30, s18, $0xb8;
	[tilespmem:$0x1E800] =	vst v63  }
0x5f: {  	p1 =	sne.s32 s29, $0x4800;
	_ =	swait.ge [sflag:s21], $0x4000  }
0x60: {  	[sflag:s21] =	ssyncset.done $0x0  }
0x61: {  	s29 =	sadd.s32 $0x1400, s28;
	[sflag:s21] =	ssyncadd.s32 $0xFFFFC000  }
0x62: {  	[spmem:s2] =	stream.indirect.scatter.add.f32 [tilespmem:s19], [sflag:$0x3], $0x80, s29, s18, $0xb8;
	[tilespmem:$0x1E800] =	vst v63  }
0x63: {  	_ =	swait.ge [sflag:s16], $0x4000  }
0x64: {  	[sflag:s16] =	ssyncset.done $0x0  }
0x65: {  	s29 =	sadd.s32 $0x100, s28;
	[sflag:s16] =	ssyncadd.s32 $0xFFFFC000  }
0x66: {  	[tilespmem:s19], [sflag:$0x1] =	stream.indirect.gather [hbm4b:s4+s18], $0x80, s29, s18, $0xb8;
	[tilespmem:$0x1E800] =	vst v63  }
0x67: {  	_ =	swait.ge [sflag:s22], $0x4000  }
.Ltmp2:
0x68: {  	[sflag:s22] =	ssyncset.done $0x0;
	(pc) =	sbr.rel @p1 .LBB2_2-.Ltmp2, $4  }
0x69: {  	s28 =	sadd.s32 $0x1480, s28;
	[sflag:s22] =	ssyncadd.s32 $0xFFFFC000  }
0x6a: {  	[spmem:s2] =	stream.indirect.scatter.add.f32 [tilespmem:s20], [sflag:$0x3], $0x80, s28, s18, $0xb8;
	[tilespmem:$0x1E800] =	vst v63  }
0x6b: {  	_ =	swait.ge [sflag:s16], $0x4000  }
0x6c: {  	s29 =	smov.u32 s0;
	s28 =	sshra.s32 s31, $0x2;
	[sflag:s16] =	ssyncset.done $0x0  }
0x6d: {  	s0 =	sadd.s32 $0x80, s28;
	[sflag:s16] =	ssyncadd.s32 $0xFFFFC000  }
0x6e: {  	[tilespmem:s20], [sflag:$0x2] =	stream.indirect.gather [hbm4b:s4+s18], $0x80, s0, s18, $0xb8;
	[tilespmem:$0x1E800] =	vst v63  }
0x6f: {  	_ =	swait.ge [sflag:s21], $0x4000  }
0x70: {  	[sflag:s21] =	ssyncset.done $0x0  }
0x71: {  	s29 =	sadd.s32 $0x1400, s28;
	[sflag:s21] =	ssyncadd.s32 $0xFFFFC000  }
0x72: {  	[spmem:s2] =	stream.indirect.scatter.add.f32 [tilespmem:s19], [sflag:$0x3], $0x80, s29, s18, $0xb8;
	[tilespmem:$0x1E800] =	vst v63  }
0x73: {  	_ =	swait.ge [sflag:s16], $0x4000  }
0x74: {  	[sflag:s16] =	ssyncset.done $0x0  }
0x75: {  	s30 =	sadd.s32 $0x100, s28;
	[sflag:s16] =	ssyncadd.s32 $0xFFFFC000  }
0x76: {  	[tilespmem:s19], [sflag:$0x1] =	stream.indirect.gather [hbm4b:s4+s18], $0x80, s30, s18, $0xb8;
	[tilespmem:$0x1E800] =	vst v63  }
0x77: {  	_ =	swait.ge [sflag:s22], $0x4000  }
0x78: {  	[sflag:s22] =	ssyncset.done $0x0  }
0x79: {  	s31 =	sadd.s32 $0x1480, s28;
	[sflag:s22] =	ssyncadd.s32 $0xFFFFC000  }
0x7a: {  	[spmem:s2] =	stream.indirect.scatter.add.f32 [tilespmem:s20], [sflag:$0x3], $0x80, s31, s18, $0xb8;
	[tilespmem:$0x1E800] =	vst v63  }
0x7b: {  	_ =	swait.ge [sflag:s16], $0x4000  }
0x7c: {  	[sflag:s16] =	ssyncset.done $0x0  }
0x7d: {  	[sflag:s16] =	ssyncadd.s32 $0xFFFFC000  }
0x7e: {  	[tilespmem:s20], [sflag:$0x2] =	stream.indirect.gather [hbm4b:s4+s18], $0x80, s23, s18, $0xb8;
	[tilespmem:$0x1E800] =	vst v63  }
0x7f: {  	_ =	swait.ge [sflag:s21], $0x4000  }
0x80: {  	[sflag:s21] =	ssyncset.done $0x0  }
0x81: {  	[sflag:s21] =	ssyncadd.s32 $0xFFFFC000  }
0x82: {  	[spmem:s2] =	stream.indirect.scatter.add.f32 [tilespmem:s19], [sflag:$0x3], $0x80, s24, s18, $0xb8;
	[tilespmem:$0x1E800] =	vst v63  }
0x83: {  	_ =	swait.ge [sflag:s16], $0x4000  }
0x84: {  	[sflag:s16] =	ssyncset.done $0x0  }
0x85: {  	[sflag:s16] =	ssyncadd.s32 $0xFFFFC000  }
0x86: {  	_ =	swait.ge [sflag:s22], $0x4000  }
0x87: {  	[sflag:s22] =	ssyncset.done $0x0  }
.Ltmp3:
0x88: {  	[sflag:s22] =	ssyncadd.s32 $0xFFFFC000;
	(pc) =	sbr.rel @p0 .LBB2_9-.Ltmp3, $4  }
0x89: {  	[spmem:s2] =	stream.indirect.scatter.add.f32 [tilespmem:s20], [sflag:$0x3], $0x80, s25, s18, $0xb8;
	[tilespmem:$0x1E800] =	vst v63  }
0x8a: {  	_ =	swait.ge [sflag:s16], $0x4000  }
0x8b: {  	[sflag:s16] =	ssyncset.done $0x0  }
0x8c: {  	[sflag:s16] =	ssyncadd.s32 $0xFFFFC000  }
0x8d: {  	s0 =	simm.s32 $0x0  }
0x8e: {  	[tilespmem:s0], [sflag:$0x3] =	stream.linear.gather [hbm4b:s9+s0], $0x1400, $0x38;
	[tilespmem:$0x1E800] =	vst v63  }
0x8f: {  	_ =	swait.ge [sflag:s16], $0x1400  }
0x90: {  	[sflag:s16] =	ssyncset.done $0x0  }
0x91: {  	[sflag:s16] =	ssyncadd.s32 $0xFFFFEC00  }
0x92: {  	[tilespmem:s17], [sflag:$0x3] =	stream.linear.gather [hbm4b:s10+s0], $0x1400, $0x38;
	[tilespmem:$0x1E800] =	vst v63  }
0x93: {  	_ =	swait.ge [sflag:s16], $0x1400  }
0x94: {  	[sflag:s16] =	ssyncset.done $0x0  }
0x95: {  	[sflag:s16] =	ssyncadd.s32 $0xFFFFEC00  }
0x96: {  	[tilespmem:s19], [sflag:$0x1] =	stream.indirect.gather [hbm4b:s4+s18], $0x80, s0, s18, $0xb8;
	[tilespmem:$0x1E800] =	vst v63  }
0x97: {  	s30 =	simm.s32 $0x80  }
0x98: {  	[tilespmem:s20], [sflag:$0x2] =	stream.indirect.gather [hbm4b:s4+s18], $0x80, s30, s18, $0xb8;
	[tilespmem:$0x1E800] =	vst v63  }
0x99: {  	_ =	swait.ge [sflag:s21], $0x4000  }
0x9a: {  	[sflag:s21] =	ssyncset.done $0x0  }
0x9b: {  	s31 =	simm.s32 $0x1400;
	[sflag:s21] =	ssyncadd.s32 $0xFFFFC000  }
0x9c: {  	[spmem:s2] =	stream.indirect.scatter.add.f32 [tilespmem:s19], [sflag:$0x3], $0x80, s31, s18, $0xb8;
	[tilespmem:$0x1E800] =	vst v63  }
0x9d: {  	_ =	swait.ge [sflag:s16], $0x4000  }
0x9e: {  	[sflag:s16] =	ssyncset.done $0x0  }
0x9f: {  	s30 =	simm.s32 $0x100;
	[sflag:s16] =	ssyncadd.s32 $0xFFFFC000  }
0xa0: {  	[tilespmem:s19], [sflag:$0x1] =	stream.indirect.gather [hbm4b:s4+s18], $0x80, s30, s18, $0xb8;
	[tilespmem:$0x1E800] =	vst v63  }
0xa1: {  	_ =	swait.ge [sflag:s22], $0x4000  }
0xa2: {  	[sflag:s22] =	ssyncset.done $0x0  }
0xa3: {  	s31 =	simm.s32 $0x1480;
	[sflag:s22] =	ssyncadd.s32 $0xFFFFC000  }
0xa4: {  	[spmem:s2] =	stream.indirect.scatter.add.f32 [tilespmem:s20], [sflag:$0x3], $0x80, s31, s18, $0xb8;
	[tilespmem:$0x1E800] =	vst v63  }
0xa5: {  	_ =	swait.ge [sflag:s16], $0x4000  }
0xa6: {  	s29 =	simm.s32 $0x800;
	s28 =	simm.s32 $0x100;
	[sflag:s16] =	ssyncset.done $0x0  }
.LBB2_5:
0xa7: {  	s0 =	sadd.s32 $0x80, s28  }
0xa8: {  	[sflag:s16] =	ssyncadd.s32 $0xFFFFC000;
	s30 =	smov.u32 s29;
	s31 =	sadd.s32 $0x400, s29  }
0xa9: {  	[tilespmem:s20], [sflag:$0x2] =	stream.indirect.gather [hbm4b:s4+s18], $0x80, s0, s18, $0xb8;
	[tilespmem:$0x1E800] =	vst v63  }
0xaa: {  	p1 =	sne.s32 s29, $0x4800;
	_ =	swait.ge [sflag:s21], $0x4000  }
0xab: {  	[sflag:s21] =	ssyncset.done $0x0  }
0xac: {  	s0 =	sadd.s32 $0x1400, s28;
	[sflag:s21] =	ssyncadd.s32 $0xFFFFC000  }
0xad: {  	[spmem:s2] =	stream.indirect.scatter.add.f32 [tilespmem:s19], [sflag:$0x3], $0x80, s0, s18, $0xb8;
	[tilespmem:$0x1E800] =	vst v63  }
0xae: {  	_ =	swait.ge [sflag:s16], $0x4000  }
0xaf: {  	[sflag:s16] =	ssyncset.done $0x0  }
0xb0: {  	s0 =	sadd.s32 $0x100, s28;
	[sflag:s16] =	ssyncadd.s32 $0xFFFFC000  }
0xb1: {  	[tilespmem:s19], [sflag:$0x1] =	stream.indirect.gather [hbm4b:s4+s18], $0x80, s0, s18, $0xb8;
	[tilespmem:$0x1E800] =	vst v63  }
0xb2: {  	_ =	swait.ge [sflag:s22], $0x4000  }
.Ltmp4:
0xb3: {  	[sflag:s22] =	ssyncset.done $0x0;
	(pc) =	sbr.rel @p1 .LBB2_5-.Ltmp4, $4  }
0xb4: {  	s0 =	sadd.s32 $0x1480, s28;
	[sflag:s22] =	ssyncadd.s32 $0xFFFFC000  }
0xb5: {  	[spmem:s2] =	stream.indirect.scatter.add.f32 [tilespmem:s20], [sflag:$0x3], $0x80, s0, s18, $0xb8;
	[tilespmem:$0x1E800] =	vst v63  }
0xb6: {  	_ =	swait.ge [sflag:s16], $0x4000  }
0xb7: {  	s29 =	smov.u32 s31;
	s28 =	sshra.s32 s30, $0x2;
	[sflag:s16] =	ssyncset.done $0x0  }
0xb8: {  	s0 =	sadd.s32 $0x80, s28;
	[sflag:s16] =	ssyncadd.s32 $0xFFFFC000  }
0xb9: {  	[tilespmem:s20], [sflag:$0x2] =	stream.indirect.gather [hbm4b:s4+s18], $0x80, s0, s18, $0xb8;
	[tilespmem:$0x1E800] =	vst v63  }
0xba: {  	_ =	swait.ge [sflag:s21], $0x4000  }
0xbb: {  	[sflag:s21] =	ssyncset.done $0x0  }
0xbc: {  	s30 =	sadd.s32 $0x1400, s28;
	[sflag:s21] =	ssyncadd.s32 $0xFFFFC000  }
0xbd: {  	[spmem:s2] =	stream.indirect.scatter.add.f32 [tilespmem:s19], [sflag:$0x3], $0x80, s30, s18, $0xb8;
	[tilespmem:$0x1E800] =	vst v63  }
0xbe: {  	_ =	swait.ge [sflag:s16], $0x4000  }
0xbf: {  	[sflag:s16] =	ssyncset.done $0x0  }
0xc0: {  	s31 =	sadd.s32 $0x100, s28;
	[sflag:s16] =	ssyncadd.s32 $0xFFFFC000  }
0xc1: {  	[tilespmem:s19], [sflag:$0x1] =	stream.indirect.gather [hbm4b:s4+s18], $0x80, s31, s18, $0xb8;
	[tilespmem:$0x1E800] =	vst v63  }
0xc2: {  	_ =	swait.ge [sflag:s22], $0x4000  }
0xc3: {  	[sflag:s22] =	ssyncset.done $0x0  }
0xc4: {  	s30 =	sadd.s32 $0x1480, s28;
	[sflag:s22] =	ssyncadd.s32 $0xFFFFC000  }
0xc5: {  	[spmem:s2] =	stream.indirect.scatter.add.f32 [tilespmem:s20], [sflag:$0x3], $0x80, s30, s18, $0xb8;
	[tilespmem:$0x1E800] =	vst v63  }
0xc6: {  	_ =	swait.ge [sflag:s16], $0x4000  }
0xc7: {  	[sflag:s16] =	ssyncset.done $0x0  }
0xc8: {  	[sflag:s16] =	ssyncadd.s32 $0xFFFFC000  }
0xc9: {  	[tilespmem:s20], [sflag:$0x2] =	stream.indirect.gather [hbm4b:s4+s18], $0x80, s23, s18, $0xb8;
	[tilespmem:$0x1E800] =	vst v63  }
0xca: {  	_ =	swait.ge [sflag:s21], $0x4000  }
0xcb: {  	[sflag:s21] =	ssyncset.done $0x0  }
0xcc: {  	[sflag:s21] =	ssyncadd.s32 $0xFFFFC000  }
0xcd: {  	[spmem:s2] =	stream.indirect.scatter.add.f32 [tilespmem:s19], [sflag:$0x3], $0x80, s24, s18, $0xb8;
	[tilespmem:$0x1E800] =	vst v63  }
0xce: {  	_ =	swait.ge [sflag:s16], $0x4000  }
0xcf: {  	[sflag:s16] =	ssyncset.done $0x0  }
0xd0: {  	[sflag:s16] =	ssyncadd.s32 $0xFFFFC000  }
0xd1: {  	_ =	swait.ge [sflag:s22], $0x4000  }
0xd2: {  	[sflag:s22] =	ssyncset.done $0x0  }
0xd3: {  	[sflag:s22] =	ssyncadd.s32 $0xFFFFC000  }
0xd4: {  	[spmem:s2] =	stream.indirect.scatter.add.f32 [tilespmem:s20], [sflag:$0x3], $0x80, s25, s18, $0xb8;
	[tilespmem:$0x1E800] =	vst v63  }
0xd5: {  	_ =	swait.ge [sflag:s16], $0x4000  }
0xd6: {  	[sflag:s16] =	ssyncset.done $0x0  }
0xd7: {  	s31 =	simm.s32 $0x0;
	[sflag:s16] =	ssyncadd.s32 $0xFFFFC000  }
0xd8: {  	[tilespmem:s31], [sflag:$0x3] =	stream.linear.gather [hbm4b:s11+s31], $0x1400, $0x38;
	[tilespmem:$0x1E800] =	vst v63  }
0xd9: {  	_ =	swait.ge [sflag:s16], $0x1400  }
0xda: {  	[sflag:s16] =	ssyncset.done $0x0  }
0xdb: {  	[sflag:s16] =	ssyncadd.s32 $0xFFFFEC00  }
0xdc: {  	[tilespmem:s17], [sflag:$0x3] =	stream.linear.gather [hbm4b:s12+s31], $0x1400, $0x38;
	[tilespmem:$0x1E800] =	vst v63  }
0xdd: {  	_ =	swait.ge [sflag:s16], $0x1400  }
0xde: {  	[sflag:s16] =	ssyncset.done $0x0  }
0xdf: {  	[sflag:s16] =	ssyncadd.s32 $0xFFFFEC00  }
0xe0: {  	[tilespmem:s19], [sflag:$0x1] =	stream.indirect.gather [hbm4b:s4+s18], $0x80, s31, s18, $0xb8;
	[tilespmem:$0x1E800] =	vst v63  }
0xe1: {  	s30 =	simm.s32 $0x80  }
0xe2: {  	[tilespmem:s20], [sflag:$0x2] =	stream.indirect.gather [hbm4b:s4+s18], $0x80, s30, s18, $0xb8;
	[tilespmem:$0x1E800] =	vst v63  }
0xe3: {  	_ =	swait.ge [sflag:s21], $0x4000  }
0xe4: {  	[sflag:s21] =	ssyncset.done $0x0  }
0xe5: {  	s31 =	simm.s32 $0x1400;
	[sflag:s21] =	ssyncadd.s32 $0xFFFFC000  }
0xe6: {  	[spmem:s2] =	stream.indirect.scatter.add.f32 [tilespmem:s19], [sflag:$0x3], $0x80, s31, s18, $0xb8;
	[tilespmem:$0x1E800] =	vst v63  }
0xe7: {  	_ =	swait.ge [sflag:s16], $0x4000  }
0xe8: {  	[sflag:s16] =	ssyncset.done $0x0  }
0xe9: {  	s30 =	simm.s32 $0x100;
	[sflag:s16] =	ssyncadd.s32 $0xFFFFC000  }
0xea: {  	[tilespmem:s19], [sflag:$0x1] =	stream.indirect.gather [hbm4b:s4+s18], $0x80, s30, s18, $0xb8;
	[tilespmem:$0x1E800] =	vst v63  }
0xeb: {  	_ =	swait.ge [sflag:s22], $0x4000  }
0xec: {  	[sflag:s22] =	ssyncset.done $0x0  }
0xed: {  	s31 =	simm.s32 $0x1480;
	[sflag:s22] =	ssyncadd.s32 $0xFFFFC000  }
0xee: {  	[spmem:s2] =	stream.indirect.scatter.add.f32 [tilespmem:s20], [sflag:$0x3], $0x80, s31, s18, $0xb8;
	[tilespmem:$0x1E800] =	vst v63  }
0xef: {  	_ =	swait.ge [sflag:s16], $0x4000  }
0xf0: {  	s29 =	simm.s32 $0x800;
	s28 =	simm.s32 $0x100;
	[sflag:s16] =	ssyncset.done $0x0  }
.LBB2_7:
0xf1: {  	s0 =	sadd.s32 $0x80, s28  }
0xf2: {  	[sflag:s16] =	ssyncadd.s32 $0xFFFFC000;
	s30 =	smov.u32 s29;
	s31 =	sadd.s32 $0x400, s29  }
0xf3: {  	[tilespmem:s20], [sflag:$0x2] =	stream.indirect.gather [hbm4b:s4+s18], $0x80, s0, s18, $0xb8;
	[tilespmem:$0x1E800] =	vst v63  }
0xf4: {  	p1 =	sne.s32 s29, $0x4800;
	_ =	swait.ge [sflag:s21], $0x4000  }
0xf5: {  	[sflag:s21] =	ssyncset.done $0x0  }
0xf6: {  	s0 =	sadd.s32 $0x1400, s28;
	[sflag:s21] =	ssyncadd.s32 $0xFFFFC000  }
0xf7: {  	[spmem:s2] =	stream.indirect.scatter.add.f32 [tilespmem:s19], [sflag:$0x3], $0x80, s0, s18, $0xb8;
	[tilespmem:$0x1E800] =	vst v63  }
0xf8: {  	_ =	swait.ge [sflag:s16], $0x4000  }
0xf9: {  	[sflag:s16] =	ssyncset.done $0x0  }
0xfa: {  	s0 =	sadd.s32 $0x100, s28;
	[sflag:s16] =	ssyncadd.s32 $0xFFFFC000  }
0xfb: {  	[tilespmem:s19], [sflag:$0x1] =	stream.indirect.gather [hbm4b:s4+s18], $0x80, s0, s18, $0xb8;
	[tilespmem:$0x1E800] =	vst v63  }
0xfc: {  	_ =	swait.ge [sflag:s22], $0x4000  }
.Ltmp5:
0xfd: {  	[sflag:s22] =	ssyncset.done $0x0;
	(pc) =	sbr.rel @p1 .LBB2_7-.Ltmp5, $4  }
0xfe: {  	s0 =	sadd.s32 $0x1480, s28;
	[sflag:s22] =	ssyncadd.s32 $0xFFFFC000  }
0xff: {  	[spmem:s2] =	stream.indirect.scatter.add.f32 [tilespmem:s20], [sflag:$0x3], $0x80, s0, s18, $0xb8;
	[tilespmem:$0x1E800] =	vst v63  }
0x100: {  	_ =	swait.ge [sflag:s16], $0x4000  }
0x101: {  	s29 =	smov.u32 s31;
	s28 =	sshra.s32 s30, $0x2;
	[sflag:s16] =	ssyncset.done $0x0  }
.Ltmp6:
0x102: {  	_ = 	snop;
	(pc) =	sbr.rel .LBB2_8-.Ltmp6, $1  }
0x103: {  	_ =	sdelay $0x3  }
.LBB2_10:
0x104: {  	_ =	sfence.sel $0x180000  }
0x105: {  	[bflag:$0x0] =	sbarrier.arrive $0xFFFF  }
0x106: {  	_ =	strace $0x9000004A  }
0x107: {  	[bflag:$0x2] =	sbarrier.arrive $0xFFFF  }
0x108: {  	p0 =	sne.s32 s1, $0x0;
	s0 =	rddreg [dreg:$0x3]  }
0x109: {  	s0 =	sadd.s32 @!p0 $0x100000, s0  }
0x10a: {  	[sflag:s0] =	ssyncadd.tile.s32 @!p0 $0x1;
	_ =	shalt  }
.Lfunc_end2:
_tile_overlayer_lowered:
.L_overlay_start_2:
0x10b: {  	(tag) =	ssettag $0x2  }
0x10c: {  	s0 =	rddreg [dreg:$0x0];
	s2 =	stileid.u32  }
0x10d: {  	s1 =	rddreg [dreg:$0x1];
	p0 =	sne.s32 s2, $0x0  }
0x10e: {  	s3 =	rddreg [dreg:$0x2];
	[bflag:$0x3] =	sbarrier.arrive $0xFFFF;
	s2 =	simm.s32 @!p0 $0x1C03  }
0x10f: {  	[timem:s3], [sflag:s2] =	dma.local @!p0 [hbm:s0], s1  }
0x110: {  	s0 =	simm.s32 @!p0 $0x3  }
0x111: {  	_ =	swait.ge @!p0 [sflag:s0], s1  }
0x112: {  	s1 =	ssub.s32 @!p0 $0x0, s1;
	[sflag:s0] =	ssyncset.done @!p0 $0x0  }
0x113: {  	[sflag:s0] =	ssyncadd.s32 @!p0 s1  }
0x114: {  	[bflag:$0x3] =	sbarrier.arrive $0xFFFF  }
0x115: {  	_ =	shalt  }

// kernel: kernel.16.cloned.1.call-start
scs
__scs_entry_jumppad:
0x0: {  	(pc) =	sbr.rel $0x88, $3  }
0x1: {  	(tag) =	ssettag $0x0;
	lr =	simm.s32 $0x1  }
0x2: {  	[smem:$0x3F9E] =	sst lr;
	_ =	strace $0xD0000000  }
0x3: {  	_ = 	snop  }
0x4: {  	_ = 	snop  }
0x5: {  	_ = 	snop  }
0x6: {  	_ = 	snop  }
0x7: {  	_ = 	snop  }
__scs_overlays_trampoline_lowered:
0x8: {  	[smem:$0x3FAD] =	sst s0  }
0x9: {  	[smem:$0x3FAE] =	sst s1  }
0xa: {  	[smem:$0x3FAF] =	sst s2  }
0xb: {  	[smem:$0x3FB0] =	sst s3  }
0xc: {  	[smem:$0x3FB1] =	sst s4  }
0xd: {  	[smem:$0x3FB2] =	sst s5  }
0xe: {  	[smem:$0x3FB3] =	sst s6  }
0xf: {  	[smem:$0x3FB4] =	sst s7  }
0x10: {  	[smem:$0x3FB5] =	sst s8  }
0x11: {  	[smem:$0x3FB6] =	sst s9;
	s0 =	simm.s32 @!p0 $0x0  }
0x12: {  	s1 =	sld [smem:$0x3F9C];
	s0 =	simm.s32 @p0 $0x1  }
0x13: {  	[smem:$0x3FB7] =	sst s0;
	s0 =	simm.s32 @!p1 $0x0  }
0x14: {  	s2 =	sld [smem:$0x3F9B];
	s0 =	simm.s32 @p1 $0x1  }
0x15: {  	[smem:$0x3FB8] =	sst s0;
	s0 =	simm.s32 @!p2 $0x0  }
0x16: {  	s3 =	sld [smem:$0x3FDB];
	s0 =	simm.s32 @p2 $0x1  }
0x17: {  	s4 =	simm.s32 $0x1BF5;
	[smem:$0x3FBA] =	sst s0  }
0x18: {  	s0 =	sld [smem:$0x3F9D];
	_ =	swait.ge [sflag:s4], $0x0  }
0x19: {  	s7 =	sld [smem:$0x3F9E]  }
0x1a: {  	s8 =	sadd.s32 $0xFFFFE003, lr  }
0x1b: {  	s9 =	sadd.s32 $0xFFFFFEF7, lr;
	s5 =	simm.s32 $0xFFFFFFFF;
	p2 =	slt.u32 s8, $0xFFFFF086  }
0x1c: {  	p1 =	slt.u32 s9, $0xF7A;
	s5 =	simm.s32 @!p2 $0x0  }
0x1d: {  	s5 =	simm.s32 @p1 $0x1;
	p0 =	seq.s32 s7, s2  }
0x1e: {  	s7 =	smul.u32 @!p0 $0xF7A, s2;
	p2 =	seq.s32 @!p0 s5, $0x0  }
0x1f: {  	s9 =	smul.u32 $0xF7A, s1;
	s8 =	simm.s32 @!p0 $0x1BF5;
	p2 =	por !p2, p0  }
0x20: {  	[sflag:s8] =	ssyncset.s32 @!p0 $0xFFFFF086;
	s6 =	sadd.s32 @!p0 s3, s7;
	s7 =	simm.s32 @!p0 $0x108  }
0x21: {  	s3 =	sadd.s32 s3, s9;
	s6 =	sadd.s32 @!p0 $0x88, s6;
	s7 =	simm.s32 @p2 $0x1082  }
0x22: {  	[simem:s7], [sflag:s8] =	dma.local @!p0 [hbm:s6], $0xF7A  }
0x23: {  	s9 =	sor.u32 $0xD0000000, s2;
	s6 =	simm.s32 $0x108;
	_ =	swait.ge @!p0 [sflag:s8], $0x0  }
0x24: {  	s3 =	sadd.s32 $0x88, s3;
	s6 =	simm.s32 @!p1 $0x1082;
	[sflag:s4] =	ssyncset.s32 $0xFFFFF086  }
0x25: {  	[simem:s6], [sflag:s4] =	dma.local [hbm:s3], $0xF7A  }
0x26: {  	[smem:$0x3F9E] =	sst s1;
	(tag) =	ssettag s2;
	_ =	strace s9  }
0x27: {  	s1 =	sld [smem:$0x3FAE]  }
0x28: {  	s2 =	sld [smem:$0x3FAF]  }
0x29: {  	s4 =	sld [smem:$0x3FB1]  }
0x2a: {  	p0 =	seq.s32 s5, $0x0;
	s5 =	sld [smem:$0x3FB2]  }
0x2b: {  	s6 =	sld [smem:$0x3FB3]  }
0x2c: {  	s7 =	sld [smem:$0x3FB4]  }
0x2d: {  	s3 =	simm.s32 $0x108;
	s8 =	sld [smem:$0x3FB5]  }
0x2e: {  	s3 =	simm.s32 @!p0 $0x1082;
	s9 =	sld [smem:$0x3FB6]  }
0x2f: {  	lr =	sadd.s32 s0, s3;
	s0 =	sld [smem:$0x3FAD]  }
0x30: {  	s3 =	sld [smem:$0x3FB0]  }
0x31: {  	[smem:$0x3FB9] =	sst s10  }
0x32: {  	s10 =	sld [smem:$0x3FB7];
	_ =	sdelay $0x3  }
0x33: {  	p0 =	seq.s32 s10, $0x1;
	s10 =	sld [smem:$0x3FB9];
	_ =	sdelay $0x3  }
0x34: {  	[smem:$0x3FB9] =	sst s10  }
0x35: {  	s10 =	sld [smem:$0x3FB8];
	_ =	sdelay $0x3  }
0x36: {  	p1 =	seq.s32 s10, $0x1;
	s10 =	sld [smem:$0x3FB9];
	_ =	sdelay $0x3  }
0x37: {  	[smem:$0x3FB9] =	sst s10  }
0x38: {  	s10 =	sld [smem:$0x3FBA]  }
0x39: {  	_ = 	snop;
	(pc) =	sbr.ind lr, $3  }
0x3a: {  	_ = 	snop  }
0x3b: {  	_ = 	snop  }
0x3c: {  	p2 =	seq.s32 s10, $0x1;
	s10 =	sld [smem:$0x3FB9]  }
0x3d: {  	_ =	shalt  }
0x3e: {  	_ =	shalt  }
0x3f: {  	_ =	shalt  }
0x40: {  	_ =	shalt  }
0x41: {  	_ =	shalt  }
0x42: {  	_ =	shalt  }
0x43: {  	_ =	shalt  }
0x44: {  	_ =	shalt  }
0x45: {  	_ =	shalt  }
0x46: {  	_ =	shalt  }
0x47: {  	_ =	shalt  }
0x48: {  	_ =	shalt  }
0x49: {  	_ =	shalt  }
0x4a: {  	_ =	shalt  }
0x4b: {  	_ =	shalt  }
0x4c: {  	_ =	shalt  }
0x4d: {  	_ =	shalt  }
0x4e: {  	_ =	shalt  }
0x4f: {  	_ =	shalt  }
0x50: {  	_ =	shalt  }
0x51: {  	_ =	shalt  }
0x52: {  	_ =	shalt  }
0x53: {  	_ =	shalt  }
0x54: {  	_ =	shalt  }
0x55: {  	_ =	shalt  }
0x56: {  	_ =	shalt  }
0x57: {  	_ =	shalt  }
0x58: {  	_ =	shalt  }
0x59: {  	_ =	shalt  }
0x5a: {  	_ =	shalt  }
0x5b: {  	_ =	shalt  }
0x5c: {  	_ =	shalt  }
0x5d: {  	_ =	shalt  }
0x5e: {  	_ =	shalt  }
0x5f: {  	_ =	shalt  }
0x60: {  	_ =	shalt  }
0x61: {  	_ =	shalt  }
0x62: {  	_ =	shalt  }
0x63: {  	_ =	shalt  }
0x64: {  	_ =	shalt  }
0x65: {  	_ =	shalt  }
0x66: {  	_ =	shalt  }
0x67: {  	_ =	shalt  }
0x68: {  	_ =	shalt  }
0x69: {  	_ =	shalt  }
0x6a: {  	_ =	shalt  }
0x6b: {  	_ =	shalt  }
0x6c: {  	_ =	shalt  }
0x6d: {  	_ =	shalt  }
0x6e: {  	_ =	shalt  }
0x6f: {  	_ =	shalt  }
0x70: {  	_ =	shalt  }
0x71: {  	_ =	shalt  }
0x72: {  	_ =	shalt  }
0x73: {  	_ =	shalt  }
0x74: {  	_ =	shalt  }
0x75: {  	_ =	shalt  }
0x76: {  	_ =	shalt  }
0x77: {  	_ =	shalt  }
0x78: {  	_ =	shalt  }
0x79: {  	_ =	shalt  }
0x7a: {  	_ =	shalt  }
0x7b: {  	_ =	shalt  }
0x7c: {  	_ =	shalt  }
0x7d: {  	_ =	shalt  }
0x7e: {  	_ =	shalt  }
0x7f: {  	_ =	shalt  }
0x80: {  	_ =	shalt  }
0x81: {  	_ =	shalt  }
0x82: {  	_ =	shalt  }
0x83: {  	_ =	shalt  }
0x84: {  	_ =	shalt  }
0x85: {  	_ =	shalt  }
0x86: {  	_ =	shalt  }
0x87: {  	_ =	shalt  }
.Lfunc_end0:
.L_simem_size_0:
called_computation.2_lowered:
.L_overlay_start_0:
0x88: {  	s2 =	sld [smem:$0x3FD9]  }
0x89: {  	s3 =	sld [smem:$0x3FFE];
	_ =	sdelay $0x1  }
0x8a: {  	s1 =	srdreg.scid  }
0x8b: {  	s0 =	sand.u32 $0x1, s1  }
0x8c: {  	s17 =	sshll.u32 s0, $0xA;
	s2 =	sadd.s32 s3, s2  }
0x8d: {  	s2 =	sadd.s32 s2, s17  }
0x8e: {  	[smem:$0x3FC5] =	sst s2  }
0x8f: {  	_ = 	snop  }
0x90: {  	s2 =	sld [smem:$0x3FD0];
	(tm) =	ssettm $0x1  }
0x91: {  	s18 =	sld [smem:$0x3FFB];
	_ =	sdelay $0x3  }
0x92: {  	_ =	strace s18  }
0x93: {  	s3 =	sld [smem:$0x3FFC];
	_ =	sdelay $0x3  }
0x94: {  	_ =	strace s3  }
0x95: {  	s3 =	sld [smem:$0x3FFD];
	_ =	sdelay $0x3  }
0x96: {  	_ =	strace s3  }
0x97: {  	_ =	strace $0x8FFFFFFF  }
0x98: {  	s19 =	sld [smem:$0x3FDB];
	_ =	sdelay $0x1  }
0x99: {  	s4 =	simm.s32 $_scs_section_size  }
0x9a: {  	s5 =	simm.s32 $_size__tile_overlayer_lowered;
	s6 =	simm.s32 $_tile_overlayer_lowered  }
0x9b: {  	s22 =	simm.s32 $0x1BFF;
	s21 =	sshll.u32 s6, $0x1;
	s3 =	sadd.s32 s4, s19  }
0x9c: {  	s7 =	simm.s32 $0x0;
	s20 =	sshll.u32 s5, $0x1;
	s5 =	sadd.s32 s21, s3  }
0x9d: {  	[timem:s7], [sflag:s22] =	dma.local [hbm:s5], s20  }
0x9e: {  	_ =	swait.ge [sflag:s22], s20  }
0x9f: {  	s4 =	ssub.s32 $0x0, s20;
	[sflag:s22] =	ssyncset.done $0x0  }
0xa0: {  	[sflag:s22] =	ssyncadd.s32 s4;
	_ =	sdelay $0x1  }
0xa1: {  	s23 =	simm.s32 $0x1B8B  }
0xa2: {  	_ =	swait.ge [sflag:s23], $0x1  }
0xa3: {  	[sflag:s23] =	ssyncset.done $0x0  }
0xa4: {  	s25 =	simm.s32 $0x1B8E;
	s24 =	sld [smem:$0x3FFE];
	[sflag:s23] =	ssyncadd.s32 $0xFFFFFFFF  }
0xa5: {  	s26 =	simm.s32 $execute0_lowered;
	[smem:$0x3FD2] =	sst s25  }
0xa6: {  	s5 =	sshll.u32 s26, $0x1;
	_ =	strace $0x8000004C;
	[dreg:$0x1] =	wrdreg $0xFFFFFFFF  }
0xa7: {  	s28 =	simm.s32 $_size_execute0_lowered;
	s3 =	sadd.s32 s3, s5;
	[dreg:$0x0] =	wrdreg $0x0  }
0xa8: {  	s5 =	sshll.u32 s28, $0x1;
	[dreg:$0x2] =	wrdreg s3  }
0xa9: {  	[dreg:$0x3] =	wrdreg s5  }
0xaa: {  	[dreg:$0x4] =	wrdreg $0xC0  }
0xab: {  	_ =	task [dreg:s7], $0x5FFFF  }
0xac: {  	[dreg:$0x1] =	wrdreg $0xFFFFFFFF  }
0xad: {  	[dreg:$0x0] =	wrdreg $0x60  }
0xae: {  	[dreg:$0x2] =	wrdreg s24  }
0xaf: {  	[dreg:$0x3] =	wrdreg s2  }
0xb0: {  	[dreg:$0x4] =	wrdreg $0xA8000  }
0xb1: {  	[dreg:$0x5] =	wrdreg $0x9  }
0xb2: {  	_ =	task.clear_ibuf [dreg:s7], $0x6FFFF;
	_ =	strace $0x9000004C  }
0xb3: {  	s29 =	simm.s32 $0x9;
	_ =	strace $0x8000004E  }
0xb4: {  	_ =	swait.ge [sflag:s29], $0x1  }
0xb5: {  	[sflag:s29] =	ssyncadd.s32 $0xFFFFFFFF  }
0xb6: {  	_ =	strace $0x9000004E  }
0xb7: {  	_ =	sfence  }
0xb8: {  	s30 =	sld [smem:$0x0];
	_ =	sdelay $0x2  }
0xb9: {  	s31 =	sshll.u32 s1, $0xD;
	s1 =	sshrl.u32 s1, $0x2  }
0xba: {  	s3 =	sand.u32 $0x4000, s31;
	s1 =	sadd.s32 s1, s30  }
0xbb: {  	s0 =	sor.u32 s3, s0;
	s1 =	sshll.u32 s1, $0x11  }
0xbc: {  	s0 =	sor.u32 s1, s0  }
0xbd: {  	s0 =	sadd.s32 $0x8F2B, s0  }
0xbe: {  	[sflag:s0] =	ssyncadd.remote.s32 $0x1  }
0xbf: {  	_ =	sfence.sel $0xFFFF  }
0xc0: {  	[dreg:$0x0] =	wrdreg $0xFFFFFFFF;
	(pc) =	sbr.abs _section_cstart, $3  }
0xc1: {  	[dreg:$0x1] =	wrdreg $0xFFFFFFFF  }
0xc2: {  	_ =	task.clear_ibuf [dreg:s7], $0x2FFFF;
	_ =	strace $0x9FFFFFFF  }
0xc3: {  	(tm) =	ssettm $0x7FFFFFFF  }
tec
execute0_lowered:
.L_overlay_start_1:
0x0: {  	(tag) =	ssettag $0x1  }
0x1: {  	s5 =	rddreg [dreg:$0x0]  }
0x2: {  	s11 =	rddreg [dreg:$0x1]  }
0x3: {  	s2 =	rddreg [dreg:$0x2]  }
0x4: {  	s1 =	stileid.u32;
	s4 =	srdreg.scid  }
0x5: {  	s3 =	simm.s32 $0x0;
	s18 =	simm.s32 $0x80;
	s19 =	simm.s32 $0x2800  }
0x6: {  	s20 =	simm.s32 $0x6800;
	s21 =	simm.s32 $0x1;
	s6 =	smul.u32 $0x14000, s1  }
0x7: {  	s22 =	simm.s32 $0x2;
	s23 =	sand.u32 $0x1, s4;
	s9 =	smul.u32 $0x50000, s1  }
0x8: {  	[smem:$0x7FF] =	sst s3;
	s4 =	sadd.s32 $0x35000, s5;
	s26 =	smul.u32 $0x28, s1  }
0x9: {  	s12 =	sadd.s32 $0x2800, s5;
	s29 =	smul.u32 $0x3C00, s1;
	s30 =	sshll.u32 s1, $0x6  }
0xa: {  	s7 =	smul.u32 $0x140000, s23;
	_ =	strace $0x8000004D;
	s24 =	ssub.s32 $0x2, s23  }
0xb: {  	p0 =	seq.s32 s23, $0x0;
	s8 =	sshrl.u32 s6, $0x3;
	s25 =	sshrl.u32 s24, $0x1  }
0xc: {  	s28 =	sshrl.u32 s9, $0x2;
	s10 =	sshrl.u32 s29, $0x3;
	s8 =	sadd.s32 s8, s5  }
0xd: {  	s6 =	sadd.s32 s6, s7;
	s14 =	ssub.s32 s24, s25;
	s7 =	smul.u32 $0x78, s1  }
0xe: {  	s15 =	sadd.s32 s28, s2;
	s16 =	sadd.s32 $0x280, s10;
	s17 =	sadd.s32 $0x500, s10  }
0xf: {  	s24 =	simm.s32 $0x2700;
	s25 =	simm.s32 $0x2780;
	s6 =	sshrl.u32 s6, $0x3  }
0x10: {  	s9 =	sadd.s32 s11, s16;
	s10 =	sadd.s32 s12, s16;
	s14 =	smax.u32 s14, $0x1  }
0x11: {  	s15 =	sshrl.u32 s15, $0x3;
	s16 =	simm.s32 $0x3;
	s13 =	sadd.s32 s6, s5  }
.Ltmp0:
0x12: {  	s6 =	sadd.s32 $0x780, s26;
	s5 =	sadd.s32 $0xD000, s8;
	(pc) =	sbr.rel .LBB2_1-.Ltmp0, $4  }
0x13: {  	s26 =	simm.s32 $0x0;
	s6 =	smov.u32 @p0 s7;
	s13 =	sadd.s32 $0x85000, s13  }
0x14: {  	p0 =	sne.s32 s23, $0x0;
	s23 =	simm.s32 $0x1380;
	s31 =	sshll.u32 s6, $0x4  }
0x15: {  	s6 =	sor.u32 $0x1C03, s30;
	s7 =	sadd.s32 s11, s31;
	s8 =	sadd.s32 s12, s31  }
0x16: {  	s11 =	sadd.s32 s11, s17;
	s12 =	sadd.s32 s12, s17;
	s17 =	simm.s32 $0x1400  }
.LBB2_8:
0x17: {  	s0 =	sadd.s32 $0x80, s28;
	[sflag:s16] =	ssyncadd.s32 $0xFFFFC000  }
0x18: {  	[tilespmem:s20], [sflag:$0x2] =	stream.indirect.gather [hbm4b:s4+s18], $0x80, s0, s18, $0xb8;
	[tilespmem:$0x1E800] =	vst v63  }
0x19: {  	_ =	swait.ge [sflag:s21], $0x4000  }
0x1a: {  	[sflag:s21] =	ssyncset.done $0x0  }
0x1b: {  	s29 =	sadd.s32 $0x1400, s28;
	[sflag:s21] =	ssyncadd.s32 $0xFFFFC000  }
0x1c: {  	[spmem:s2] =	stream.indirect.scatter.add.f32 [tilespmem:s19], [sflag:$0x3], $0x80, s29, s18, $0xb8;
	[tilespmem:$0x1E800] =	vst v63  }
0x1d: {  	_ =	swait.ge [sflag:s16], $0x4000  }
0x1e: {  	[sflag:s16] =	ssyncset.done $0x0  }
0x1f: {  	s30 =	sadd.s32 $0x100, s28;
	[sflag:s16] =	ssyncadd.s32 $0xFFFFC000  }
0x20: {  	[tilespmem:s19], [sflag:$0x1] =	stream.indirect.gather [hbm4b:s4+s18], $0x80, s30, s18, $0xb8;
	[tilespmem:$0x1E800] =	vst v63  }
0x21: {  	_ =	swait.ge [sflag:s22], $0x4000  }
0x22: {  	[sflag:s22] =	ssyncset.done $0x0  }
0x23: {  	s31 =	sadd.s32 $0x1480, s28;
	[sflag:s22] =	ssyncadd.s32 $0xFFFFC000  }
0x24: {  	[spmem:s2] =	stream.indirect.scatter.add.f32 [tilespmem:s20], [sflag:$0x3], $0x80, s31, s18, $0xb8;
	[tilespmem:$0x1E800] =	vst v63  }
0x25: {  	_ =	swait.ge [sflag:s16], $0x4000  }
0x26: {  	[sflag:s16] =	ssyncset.done $0x0  }
0x27: {  	[sflag:s16] =	ssyncadd.s32 $0xFFFFC000  }
0x28: {  	[tilespmem:s20], [sflag:$0x2] =	stream.indirect.gather [hbm4b:s4+s18], $0x80, s23, s18, $0xb8;
	[tilespmem:$0x1E800] =	vst v63  }
0x29: {  	_ =	swait.ge [sflag:s21], $0x4000  }
0x2a: {  	[sflag:s21] =	ssyncset.done $0x0  }
0x2b: {  	[sflag:s21] =	ssyncadd.s32 $0xFFFFC000  }
0x2c: {  	[spmem:s2] =	stream.indirect.scatter.add.f32 [tilespmem:s19], [sflag:$0x3], $0x80, s24, s18, $0xb8;
	[tilespmem:$0x1E800] =	vst v63  }
0x2d: {  	_ =	swait.ge [sflag:s16], $0x4000  }
0x2e: {  	[sflag:s16] =	ssyncset.done $0x0  }
0x2f: {  	[sflag:s16] =	ssyncadd.s32 $0xFFFFC000  }
0x30: {  	_ =	swait.ge [sflag:s22], $0x4000  }
0x31: {  	[sflag:s22] =	ssyncset.done $0x0  }
0x32: {  	[sflag:s22] =	ssyncadd.s32 $0xFFFFC000  }
0x33: {  	[spmem:s2] =	stream.indirect.scatter.add.f32 [tilespmem:s20], [sflag:$0x3], $0x80, s25, s18, $0xb8;
	[tilespmem:$0x1E800] =	vst v63  }
0x34: {  	_ =	swait.ge [sflag:s16], $0x4000  }
0x35: {  	[sflag:s16] =	ssyncset.done $0x0  }
0x36: {  	[sflag:s16] =	ssyncadd.s32 $0xFFFFC000  }
.LBB2_9:
0x37: {  	s26 =	sadd.s32 $0x1, s26  }
0x38: {  	p1 =	sne.s32 s26, s14  }
.Ltmp1:
0x39: {  	[bflag:$0x0] =	sbarrier.arrive $0xFFFF;
	(pc) =	sbr.rel @!p1 .LBB2_10-.Ltmp1, $4  }
0x3a: {  	[hbm:s13], [sflag:s6] =	dma.local [spmem:s15], $0x2800  }
0x3b: {  	_ =	swait.ge [sflag:s16], $0x2800  }
0x3c: {  	[sflag:s16] =	ssyncset.done $0x0  }
0x3d: {  	[sflag:s16] =	ssyncadd.s32 $0xFFFFD800  }
.LBB2_1:
0x3e: {  	[spmem:s15], [sflag:s6] =	dma.local [hbm:s5], $0x2800  }
0x3f: {  	_ =	swait.ge [sflag:s16], $0x2800  }
0x40: {  	[sflag:s16] =	ssyncset.done $0x0  }
0x41: {  	[sflag:s16] =	ssyncadd.s32 $0xFFFFD800  }
0x42: {  	[bflag:$0x0] =	sbarrier.arrive $0xFFFF  }
0x43: {  	[tilespmem:s3], [sflag:$0x3] =	stream.linear.gather [hbm4b:s7+s3], $0x1400, $0x38;
	[tilespmem:$0x1E800] =	vst v63  }
0x44: {  	_ =	swait.ge [sflag:s16], $0x1400  }
0x45: {  	[sflag:s16] =	ssyncset.done $0x0  }
0x46: {  	[sflag:s16] =	ssyncadd.s32 $0xFFFFEC00  }
0x47: {  	[tilespmem:s17], [sflag:$0x3] =	stream.linear.gather [hbm4b:s8+s3], $0x1400, $0x38;
	[tilespmem:$0x1E800] =	vst v63  }
0x48: {  	_ =	swait.ge [sflag:s16], $0x1400  }
0x49: {  	[sflag:s16] =	ssyncset.done $0x0  }
0x4a: {  	[sflag:s16] =	ssyncadd.s32 $0xFFFFEC00  }
0x4b: {  	[tilespmem:s19], [sflag:$0x1] =	stream.indirect.gather [hbm4b:s4+s18], $0x80, s3, s18, $0xb8;
	[tilespmem:$0x1E800] =	vst v63  }
0x4c: {  	s28 =	simm.s32 $0x80  }
0x4d: {  	[tilespmem:s20], [sflag:$0x2] =	stream.indirect.gather [hbm4b:s4+s18], $0x80, s28, s18, $0xb8;
	[tilespmem:$0x1E800] =	vst v63  }
0x4e: {  	_ =	swait.ge [sflag:s21], $0x4000  }
0x4f: {  	[sflag:s21] =	ssyncset.done $0x0  }
0x50: {  	s28 =	simm.s32 $0x1400;
	[sflag:s21] =	ssyncadd.s32 $0xFFFFC000  }
0x51: {  	[spmem:s2] =	stream.indirect.scatter.add.f32 [tilespmem:s19], [sflag:$0x3], $0x80, s28, s18, $0xb8;
	[tilespmem:$0x1E800] =	vst v63  }
0x52: {  	_ =	swait.ge [sflag:s16], $0x4000  }
0x53: {  	[sflag:s16] =	ssyncset.done $0x0  }
0x54: {  	s28 =	simm.s32 $0x100;
	[sflag:s16] =	ssyncadd.s32 $0xFFFFC000  }
0x55: {  	[tilespmem:s19], [sflag:$0x1] =	stream.indirect.gather [hbm4b:s4+s18], $0x80, s28, s18, $0xb8;
	[tilespmem:$0x1E800] =	vst v63  }
0x56: {  	_ =	swait.ge [sflag:s22], $0x4000  }
0x57: {  	[sflag:s22] =	ssyncset.done $0x0  }
0x58: {  	s28 =	simm.s32 $0x1480;
	[sflag:s22] =	ssyncadd.s32 $0xFFFFC000  }
0x59: {  	[spmem:s2] =	stream.indirect.scatter.add.f32 [tilespmem:s20], [sflag:$0x3], $0x80, s28, s18, $0xb8;
	[tilespmem:$0x1E800] =	vst v63  }
0x5a: {  	_ =	swait.ge [sflag:s16], $0x4000  }
0x5b: {  	s29 =	simm.s32 $0x800;
	s28 =	simm.s32 $0x100;
	[sflag:s16] =	ssyncset.done $0x0  }
.LBB2_2:
0x5c: {  	s30 =	sadd.s32 $0x80, s28  }
0x5d: {  	[sflag:s16] =	ssyncadd.s32 $0xFFFFC000;
	s31 =	smov.u32 s29;
	s0 =	sadd.s32 $0x400, s29  }
0x5e: {  	[tilespmem:s20], [sflag:$0x2] =	stream.indirect.gather [hbm4b:s4+s18], $0x80, s30, s18, $0xb8;
	[tilespmem:$0x1E800] =	vst v63  }
0x5f: {  	p1 =	sne.s32 s29, $0x4800;
	_ =	swait.ge [sflag:s21], $0x4000  }
0x60: {  	[sflag:s21] =	ssyncset.done $0x0  }
0x61: {  	s29 =	sadd.s32 $0x1400, s28;
	[sflag:s21] =	ssyncadd.s32 $0xFFFFC000  }
0x62: {  	[spmem:s2] =	stream.indirect.scatter.add.f32 [tilespmem:s19], [sflag:$0x3], $0x80, s29, s18, $0xb8;
	[tilespmem:$0x1E800] =	vst v63  }
0x63: {  	_ =	swait.ge [sflag:s16], $0x4000  }
0x64: {  	[sflag:s16] =	ssyncset.done $0x0  }
0x65: {  	s29 =	sadd.s32 $0x100, s28;
	[sflag:s16] =	ssyncadd.s32 $0xFFFFC000  }
0x66: {  	[tilespmem:s19], [sflag:$0x1] =	stream.indirect.gather [hbm4b:s4+s18], $0x80, s29, s18, $0xb8;
	[tilespmem:$0x1E800] =	vst v63  }
0x67: {  	_ =	swait.ge [sflag:s22], $0x4000  }
.Ltmp2:
0x68: {  	[sflag:s22] =	ssyncset.done $0x0;
	(pc) =	sbr.rel @p1 .LBB2_2-.Ltmp2, $4  }
0x69: {  	s28 =	sadd.s32 $0x1480, s28;
	[sflag:s22] =	ssyncadd.s32 $0xFFFFC000  }
0x6a: {  	[spmem:s2] =	stream.indirect.scatter.add.f32 [tilespmem:s20], [sflag:$0x3], $0x80, s28, s18, $0xb8;
	[tilespmem:$0x1E800] =	vst v63  }
0x6b: {  	_ =	swait.ge [sflag:s16], $0x4000  }
0x6c: {  	s29 =	smov.u32 s0;
	s28 =	sshra.s32 s31, $0x2;
	[sflag:s16] =	ssyncset.done $0x0  }
0x6d: {  	s0 =	sadd.s32 $0x80, s28;
	[sflag:s16] =	ssyncadd.s32 $0xFFFFC000  }
0x6e: {  	[tilespmem:s20], [sflag:$0x2] =	stream.indirect.gather [hbm4b:s4+s18], $0x80, s0, s18, $0xb8;
	[tilespmem:$0x1E800] =	vst v63  }
0x6f: {  	_ =	swait.ge [sflag:s21], $0x4000  }
0x70: {  	[sflag:s21] =	ssyncset.done $0x0  }
0x71: {  	s29 =	sadd.s32 $0x1400, s28;
	[sflag:s21] =	ssyncadd.s32 $0xFFFFC000  }
0x72: {  	[spmem:s2] =	stream.indirect.scatter.add.f32 [tilespmem:s19], [sflag:$0x3], $0x80, s29, s18, $0xb8;
	[tilespmem:$0x1E800] =	vst v63  }
0x73: {  	_ =	swait.ge [sflag:s16], $0x4000  }
0x74: {  	[sflag:s16] =	ssyncset.done $0x0  }
0x75: {  	s30 =	sadd.s32 $0x100, s28;
	[sflag:s16] =	ssyncadd.s32 $0xFFFFC000  }
0x76: {  	[tilespmem:s19], [sflag:$0x1] =	stream.indirect.gather [hbm4b:s4+s18], $0x80, s30, s18, $0xb8;
	[tilespmem:$0x1E800] =	vst v63  }
0x77: {  	_ =	swait.ge [sflag:s22], $0x4000  }
0x78: {  	[sflag:s22] =	ssyncset.done $0x0  }
0x79: {  	s31 =	sadd.s32 $0x1480, s28;
	[sflag:s22] =	ssyncadd.s32 $0xFFFFC000  }
0x7a: {  	[spmem:s2] =	stream.indirect.scatter.add.f32 [tilespmem:s20], [sflag:$0x3], $0x80, s31, s18, $0xb8;
	[tilespmem:$0x1E800] =	vst v63  }
0x7b: {  	_ =	swait.ge [sflag:s16], $0x4000  }
0x7c: {  	[sflag:s16] =	ssyncset.done $0x0  }
0x7d: {  	[sflag:s16] =	ssyncadd.s32 $0xFFFFC000  }
0x7e: {  	[tilespmem:s20], [sflag:$0x2] =	stream.indirect.gather [hbm4b:s4+s18], $0x80, s23, s18, $0xb8;
	[tilespmem:$0x1E800] =	vst v63  }
0x7f: {  	_ =	swait.ge [sflag:s21], $0x4000  }
0x80: {  	[sflag:s21] =	ssyncset.done $0x0  }
0x81: {  	[sflag:s21] =	ssyncadd.s32 $0xFFFFC000  }
0x82: {  	[spmem:s2] =	stream.indirect.scatter.add.f32 [tilespmem:s19], [sflag:$0x3], $0x80, s24, s18, $0xb8;
	[tilespmem:$0x1E800] =	vst v63  }
0x83: {  	_ =	swait.ge [sflag:s16], $0x4000  }
0x84: {  	[sflag:s16] =	ssyncset.done $0x0  }
0x85: {  	[sflag:s16] =	ssyncadd.s32 $0xFFFFC000  }
0x86: {  	_ =	swait.ge [sflag:s22], $0x4000  }
0x87: {  	[sflag:s22] =	ssyncset.done $0x0  }
.Ltmp3:
0x88: {  	[sflag:s22] =	ssyncadd.s32 $0xFFFFC000;
	(pc) =	sbr.rel @p0 .LBB2_9-.Ltmp3, $4  }
0x89: {  	[spmem:s2] =	stream.indirect.scatter.add.f32 [tilespmem:s20], [sflag:$0x3], $0x80, s25, s18, $0xb8;
	[tilespmem:$0x1E800] =	vst v63  }
0x8a: {  	_ =	swait.ge [sflag:s16], $0x4000  }
0x8b: {  	[sflag:s16] =	ssyncset.done $0x0  }
0x8c: {  	[sflag:s16] =	ssyncadd.s32 $0xFFFFC000  }
0x8d: {  	s0 =	simm.s32 $0x0  }
0x8e: {  	[tilespmem:s0], [sflag:$0x3] =	stream.linear.gather [hbm4b:s9+s0], $0x1400, $0x38;
	[tilespmem:$0x1E800] =	vst v63  }
0x8f: {  	_ =	swait.ge [sflag:s16], $0x1400  }
0x90: {  	[sflag:s16] =	ssyncset.done $0x0  }
0x91: {  	[sflag:s16] =	ssyncadd.s32 $0xFFFFEC00  }
0x92: {  	[tilespmem:s17], [sflag:$0x3] =	stream.linear.gather [hbm4b:s10+s0], $0x1400, $0x38;
	[tilespmem:$0x1E800] =	vst v63  }
0x93: {  	_ =	swait.ge [sflag:s16], $0x1400  }
0x94: {  	[sflag:s16] =	ssyncset.done $0x0  }
0x95: {  	[sflag:s16] =	ssyncadd.s32 $0xFFFFEC00  }
0x96: {  	[tilespmem:s19], [sflag:$0x1] =	stream.indirect.gather [hbm4b:s4+s18], $0x80, s0, s18, $0xb8;
	[tilespmem:$0x1E800] =	vst v63  }
0x97: {  	s30 =	simm.s32 $0x80  }
0x98: {  	[tilespmem:s20], [sflag:$0x2] =	stream.indirect.gather [hbm4b:s4+s18], $0x80, s30, s18, $0xb8;
	[tilespmem:$0x1E800] =	vst v63  }
0x99: {  	_ =	swait.ge [sflag:s21], $0x4000  }
0x9a: {  	[sflag:s21] =	ssyncset.done $0x0  }
0x9b: {  	s31 =	simm.s32 $0x1400;
	[sflag:s21] =	ssyncadd.s32 $0xFFFFC000  }
0x9c: {  	[spmem:s2] =	stream.indirect.scatter.add.f32 [tilespmem:s19], [sflag:$0x3], $0x80, s31, s18, $0xb8;
	[tilespmem:$0x1E800] =	vst v63  }
0x9d: {  	_ =	swait.ge [sflag:s16], $0x4000  }
0x9e: {  	[sflag:s16] =	ssyncset.done $0x0  }
0x9f: {  	s30 =	simm.s32 $0x100;
	[sflag:s16] =	ssyncadd.s32 $0xFFFFC000  }
0xa0: {  	[tilespmem:s19], [sflag:$0x1] =	stream.indirect.gather [hbm4b:s4+s18], $0x80, s30, s18, $0xb8;
	[tilespmem:$0x1E800] =	vst v63  }
0xa1: {  	_ =	swait.ge [sflag:s22], $0x4000  }
0xa2: {  	[sflag:s22] =	ssyncset.done $0x0  }
0xa3: {  	s31 =	simm.s32 $0x1480;
	[sflag:s22] =	ssyncadd.s32 $0xFFFFC000  }
0xa4: {  	[spmem:s2] =	stream.indirect.scatter.add.f32 [tilespmem:s20], [sflag:$0x3], $0x80, s31, s18, $0xb8;
	[tilespmem:$0x1E800] =	vst v63  }
0xa5: {  	_ =	swait.ge [sflag:s16], $0x4000  }
0xa6: {  	s29 =	simm.s32 $0x800;
	s28 =	simm.s32 $0x100;
	[sflag:s16] =	ssyncset.done $0x0  }
.LBB2_5:
0xa7: {  	s0 =	sadd.s32 $0x80, s28  }
0xa8: {  	[sflag:s16] =	ssyncadd.s32 $0xFFFFC000;
	s30 =	smov.u32 s29;
	s31 =	sadd.s32 $0x400, s29  }
0xa9: {  	[tilespmem:s20], [sflag:$0x2] =	stream.indirect.gather [hbm4b:s4+s18], $0x80, s0, s18, $0xb8;
	[tilespmem:$0x1E800] =	vst v63  }
0xaa: {  	p1 =	sne.s32 s29, $0x4800;
	_ =	swait.ge [sflag:s21], $0x4000  }
0xab: {  	[sflag:s21] =	ssyncset.done $0x0  }
0xac: {  	s0 =	sadd.s32 $0x1400, s28;
	[sflag:s21] =	ssyncadd.s32 $0xFFFFC000  }
0xad: {  	[spmem:s2] =	stream.indirect.scatter.add.f32 [tilespmem:s19], [sflag:$0x3], $0x80, s0, s18, $0xb8;
	[tilespmem:$0x1E800] =	vst v63  }
0xae: {  	_ =	swait.ge [sflag:s16], $0x4000  }
0xaf: {  	[sflag:s16] =	ssyncset.done $0x0  }
0xb0: {  	s0 =	sadd.s32 $0x100, s28;
	[sflag:s16] =	ssyncadd.s32 $0xFFFFC000  }
0xb1: {  	[tilespmem:s19], [sflag:$0x1] =	stream.indirect.gather [hbm4b:s4+s18], $0x80, s0, s18, $0xb8;
	[tilespmem:$0x1E800] =	vst v63  }
0xb2: {  	_ =	swait.ge [sflag:s22], $0x4000  }
.Ltmp4:
0xb3: {  	[sflag:s22] =	ssyncset.done $0x0;
	(pc) =	sbr.rel @p1 .LBB2_5-.Ltmp4, $4  }
0xb4: {  	s0 =	sadd.s32 $0x1480, s28;
	[sflag:s22] =	ssyncadd.s32 $0xFFFFC000  }
0xb5: {  	[spmem:s2] =	stream.indirect.scatter.add.f32 [tilespmem:s20], [sflag:$0x3], $0x80, s0, s18, $0xb8;
	[tilespmem:$0x1E800] =	vst v63  }
0xb6: {  	_ =	swait.ge [sflag:s16], $0x4000  }
0xb7: {  	s29 =	smov.u32 s31;
	s28 =	sshra.s32 s30, $0x2;
	[sflag:s16] =	ssyncset.done $0x0  }
0xb8: {  	s0 =	sadd.s32 $0x80, s28;
	[sflag:s16] =	ssyncadd.s32 $0xFFFFC000  }
0xb9: {  	[tilespmem:s20], [sflag:$0x2] =	stream.indirect.gather [hbm4b:s4+s18], $0x80, s0, s18, $0xb8;
	[tilespmem:$0x1E800] =	vst v63  }
0xba: {  	_ =	swait.ge [sflag:s21], $0x4000  }
0xbb: {  	[sflag:s21] =	ssyncset.done $0x0  }
0xbc: {  	s30 =	sadd.s32 $0x1400, s28;
	[sflag:s21] =	ssyncadd.s32 $0xFFFFC000  }
0xbd: {  	[spmem:s2] =	stream.indirect.scatter.add.f32 [tilespmem:s19], [sflag:$0x3], $0x80, s30, s18, $0xb8;
	[tilespmem:$0x1E800] =	vst v63  }
0xbe: {  	_ =	swait.ge [sflag:s16], $0x4000  }
0xbf: {  	[sflag:s16] =	ssyncset.done $0x0  }
0xc0: {  	s31 =	sadd.s32 $0x100, s28;
	[sflag:s16] =	ssyncadd.s32 $0xFFFFC000  }
0xc1: {  	[tilespmem:s19], [sflag:$0x1] =	stream.indirect.gather [hbm4b:s4+s18], $0x80, s31, s18, $0xb8;
	[tilespmem:$0x1E800] =	vst v63  }
0xc2: {  	_ =	swait.ge [sflag:s22], $0x4000  }
0xc3: {  	[sflag:s22] =	ssyncset.done $0x0  }
0xc4: {  	s30 =	sadd.s32 $0x1480, s28;
	[sflag:s22] =	ssyncadd.s32 $0xFFFFC000  }
0xc5: {  	[spmem:s2] =	stream.indirect.scatter.add.f32 [tilespmem:s20], [sflag:$0x3], $0x80, s30, s18, $0xb8;
	[tilespmem:$0x1E800] =	vst v63  }
0xc6: {  	_ =	swait.ge [sflag:s16], $0x4000  }
0xc7: {  	[sflag:s16] =	ssyncset.done $0x0  }
0xc8: {  	[sflag:s16] =	ssyncadd.s32 $0xFFFFC000  }
0xc9: {  	[tilespmem:s20], [sflag:$0x2] =	stream.indirect.gather [hbm4b:s4+s18], $0x80, s23, s18, $0xb8;
	[tilespmem:$0x1E800] =	vst v63  }
0xca: {  	_ =	swait.ge [sflag:s21], $0x4000  }
0xcb: {  	[sflag:s21] =	ssyncset.done $0x0  }
0xcc: {  	[sflag:s21] =	ssyncadd.s32 $0xFFFFC000  }
0xcd: {  	[spmem:s2] =	stream.indirect.scatter.add.f32 [tilespmem:s19], [sflag:$0x3], $0x80, s24, s18, $0xb8;
	[tilespmem:$0x1E800] =	vst v63  }
0xce: {  	_ =	swait.ge [sflag:s16], $0x4000  }
0xcf: {  	[sflag:s16] =	ssyncset.done $0x0  }
0xd0: {  	[sflag:s16] =	ssyncadd.s32 $0xFFFFC000  }
0xd1: {  	_ =	swait.ge [sflag:s22], $0x4000  }
0xd2: {  	[sflag:s22] =	ssyncset.done $0x0  }
0xd3: {  	[sflag:s22] =	ssyncadd.s32 $0xFFFFC000  }
0xd4: {  	[spmem:s2] =	stream.indirect.scatter.add.f32 [tilespmem:s20], [sflag:$0x3], $0x80, s25, s18, $0xb8;
	[tilespmem:$0x1E800] =	vst v63  }
0xd5: {  	_ =	swait.ge [sflag:s16], $0x4000  }
0xd6: {  	[sflag:s16] =	ssyncset.done $0x0  }
0xd7: {  	s31 =	simm.s32 $0x0;
	[sflag:s16] =	ssyncadd.s32 $0xFFFFC000  }
0xd8: {  	[tilespmem:s31], [sflag:$0x3] =	stream.linear.gather [hbm4b:s11+s31], $0x1400, $0x38;
	[tilespmem:$0x1E800] =	vst v63  }
0xd9: {  	_ =	swait.ge [sflag:s16], $0x1400  }
0xda: {  	[sflag:s16] =	ssyncset.done $0x0  }
0xdb: {  	[sflag:s16] =	ssyncadd.s32 $0xFFFFEC00  }
0xdc: {  	[tilespmem:s17], [sflag:$0x3] =	stream.linear.gather [hbm4b:s12+s31], $0x1400, $0x38;
	[tilespmem:$0x1E800] =	vst v63  }
0xdd: {  	_ =	swait.ge [sflag:s16], $0x1400  }
0xde: {  	[sflag:s16] =	ssyncset.done $0x0  }
0xdf: {  	[sflag:s16] =	ssyncadd.s32 $0xFFFFEC00  }
0xe0: {  	[tilespmem:s19], [sflag:$0x1] =	stream.indirect.gather [hbm4b:s4+s18], $0x80, s31, s18, $0xb8;
	[tilespmem:$0x1E800] =	vst v63  }
0xe1: {  	s30 =	simm.s32 $0x80  }
0xe2: {  	[tilespmem:s20], [sflag:$0x2] =	stream.indirect.gather [hbm4b:s4+s18], $0x80, s30, s18, $0xb8;
	[tilespmem:$0x1E800] =	vst v63  }
0xe3: {  	_ =	swait.ge [sflag:s21], $0x4000  }
0xe4: {  	[sflag:s21] =	ssyncset.done $0x0  }
0xe5: {  	s31 =	simm.s32 $0x1400;
	[sflag:s21] =	ssyncadd.s32 $0xFFFFC000  }
0xe6: {  	[spmem:s2] =	stream.indirect.scatter.add.f32 [tilespmem:s19], [sflag:$0x3], $0x80, s31, s18, $0xb8;
	[tilespmem:$0x1E800] =	vst v63  }
0xe7: {  	_ =	swait.ge [sflag:s16], $0x4000  }
0xe8: {  	[sflag:s16] =	ssyncset.done $0x0  }
0xe9: {  	s30 =	simm.s32 $0x100;
	[sflag:s16] =	ssyncadd.s32 $0xFFFFC000  }
0xea: {  	[tilespmem:s19], [sflag:$0x1] =	stream.indirect.gather [hbm4b:s4+s18], $0x80, s30, s18, $0xb8;
	[tilespmem:$0x1E800] =	vst v63  }
0xeb: {  	_ =	swait.ge [sflag:s22], $0x4000  }
0xec: {  	[sflag:s22] =	ssyncset.done $0x0  }
0xed: {  	s31 =	simm.s32 $0x1480;
	[sflag:s22] =	ssyncadd.s32 $0xFFFFC000  }
0xee: {  	[spmem:s2] =	stream.indirect.scatter.add.f32 [tilespmem:s20], [sflag:$0x3], $0x80, s31, s18, $0xb8;
	[tilespmem:$0x1E800] =	vst v63  }
0xef: {  	_ =	swait.ge [sflag:s16], $0x4000  }
0xf0: {  	s29 =	simm.s32 $0x800;
	s28 =	simm.s32 $0x100;
	[sflag:s16] =	ssyncset.done $0x0  }
.LBB2_7:
0xf1: {  	s0 =	sadd.s32 $0x80, s28  }
0xf2: {  	[sflag:s16] =	ssyncadd.s32 $0xFFFFC000;
	s30 =	smov.u32 s29;
	s31 =	sadd.s32 $0x400, s29  }
0xf3: {  	[tilespmem:s20], [sflag:$0x2] =	stream.indirect.gather [hbm4b:s4+s18], $0x80, s0, s18, $0xb8;
	[tilespmem:$0x1E800] =	vst v63  }
0xf4: {  	p1 =	sne.s32 s29, $0x4800;
	_ =	swait.ge [sflag:s21], $0x4000  }
0xf5: {  	[sflag:s21] =	ssyncset.done $0x0  }
0xf6: {  	s0 =	sadd.s32 $0x1400, s28;
	[sflag:s21] =	ssyncadd.s32 $0xFFFFC000  }
0xf7: {  	[spmem:s2] =	stream.indirect.scatter.add.f32 [tilespmem:s19], [sflag:$0x3], $0x80, s0, s18, $0xb8;
	[tilespmem:$0x1E800] =	vst v63  }
0xf8: {  	_ =	swait.ge [sflag:s16], $0x4000  }
0xf9: {  	[sflag:s16] =	ssyncset.done $0x0  }
0xfa: {  	s0 =	sadd.s32 $0x100, s28;
	[sflag:s16] =	ssyncadd.s32 $0xFFFFC000  }
0xfb: {  	[tilespmem:s19], [sflag:$0x1] =	stream.indirect.gather [hbm4b:s4+s18], $0x80, s0, s18, $0xb8;
	[tilespmem:$0x1E800] =	vst v63  }
0xfc: {  	_ =	swait.ge [sflag:s22], $0x4000  }
.Ltmp5:
0xfd: {  	[sflag:s22] =	ssyncset.done $0x0;
	(pc) =	sbr.rel @p1 .LBB2_7-.Ltmp5, $4  }
0xfe: {  	s0 =	sadd.s32 $0x1480, s28;
	[sflag:s22] =	ssyncadd.s32 $0xFFFFC000  }
0xff: {  	[spmem:s2] =	stream.indirect.scatter.add.f32 [tilespmem:s20], [sflag:$0x3], $0x80, s0, s18, $0xb8;
	[tilespmem:$0x1E800] =	vst v63  }
0x100: {  	_ =	swait.ge [sflag:s16], $0x4000  }
0x101: {  	s29 =	smov.u32 s31;
	s28 =	sshra.s32 s30, $0x2;
	[sflag:s16] =	ssyncset.done $0x0  }
.Ltmp6:
0x102: {  	_ = 	snop;
	(pc) =	sbr.rel .LBB2_8-.Ltmp6, $1  }
0x103: {  	_ =	sdelay $0x3  }
.LBB2_10:
0x104: {  	_ =	sfence.sel $0x180000  }
0x105: {  	[bflag:$0x0] =	sbarrier.arrive $0xFFFF  }
0x106: {  	_ =	strace $0x9000004D  }
0x107: {  	[bflag:$0x2] =	sbarrier.arrive $0xFFFF  }
0x108: {  	p0 =	sne.s32 s1, $0x0;
	s0 =	rddreg [dreg:$0x3]  }
0x109: {  	s0 =	sadd.s32 @!p0 $0x100000, s0  }
0x10a: {  	[sflag:s0] =	ssyncadd.tile.s32 @!p0 $0x1;
	_ =	shalt  }
.Lfunc_end2:
_tile_overlayer_lowered:
.L_overlay_start_2:
0x10b: {  	(tag) =	ssettag $0x2  }
0x10c: {  	s0 =	rddreg [dreg:$0x0];
	s2 =	stileid.u32  }
0x10d: {  	s1 =	rddreg [dreg:$0x1];
	p0 =	sne.s32 s2, $0x0  }
0x10e: {  	s3 =	rddreg [dreg:$0x2];
	[bflag:$0x3] =	sbarrier.arrive $0xFFFF;
	s2 =	simm.s32 @!p0 $0x1C03  }
0x10f: {  	[timem:s3], [sflag:s2] =	dma.local @!p0 [hbm:s0], s1  }
0x110: {  	s0 =	simm.s32 @!p0 $0x3  }
0x111: {  	_ =	swait.ge @!p0 [sflag:s0], s1  }
0x112: {  	s1 =	ssub.s32 @!p0 $0x0, s1;
	[sflag:s0] =	ssyncset.done @!p0 $0x0  }
0x113: {  	[sflag:s0] =	ssyncadd.s32 @!p0 s1  }
0x114: {  	[bflag:$0x3] =	sbarrier.arrive $0xFFFF  }
0x115: {  	_ =	shalt  }

// kernel: kernel.19.cloned.1.call-start
scs
__scs_entry_jumppad:
0x0: {  	(pc) =	sbr.rel $0x88, $3  }
0x1: {  	(tag) =	ssettag $0x0;
	lr =	simm.s32 $0x1  }
0x2: {  	[smem:$0x3F9E] =	sst lr;
	_ =	strace $0xD0000000  }
0x3: {  	_ = 	snop  }
0x4: {  	_ = 	snop  }
0x5: {  	_ = 	snop  }
0x6: {  	_ = 	snop  }
0x7: {  	_ = 	snop  }
__scs_overlays_trampoline_lowered:
0x8: {  	[smem:$0x3FAD] =	sst s0  }
0x9: {  	[smem:$0x3FAE] =	sst s1  }
0xa: {  	[smem:$0x3FAF] =	sst s2  }
0xb: {  	[smem:$0x3FB0] =	sst s3  }
0xc: {  	[smem:$0x3FB1] =	sst s4  }
0xd: {  	[smem:$0x3FB2] =	sst s5  }
0xe: {  	[smem:$0x3FB3] =	sst s6  }
0xf: {  	[smem:$0x3FB4] =	sst s7  }
0x10: {  	[smem:$0x3FB5] =	sst s8  }
0x11: {  	[smem:$0x3FB6] =	sst s9;
	s0 =	simm.s32 @!p0 $0x0  }
0x12: {  	s1 =	sld [smem:$0x3F9C];
	s0 =	simm.s32 @p0 $0x1  }
0x13: {  	[smem:$0x3FB7] =	sst s0;
	s0 =	simm.s32 @!p1 $0x0  }
0x14: {  	s2 =	sld [smem:$0x3F9B];
	s0 =	simm.s32 @p1 $0x1  }
0x15: {  	[smem:$0x3FB8] =	sst s0;
	s0 =	simm.s32 @!p2 $0x0  }
0x16: {  	s3 =	sld [smem:$0x3FDB];
	s0 =	simm.s32 @p2 $0x1  }
0x17: {  	s4 =	simm.s32 $0x1BF5;
	[smem:$0x3FBA] =	sst s0  }
0x18: {  	s0 =	sld [smem:$0x3F9D];
	_ =	swait.ge [sflag:s4], $0x0  }
0x19: {  	s7 =	sld [smem:$0x3F9E]  }
0x1a: {  	s8 =	sadd.s32 $0xFFFFE003, lr  }
0x1b: {  	s9 =	sadd.s32 $0xFFFFFEF7, lr;
	s5 =	simm.s32 $0xFFFFFFFF;
	p2 =	slt.u32 s8, $0xFFFFF086  }
0x1c: {  	p1 =	slt.u32 s9, $0xF7A;
	s5 =	simm.s32 @!p2 $0x0  }
0x1d: {  	s5 =	simm.s32 @p1 $0x1;
	p0 =	seq.s32 s7, s2  }
0x1e: {  	s7 =	smul.u32 @!p0 $0xF7A, s2;
	p2 =	seq.s32 @!p0 s5, $0x0  }
0x1f: {  	s9 =	smul.u32 $0xF7A, s1;
	s8 =	simm.s32 @!p0 $0x1BF5;
	p2 =	por !p2, p0  }
0x20: {  	[sflag:s8] =	ssyncset.s32 @!p0 $0xFFFFF086;
	s6 =	sadd.s32 @!p0 s3, s7;
	s7 =	simm.s32 @!p0 $0x108  }
0x21: {  	s3 =	sadd.s32 s3, s9;
	s6 =	sadd.s32 @!p0 $0x88, s6;
	s7 =	simm.s32 @p2 $0x1082  }
0x22: {  	[simem:s7], [sflag:s8] =	dma.local @!p0 [hbm:s6], $0xF7A  }
0x23: {  	s9 =	sor.u32 $0xD0000000, s2;
	s6 =	simm.s32 $0x108;
	_ =	swait.ge @!p0 [sflag:s8], $0x0  }
0x24: {  	s3 =	sadd.s32 $0x88, s3;
	s6 =	simm.s32 @!p1 $0x1082;
	[sflag:s4] =	ssyncset.s32 $0xFFFFF086  }
0x25: {  	[simem:s6], [sflag:s4] =	dma.local [hbm:s3], $0xF7A  }
0x26: {  	[smem:$0x3F9E] =	sst s1;
	(tag) =	ssettag s2;
	_ =	strace s9  }
0x27: {  	s1 =	sld [smem:$0x3FAE]  }
0x28: {  	s2 =	sld [smem:$0x3FAF]  }
0x29: {  	s4 =	sld [smem:$0x3FB1]  }
0x2a: {  	p0 =	seq.s32 s5, $0x0;
	s5 =	sld [smem:$0x3FB2]  }
0x2b: {  	s6 =	sld [smem:$0x3FB3]  }
0x2c: {  	s7 =	sld [smem:$0x3FB4]  }
0x2d: {  	s3 =	simm.s32 $0x108;
	s8 =	sld [smem:$0x3FB5]  }
0x2e: {  	s3 =	simm.s32 @!p0 $0x1082;
	s9 =	sld [smem:$0x3FB6]  }
0x2f: {  	lr =	sadd.s32 s0, s3;
	s0 =	sld [smem:$0x3FAD]  }
0x30: {  	s3 =	sld [smem:$0x3FB0]  }
0x31: {  	[smem:$0x3FB9] =	sst s10  }
0x32: {  	s10 =	sld [smem:$0x3FB7];
	_ =	sdelay $0x3  }
0x33: {  	p0 =	seq.s32 s10, $0x1;
	s10 =	sld [smem:$0x3FB9];
	_ =	sdelay $0x3  }
0x34: {  	[smem:$0x3FB9] =	sst s10  }
0x35: {  	s10 =	sld [smem:$0x3FB8];
	_ =	sdelay $0x3  }
0x36: {  	p1 =	seq.s32 s10, $0x1;
	s10 =	sld [smem:$0x3FB9];
	_ =	sdelay $0x3  }
0x37: {  	[smem:$0x3FB9] =	sst s10  }
0x38: {  	s10 =	sld [smem:$0x3FBA]  }
0x39: {  	_ = 	snop;
	(pc) =	sbr.ind lr, $3  }
0x3a: {  	_ = 	snop  }
0x3b: {  	_ = 	snop  }
0x3c: {  	p2 =	seq.s32 s10, $0x1;
	s10 =	sld [smem:$0x3FB9]  }
0x3d: {  	_ =	shalt  }
0x3e: {  	_ =	shalt  }
0x3f: {  	_ =	shalt  }
0x40: {  	_ =	shalt  }
0x41: {  	_ =	shalt  }
0x42: {  	_ =	shalt  }
0x43: {  	_ =	shalt  }
0x44: {  	_ =	shalt  }
0x45: {  	_ =	shalt  }
0x46: {  	_ =	shalt  }
0x47: {  	_ =	shalt  }
0x48: {  	_ =	shalt  }
0x49: {  	_ =	shalt  }
0x4a: {  	_ =	shalt  }
0x4b: {  	_ =	shalt  }
0x4c: {  	_ =	shalt  }
0x4d: {  	_ =	shalt  }
0x4e: {  	_ =	shalt  }
0x4f: {  	_ =	shalt  }
0x50: {  	_ =	shalt  }
0x51: {  	_ =	shalt  }
0x52: {  	_ =	shalt  }
0x53: {  	_ =	shalt  }
0x54: {  	_ =	shalt  }
0x55: {  	_ =	shalt  }
0x56: {  	_ =	shalt  }
0x57: {  	_ =	shalt  }
0x58: {  	_ =	shalt  }
0x59: {  	_ =	shalt  }
0x5a: {  	_ =	shalt  }
0x5b: {  	_ =	shalt  }
0x5c: {  	_ =	shalt  }
0x5d: {  	_ =	shalt  }
0x5e: {  	_ =	shalt  }
0x5f: {  	_ =	shalt  }
0x60: {  	_ =	shalt  }
0x61: {  	_ =	shalt  }
0x62: {  	_ =	shalt  }
0x63: {  	_ =	shalt  }
0x64: {  	_ =	shalt  }
0x65: {  	_ =	shalt  }
0x66: {  	_ =	shalt  }
0x67: {  	_ =	shalt  }
0x68: {  	_ =	shalt  }
0x69: {  	_ =	shalt  }
0x6a: {  	_ =	shalt  }
0x6b: {  	_ =	shalt  }
0x6c: {  	_ =	shalt  }
0x6d: {  	_ =	shalt  }
0x6e: {  	_ =	shalt  }
0x6f: {  	_ =	shalt  }
0x70: {  	_ =	shalt  }
0x71: {  	_ =	shalt  }
0x72: {  	_ =	shalt  }
0x73: {  	_ =	shalt  }
0x74: {  	_ =	shalt  }
0x75: {  	_ =	shalt  }
0x76: {  	_ =	shalt  }
0x77: {  	_ =	shalt  }
0x78: {  	_ =	shalt  }
0x79: {  	_ =	shalt  }
0x7a: {  	_ =	shalt  }
0x7b: {  	_ =	shalt  }
0x7c: {  	_ =	shalt  }
0x7d: {  	_ =	shalt  }
0x7e: {  	_ =	shalt  }
0x7f: {  	_ =	shalt  }
0x80: {  	_ =	shalt  }
0x81: {  	_ =	shalt  }
0x82: {  	_ =	shalt  }
0x83: {  	_ =	shalt  }
0x84: {  	_ =	shalt  }
0x85: {  	_ =	shalt  }
0x86: {  	_ =	shalt  }
0x87: {  	_ =	shalt  }
.Lfunc_end0:
.L_simem_size_0:
called_computation.3_lowered:
.L_overlay_start_0:
0x88: {  	s2 =	sld [smem:$0x3FD9]  }
0x89: {  	s3 =	sld [smem:$0x3FFE];
	_ =	sdelay $0x1  }
0x8a: {  	s1 =	srdreg.scid  }
0x8b: {  	s0 =	sand.u32 $0x1, s1  }
0x8c: {  	s17 =	sshll.u32 s0, $0xA;
	s2 =	sadd.s32 s3, s2  }
0x8d: {  	s2 =	sadd.s32 s2, s17  }
0x8e: {  	[smem:$0x3FC5] =	sst s2  }
0x8f: {  	_ = 	snop  }
0x90: {  	s2 =	sld [smem:$0x3FD0];
	(tm) =	ssettm $0x1  }
0x91: {  	s18 =	sld [smem:$0x3FFB];
	_ =	sdelay $0x3  }
0x92: {  	_ =	strace s18  }
0x93: {  	s3 =	sld [smem:$0x3FFC];
	_ =	sdelay $0x3  }
0x94: {  	_ =	strace s3  }
0x95: {  	s3 =	sld [smem:$0x3FFD];
	_ =	sdelay $0x3  }
0x96: {  	_ =	strace s3  }
0x97: {  	_ =	strace $0x8FFFFFFF  }
0x98: {  	s19 =	sld [smem:$0x3FDB];
	_ =	sdelay $0x1  }
0x99: {  	s4 =	simm.s32 $_scs_section_size  }
0x9a: {  	s5 =	simm.s32 $_size__tile_overlayer_lowered;
	s6 =	simm.s32 $_tile_overlayer_lowered  }
0x9b: {  	s22 =	simm.s32 $0x1BFF;
	s21 =	sshll.u32 s6, $0x1;
	s3 =	sadd.s32 s4, s19  }
0x9c: {  	s7 =	simm.s32 $0x0;
	s20 =	sshll.u32 s5, $0x1;
	s5 =	sadd.s32 s21, s3  }
0x9d: {  	[timem:s7], [sflag:s22] =	dma.local [hbm:s5], s20  }
0x9e: {  	_ =	swait.ge [sflag:s22], s20  }
0x9f: {  	s4 =	ssub.s32 $0x0, s20;
	[sflag:s22] =	ssyncset.done $0x0  }
0xa0: {  	[sflag:s22] =	ssyncadd.s32 s4;
	_ =	sdelay $0x1  }
0xa1: {  	s23 =	simm.s32 $0x1B8B  }
0xa2: {  	_ =	swait.ge [sflag:s23], $0x1  }
0xa3: {  	[sflag:s23] =	ssyncset.done $0x0  }
0xa4: {  	s25 =	simm.s32 $0x1B8E;
	s24 =	sld [smem:$0x3FFE];
	[sflag:s23] =	ssyncadd.s32 $0xFFFFFFFF  }
0xa5: {  	s26 =	simm.s32 $execute0_lowered;
	[smem:$0x3FD2] =	sst s25  }
0xa6: {  	s5 =	sshll.u32 s26, $0x1;
	_ =	strace $0x8000004F;
	[dreg:$0x1] =	wrdreg $0xFFFFFFFF  }
0xa7: {  	s28 =	simm.s32 $_size_execute0_lowered;
	s3 =	sadd.s32 s3, s5;
	[dreg:$0x0] =	wrdreg $0x0  }
0xa8: {  	s5 =	sshll.u32 s28, $0x1;
	[dreg:$0x2] =	wrdreg s3  }
0xa9: {  	[dreg:$0x3] =	wrdreg s5  }
0xaa: {  	[dreg:$0x4] =	wrdreg $0xC0  }
0xab: {  	_ =	task [dreg:s7], $0x5FFFF  }
0xac: {  	[dreg:$0x1] =	wrdreg $0xFFFFFFFF  }
0xad: {  	[dreg:$0x0] =	wrdreg $0x60  }
0xae: {  	[dreg:$0x2] =	wrdreg s24  }
0xaf: {  	[dreg:$0x3] =	wrdreg s2  }
0xb0: {  	[dreg:$0x4] =	wrdreg $0xA8000  }
0xb1: {  	[dreg:$0x5] =	wrdreg $0x9  }
0xb2: {  	_ =	task.clear_ibuf [dreg:s7], $0x6FFFF;
	_ =	strace $0x9000004F  }
0xb3: {  	s29 =	simm.s32 $0x9;
	_ =	strace $0x80000051  }
0xb4: {  	_ =	swait.ge [sflag:s29], $0x1  }
0xb5: {  	[sflag:s29] =	ssyncadd.s32 $0xFFFFFFFF  }
0xb6: {  	_ =	strace $0x90000051  }
0xb7: {  	_ =	sfence  }
0xb8: {  	s30 =	sld [smem:$0x0];
	_ =	sdelay $0x2  }
0xb9: {  	s31 =	sshll.u32 s1, $0xD;
	s1 =	sshrl.u32 s1, $0x2  }
0xba: {  	s3 =	sand.u32 $0x4000, s31;
	s1 =	sadd.s32 s1, s30  }
0xbb: {  	s0 =	sor.u32 s3, s0;
	s1 =	sshll.u32 s1, $0x11  }
0xbc: {  	s0 =	sor.u32 s1, s0  }
0xbd: {  	s0 =	sadd.s32 $0x8F2B, s0  }
0xbe: {  	[sflag:s0] =	ssyncadd.remote.s32 $0x1  }
0xbf: {  	_ =	sfence.sel $0xFFFF  }
0xc0: {  	[dreg:$0x0] =	wrdreg $0xFFFFFFFF;
	(pc) =	sbr.abs _section_cstart, $3  }
0xc1: {  	[dreg:$0x1] =	wrdreg $0xFFFFFFFF  }
0xc2: {  	_ =	task.clear_ibuf [dreg:s7], $0x2FFFF;
	_ =	strace $0x9FFFFFFF  }
0xc3: {  	(tm) =	ssettm $0x7FFFFFFF  }
tec
execute0_lowered:
.L_overlay_start_1:
0x0: {  	(tag) =	ssettag $0x1  }
0x1: {  	s5 =	rddreg [dreg:$0x0]  }
0x2: {  	s11 =	rddreg [dreg:$0x1]  }
0x3: {  	s2 =	rddreg [dreg:$0x2]  }
0x4: {  	s1 =	stileid.u32;
	s4 =	srdreg.scid  }
0x5: {  	s3 =	simm.s32 $0x0;
	s18 =	simm.s32 $0x80;
	s19 =	simm.s32 $0x2800  }
0x6: {  	s20 =	simm.s32 $0x6800;
	s21 =	simm.s32 $0x1;
	s6 =	smul.u32 $0x14000, s1  }
0x7: {  	s22 =	simm.s32 $0x2;
	s23 =	sand.u32 $0x1, s4;
	s9 =	smul.u32 $0x50000, s1  }
0x8: {  	[smem:$0x7FF] =	sst s3;
	s4 =	sadd.s32 $0x35000, s5;
	s26 =	smul.u32 $0x28, s1  }
0x9: {  	s12 =	sadd.s32 $0x2800, s5;
	s29 =	smul.u32 $0x3C00, s1;
	s30 =	sshll.u32 s1, $0x6  }
0xa: {  	s7 =	smul.u32 $0x140000, s23;
	_ =	strace $0x80000050;
	s24 =	ssub.s32 $0x2, s23  }
0xb: {  	p0 =	seq.s32 s23, $0x0;
	s8 =	sshrl.u32 s6, $0x3;
	s25 =	sshrl.u32 s24, $0x1  }
0xc: {  	s28 =	sshrl.u32 s9, $0x2;
	s10 =	sshrl.u32 s29, $0x3;
	s8 =	sadd.s32 s8, s5  }
0xd: {  	s6 =	sadd.s32 s6, s7;
	s14 =	ssub.s32 s24, s25;
	s7 =	smul.u32 $0x78, s1  }
0xe: {  	s15 =	sadd.s32 s28, s2;
	s16 =	sadd.s32 $0x280, s10;
	s17 =	sadd.s32 $0x500, s10  }
0xf: {  	s24 =	simm.s32 $0x2700;
	s25 =	simm.s32 $0x2780;
	s6 =	sshrl.u32 s6, $0x3  }
0x10: {  	s9 =	sadd.s32 s11, s16;
	s10 =	sadd.s32 s12, s16;
	s14 =	smax.u32 s14, $0x1  }
0x11: {  	s15 =	sshrl.u32 s15, $0x3;
	s16 =	simm.s32 $0x3;
	s13 =	sadd.s32 s6, s5  }
.Ltmp0:
0x12: {  	s6 =	sadd.s32 $0x780, s26;
	s5 =	sadd.s32 $0xD000, s8;
	(pc) =	sbr.rel .LBB2_1-.Ltmp0, $4  }
0x13: {  	s26 =	simm.s32 $0x0;
	s6 =	smov.u32 @p0 s7;
	s13 =	sadd.s32 $0x85000, s13  }
0x14: {  	p0 =	sne.s32 s23, $0x0;
	s23 =	simm.s32 $0x1380;
	s31 =	sshll.u32 s6, $0x4  }
0x15: {  	s6 =	sor.u32 $0x1C03, s30;
	s7 =	sadd.s32 s11, s31;
	s8 =	sadd.s32 s12, s31  }
0x16: {  	s11 =	sadd.s32 s11, s17;
	s12 =	sadd.s32 s12, s17;
	s17 =	simm.s32 $0x1400  }
.LBB2_8:
0x17: {  	s0 =	sadd.s32 $0x80, s28;
	[sflag:s16] =	ssyncadd.s32 $0xFFFFC000  }
0x18: {  	[tilespmem:s20], [sflag:$0x2] =	stream.indirect.gather [hbm4b:s4+s18], $0x80, s0, s18, $0xb8;
	[tilespmem:$0x1E800] =	vst v63  }
0x19: {  	_ =	swait.ge [sflag:s21], $0x4000  }
0x1a: {  	[sflag:s21] =	ssyncset.done $0x0  }
0x1b: {  	s29 =	sadd.s32 $0x1400, s28;
	[sflag:s21] =	ssyncadd.s32 $0xFFFFC000  }
0x1c: {  	[spmem:s2] =	stream.indirect.scatter.add.f32 [tilespmem:s19], [sflag:$0x3], $0x80, s29, s18, $0xb8;
	[tilespmem:$0x1E800] =	vst v63  }
0x1d: {  	_ =	swait.ge [sflag:s16], $0x4000  }
0x1e: {  	[sflag:s16] =	ssyncset.done $0x0  }
0x1f: {  	s30 =	sadd.s32 $0x100, s28;
	[sflag:s16] =	ssyncadd.s32 $0xFFFFC000  }
0x20: {  	[tilespmem:s19], [sflag:$0x1] =	stream.indirect.gather [hbm4b:s4+s18], $0x80, s30, s18, $0xb8;
	[tilespmem:$0x1E800] =	vst v63  }
0x21: {  	_ =	swait.ge [sflag:s22], $0x4000  }
0x22: {  	[sflag:s22] =	ssyncset.done $0x0  }
0x23: {  	s31 =	sadd.s32 $0x1480, s28;
	[sflag:s22] =	ssyncadd.s32 $0xFFFFC000  }
0x24: {  	[spmem:s2] =	stream.indirect.scatter.add.f32 [tilespmem:s20], [sflag:$0x3], $0x80, s31, s18, $0xb8;
	[tilespmem:$0x1E800] =	vst v63  }
0x25: {  	_ =	swait.ge [sflag:s16], $0x4000  }
0x26: {  	[sflag:s16] =	ssyncset.done $0x0  }
0x27: {  	[sflag:s16] =	ssyncadd.s32 $0xFFFFC000  }
0x28: {  	[tilespmem:s20], [sflag:$0x2] =	stream.indirect.gather [hbm4b:s4+s18], $0x80, s23, s18, $0xb8;
	[tilespmem:$0x1E800] =	vst v63  }
0x29: {  	_ =	swait.ge [sflag:s21], $0x4000  }
0x2a: {  	[sflag:s21] =	ssyncset.done $0x0  }
0x2b: {  	[sflag:s21] =	ssyncadd.s32 $0xFFFFC000  }
0x2c: {  	[spmem:s2] =	stream.indirect.scatter.add.f32 [tilespmem:s19], [sflag:$0x3], $0x80, s24, s18, $0xb8;
	[tilespmem:$0x1E800] =	vst v63  }
0x2d: {  	_ =	swait.ge [sflag:s16], $0x4000  }
0x2e: {  	[sflag:s16] =	ssyncset.done $0x0  }
0x2f: {  	[sflag:s16] =	ssyncadd.s32 $0xFFFFC000  }
0x30: {  	_ =	swait.ge [sflag:s22], $0x4000  }
0x31: {  	[sflag:s22] =	ssyncset.done $0x0  }
0x32: {  	[sflag:s22] =	ssyncadd.s32 $0xFFFFC000  }
0x33: {  	[spmem:s2] =	stream.indirect.scatter.add.f32 [tilespmem:s20], [sflag:$0x3], $0x80, s25, s18, $0xb8;
	[tilespmem:$0x1E800] =	vst v63  }
0x34: {  	_ =	swait.ge [sflag:s16], $0x4000  }
0x35: {  	[sflag:s16] =	ssyncset.done $0x0  }
0x36: {  	[sflag:s16] =	ssyncadd.s32 $0xFFFFC000  }
.LBB2_9:
0x37: {  	s26 =	sadd.s32 $0x1, s26  }
0x38: {  	p1 =	sne.s32 s26, s14  }
.Ltmp1:
0x39: {  	[bflag:$0x0] =	sbarrier.arrive $0xFFFF;
	(pc) =	sbr.rel @!p1 .LBB2_10-.Ltmp1, $4  }
0x3a: {  	[hbm:s13], [sflag:s6] =	dma.local [spmem:s15], $0x2800  }
0x3b: {  	_ =	swait.ge [sflag:s16], $0x2800  }
0x3c: {  	[sflag:s16] =	ssyncset.done $0x0  }
0x3d: {  	[sflag:s16] =	ssyncadd.s32 $0xFFFFD800  }
.LBB2_1:
0x3e: {  	[spmem:s15], [sflag:s6] =	dma.local [hbm:s5], $0x2800  }
0x3f: {  	_ =	swait.ge [sflag:s16], $0x2800  }
0x40: {  	[sflag:s16] =	ssyncset.done $0x0  }
0x41: {  	[sflag:s16] =	ssyncadd.s32 $0xFFFFD800  }
0x42: {  	[bflag:$0x0] =	sbarrier.arrive $0xFFFF  }
0x43: {  	[tilespmem:s3], [sflag:$0x3] =	stream.linear.gather [hbm4b:s7+s3], $0x1400, $0x38;
	[tilespmem:$0x1E800] =	vst v63  }
0x44: {  	_ =	swait.ge [sflag:s16], $0x1400  }
0x45: {  	[sflag:s16] =	ssyncset.done $0x0  }
0x46: {  	[sflag:s16] =	ssyncadd.s32 $0xFFFFEC00  }
0x47: {  	[tilespmem:s17], [sflag:$0x3] =	stream.linear.gather [hbm4b:s8+s3], $0x1400, $0x38;
	[tilespmem:$0x1E800] =	vst v63  }
0x48: {  	_ =	swait.ge [sflag:s16], $0x1400  }
0x49: {  	[sflag:s16] =	ssyncset.done $0x0  }
0x4a: {  	[sflag:s16] =	ssyncadd.s32 $0xFFFFEC00  }
0x4b: {  	[tilespmem:s19], [sflag:$0x1] =	stream.indirect.gather [hbm4b:s4+s18], $0x80, s3, s18, $0xb8;
	[tilespmem:$0x1E800] =	vst v63  }
0x4c: {  	s28 =	simm.s32 $0x80  }
0x4d: {  	[tilespmem:s20], [sflag:$0x2] =	stream.indirect.gather [hbm4b:s4+s18], $0x80, s28, s18, $0xb8;
	[tilespmem:$0x1E800] =	vst v63  }
0x4e: {  	_ =	swait.ge [sflag:s21], $0x4000  }
0x4f: {  	[sflag:s21] =	ssyncset.done $0x0  }
0x50: {  	s28 =	simm.s32 $0x1400;
	[sflag:s21] =	ssyncadd.s32 $0xFFFFC000  }
0x51: {  	[spmem:s2] =	stream.indirect.scatter.add.f32 [tilespmem:s19], [sflag:$0x3], $0x80, s28, s18, $0xb8;
	[tilespmem:$0x1E800] =	vst v63  }
0x52: {  	_ =	swait.ge [sflag:s16], $0x4000  }
0x53: {  	[sflag:s16] =	ssyncset.done $0x0  }
0x54: {  	s28 =	simm.s32 $0x100;
	[sflag:s16] =	ssyncadd.s32 $0xFFFFC000  }
0x55: {  	[tilespmem:s19], [sflag:$0x1] =	stream.indirect.gather [hbm4b:s4+s18], $0x80, s28, s18, $0xb8;
	[tilespmem:$0x1E800] =	vst v63  }
0x56: {  	_ =	swait.ge [sflag:s22], $0x4000  }
0x57: {  	[sflag:s22] =	ssyncset.done $0x0  }
0x58: {  	s28 =	simm.s32 $0x1480;
	[sflag:s22] =	ssyncadd.s32 $0xFFFFC000  }
0x59: {  	[spmem:s2] =	stream.indirect.scatter.add.f32 [tilespmem:s20], [sflag:$0x3], $0x80, s28, s18, $0xb8;
	[tilespmem:$0x1E800] =	vst v63  }
0x5a: {  	_ =	swait.ge [sflag:s16], $0x4000  }
0x5b: {  	s29 =	simm.s32 $0x800;
	s28 =	simm.s32 $0x100;
	[sflag:s16] =	ssyncset.done $0x0  }
.LBB2_2:
0x5c: {  	s30 =	sadd.s32 $0x80, s28  }
0x5d: {  	[sflag:s16] =	ssyncadd.s32 $0xFFFFC000;
	s31 =	smov.u32 s29;
	s0 =	sadd.s32 $0x400, s29  }
0x5e: {  	[tilespmem:s20], [sflag:$0x2] =	stream.indirect.gather [hbm4b:s4+s18], $0x80, s30, s18, $0xb8;
	[tilespmem:$0x1E800] =	vst v63  }
0x5f: {  	p1 =	sne.s32 s29, $0x4800;
	_ =	swait.ge [sflag:s21], $0x4000  }
0x60: {  	[sflag:s21] =	ssyncset.done $0x0  }
0x61: {  	s29 =	sadd.s32 $0x1400, s28;
	[sflag:s21] =	ssyncadd.s32 $0xFFFFC000  }
0x62: {  	[spmem:s2] =	stream.indirect.scatter.add.f32 [tilespmem:s19], [sflag:$0x3], $0x80, s29, s18, $0xb8;
	[tilespmem:$0x1E800] =	vst v63  }
0x63: {  	_ =	swait.ge [sflag:s16], $0x4000  }
0x64: {  	[sflag:s16] =	ssyncset.done $0x0  }
0x65: {  	s29 =	sadd.s32 $0x100, s28;
	[sflag:s16] =	ssyncadd.s32 $0xFFFFC000  }
0x66: {  	[tilespmem:s19], [sflag:$0x1] =	stream.indirect.gather [hbm4b:s4+s18], $0x80, s29, s18, $0xb8;
	[tilespmem:$0x1E800] =	vst v63  }
0x67: {  	_ =	swait.ge [sflag:s22], $0x4000  }
.Ltmp2:
0x68: {  	[sflag:s22] =	ssyncset.done $0x0;
	(pc) =	sbr.rel @p1 .LBB2_2-.Ltmp2, $4  }
0x69: {  	s28 =	sadd.s32 $0x1480, s28;
	[sflag:s22] =	ssyncadd.s32 $0xFFFFC000  }
0x6a: {  	[spmem:s2] =	stream.indirect.scatter.add.f32 [tilespmem:s20], [sflag:$0x3], $0x80, s28, s18, $0xb8;
	[tilespmem:$0x1E800] =	vst v63  }
0x6b: {  	_ =	swait.ge [sflag:s16], $0x4000  }
0x6c: {  	s29 =	smov.u32 s0;
	s28 =	sshra.s32 s31, $0x2;
	[sflag:s16] =	ssyncset.done $0x0  }
0x6d: {  	s0 =	sadd.s32 $0x80, s28;
	[sflag:s16] =	ssyncadd.s32 $0xFFFFC000  }
0x6e: {  	[tilespmem:s20], [sflag:$0x2] =	stream.indirect.gather [hbm4b:s4+s18], $0x80, s0, s18, $0xb8;
	[tilespmem:$0x1E800] =	vst v63  }
0x6f: {  	_ =	swait.ge [sflag:s21], $0x4000  }
0x70: {  	[sflag:s21] =	ssyncset.done $0x0  }
0x71: {  	s29 =	sadd.s32 $0x1400, s28;
	[sflag:s21] =	ssyncadd.s32 $0xFFFFC000  }
0x72: {  	[spmem:s2] =	stream.indirect.scatter.add.f32 [tilespmem:s19], [sflag:$0x3], $0x80, s29, s18, $0xb8;
	[tilespmem:$0x1E800] =	vst v63  }
0x73: {  	_ =	swait.ge [sflag:s16], $0x4000  }
0x74: {  	[sflag:s16] =	ssyncset.done $0x0  }
0x75: {  	s30 =	sadd.s32 $0x100, s28;
	[sflag:s16] =	ssyncadd.s32 $0xFFFFC000  }
0x76: {  	[tilespmem:s19], [sflag:$0x1] =	stream.indirect.gather [hbm4b:s4+s18], $0x80, s30, s18, $0xb8;
	[tilespmem:$0x1E800] =	vst v63  }
0x77: {  	_ =	swait.ge [sflag:s22], $0x4000  }
0x78: {  	[sflag:s22] =	ssyncset.done $0x0  }
0x79: {  	s31 =	sadd.s32 $0x1480, s28;
	[sflag:s22] =	ssyncadd.s32 $0xFFFFC000  }
0x7a: {  	[spmem:s2] =	stream.indirect.scatter.add.f32 [tilespmem:s20], [sflag:$0x3], $0x80, s31, s18, $0xb8;
	[tilespmem:$0x1E800] =	vst v63  }
0x7b: {  	_ =	swait.ge [sflag:s16], $0x4000  }
0x7c: {  	[sflag:s16] =	ssyncset.done $0x0  }
0x7d: {  	[sflag:s16] =	ssyncadd.s32 $0xFFFFC000  }
0x7e: {  	[tilespmem:s20], [sflag:$0x2] =	stream.indirect.gather [hbm4b:s4+s18], $0x80, s23, s18, $0xb8;
	[tilespmem:$0x1E800] =	vst v63  }
0x7f: {  	_ =	swait.ge [sflag:s21], $0x4000  }
0x80: {  	[sflag:s21] =	ssyncset.done $0x0  }
0x81: {  	[sflag:s21] =	ssyncadd.s32 $0xFFFFC000  }
0x82: {  	[spmem:s2] =	stream.indirect.scatter.add.f32 [tilespmem:s19], [sflag:$0x3], $0x80, s24, s18, $0xb8;
	[tilespmem:$0x1E800] =	vst v63  }
0x83: {  	_ =	swait.ge [sflag:s16], $0x4000  }
0x84: {  	[sflag:s16] =	ssyncset.done $0x0  }
0x85: {  	[sflag:s16] =	ssyncadd.s32 $0xFFFFC000  }
0x86: {  	_ =	swait.ge [sflag:s22], $0x4000  }
0x87: {  	[sflag:s22] =	ssyncset.done $0x0  }
.Ltmp3:
0x88: {  	[sflag:s22] =	ssyncadd.s32 $0xFFFFC000;
	(pc) =	sbr.rel @p0 .LBB2_9-.Ltmp3, $4  }
0x89: {  	[spmem:s2] =	stream.indirect.scatter.add.f32 [tilespmem:s20], [sflag:$0x3], $0x80, s25, s18, $0xb8;
	[tilespmem:$0x1E800] =	vst v63  }
0x8a: {  	_ =	swait.ge [sflag:s16], $0x4000  }
0x8b: {  	[sflag:s16] =	ssyncset.done $0x0  }
0x8c: {  	[sflag:s16] =	ssyncadd.s32 $0xFFFFC000  }
0x8d: {  	s0 =	simm.s32 $0x0  }
0x8e: {  	[tilespmem:s0], [sflag:$0x3] =	stream.linear.gather [hbm4b:s9+s0], $0x1400, $0x38;
	[tilespmem:$0x1E800] =	vst v63  }
0x8f: {  	_ =	swait.ge [sflag:s16], $0x1400  }
0x90: {  	[sflag:s16] =	ssyncset.done $0x0  }
0x91: {  	[sflag:s16] =	ssyncadd.s32 $0xFFFFEC00  }
0x92: {  	[tilespmem:s17], [sflag:$0x3] =	stream.linear.gather [hbm4b:s10+s0], $0x1400, $0x38;
	[tilespmem:$0x1E800] =	vst v63  }
0x93: {  	_ =	swait.ge [sflag:s16], $0x1400  }
0x94: {  	[sflag:s16] =	ssyncset.done $0x0  }
0x95: {  	[sflag:s16] =	ssyncadd.s32 $0xFFFFEC00  }
0x96: {  	[tilespmem:s19], [sflag:$0x1] =	stream.indirect.gather [hbm4b:s4+s18], $0x80, s0, s18, $0xb8;
	[tilespmem:$0x1E800] =	vst v63  }
0x97: {  	s30 =	simm.s32 $0x80  }
0x98: {  	[tilespmem:s20], [sflag:$0x2] =	stream.indirect.gather [hbm4b:s4+s18], $0x80, s30, s18, $0xb8;
	[tilespmem:$0x1E800] =	vst v63  }
0x99: {  	_ =	swait.ge [sflag:s21], $0x4000  }
0x9a: {  	[sflag:s21] =	ssyncset.done $0x0  }
0x9b: {  	s31 =	simm.s32 $0x1400;
	[sflag:s21] =	ssyncadd.s32 $0xFFFFC000  }
0x9c: {  	[spmem:s2] =	stream.indirect.scatter.add.f32 [tilespmem:s19], [sflag:$0x3], $0x80, s31, s18, $0xb8;
	[tilespmem:$0x1E800] =	vst v63  }
0x9d: {  	_ =	swait.ge [sflag:s16], $0x4000  }
0x9e: {  	[sflag:s16] =	ssyncset.done $0x0  }
0x9f: {  	s30 =	simm.s32 $0x100;
	[sflag:s16] =	ssyncadd.s32 $0xFFFFC000  }
0xa0: {  	[tilespmem:s19], [sflag:$0x1] =	stream.indirect.gather [hbm4b:s4+s18], $0x80, s30, s18, $0xb8;
	[tilespmem:$0x1E800] =	vst v63  }
0xa1: {  	_ =	swait.ge [sflag:s22], $0x4000  }
0xa2: {  	[sflag:s22] =	ssyncset.done $0x0  }
0xa3: {  	s31 =	simm.s32 $0x1480;
	[sflag:s22] =	ssyncadd.s32 $0xFFFFC000  }
0xa4: {  	[spmem:s2] =	stream.indirect.scatter.add.f32 [tilespmem:s20], [sflag:$0x3], $0x80, s31, s18, $0xb8;
	[tilespmem:$0x1E800] =	vst v63  }
0xa5: {  	_ =	swait.ge [sflag:s16], $0x4000  }
0xa6: {  	s29 =	simm.s32 $0x800;
	s28 =	simm.s32 $0x100;
	[sflag:s16] =	ssyncset.done $0x0  }
.LBB2_5:
0xa7: {  	s0 =	sadd.s32 $0x80, s28  }
0xa8: {  	[sflag:s16] =	ssyncadd.s32 $0xFFFFC000;
	s30 =	smov.u32 s29;
	s31 =	sadd.s32 $0x400, s29  }
0xa9: {  	[tilespmem:s20], [sflag:$0x2] =	stream.indirect.gather [hbm4b:s4+s18], $0x80, s0, s18, $0xb8;
	[tilespmem:$0x1E800] =	vst v63  }
0xaa: {  	p1 =	sne.s32 s29, $0x4800;
	_ =	swait.ge [sflag:s21], $0x4000  }
0xab: {  	[sflag:s21] =	ssyncset.done $0x0  }
0xac: {  	s0 =	sadd.s32 $0x1400, s28;
	[sflag:s21] =	ssyncadd.s32 $0xFFFFC000  }
0xad: {  	[spmem:s2] =	stream.indirect.scatter.add.f32 [tilespmem:s19], [sflag:$0x3], $0x80, s0, s18, $0xb8;
	[tilespmem:$0x1E800] =	vst v63  }
0xae: {  	_ =	swait.ge [sflag:s16], $0x4000  }
0xaf: {  	[sflag:s16] =	ssyncset.done $0x0  }
0xb0: {  	s0 =	sadd.s32 $0x100, s28;
	[sflag:s16] =	ssyncadd.s32 $0xFFFFC000  }
0xb1: {  	[tilespmem:s19], [sflag:$0x1] =	stream.indirect.gather [hbm4b:s4+s18], $0x80, s0, s18, $0xb8;
	[tilespmem:$0x1E800] =	vst v63  }
0xb2: {  	_ =	swait.ge [sflag:s22], $0x4000  }
.Ltmp4:
0xb3: {  	[sflag:s22] =	ssyncset.done $0x0;
	(pc) =	sbr.rel @p1 .LBB2_5-.Ltmp4, $4  }
0xb4: {  	s0 =	sadd.s32 $0x1480, s28;
	[sflag:s22] =	ssyncadd.s32 $0xFFFFC000  }
0xb5: {  	[spmem:s2] =	stream.indirect.scatter.add.f32 [tilespmem:s20], [sflag:$0x3], $0x80, s0, s18, $0xb8;
	[tilespmem:$0x1E800] =	vst v63  }
0xb6: {  	_ =	swait.ge [sflag:s16], $0x4000  }
0xb7: {  	s29 =	smov.u32 s31;
	s28 =	sshra.s32 s30, $0x2;
	[sflag:s16] =	ssyncset.done $0x0  }
0xb8: {  	s0 =	sadd.s32 $0x80, s28;
	[sflag:s16] =	ssyncadd.s32 $0xFFFFC000  }
0xb9: {  	[tilespmem:s20], [sflag:$0x2] =	stream.indirect.gather [hbm4b:s4+s18], $0x80, s0, s18, $0xb8;
	[tilespmem:$0x1E800] =	vst v63  }
0xba: {  	_ =	swait.ge [sflag:s21], $0x4000  }
0xbb: {  	[sflag:s21] =	ssyncset.done $0x0  }
0xbc: {  	s30 =	sadd.s32 $0x1400, s28;
	[sflag:s21] =	ssyncadd.s32 $0xFFFFC000  }
0xbd: {  	[spmem:s2] =	stream.indirect.scatter.add.f32 [tilespmem:s19], [sflag:$0x3], $0x80, s30, s18, $0xb8;
	[tilespmem:$0x1E800] =	vst v63  }
0xbe: {  	_ =	swait.ge [sflag:s16], $0x4000  }
0xbf: {  	[sflag:s16] =	ssyncset.done $0x0  }
0xc0: {  	s31 =	sadd.s32 $0x100, s28;
	[sflag:s16] =	ssyncadd.s32 $0xFFFFC000  }
0xc1: {  	[tilespmem:s19], [sflag:$0x1] =	stream.indirect.gather [hbm4b:s4+s18], $0x80, s31, s18, $0xb8;
	[tilespmem:$0x1E800] =	vst v63  }
0xc2: {  	_ =	swait.ge [sflag:s22], $0x4000  }
0xc3: {  	[sflag:s22] =	ssyncset.done $0x0  }
0xc4: {  	s30 =	sadd.s32 $0x1480, s28;
	[sflag:s22] =	ssyncadd.s32 $0xFFFFC000  }
0xc5: {  	[spmem:s2] =	stream.indirect.scatter.add.f32 [tilespmem:s20], [sflag:$0x3], $0x80, s30, s18, $0xb8;
	[tilespmem:$0x1E800] =	vst v63  }
0xc6: {  	_ =	swait.ge [sflag:s16], $0x4000  }
0xc7: {  	[sflag:s16] =	ssyncset.done $0x0  }
0xc8: {  	[sflag:s16] =	ssyncadd.s32 $0xFFFFC000  }
0xc9: {  	[tilespmem:s20], [sflag:$0x2] =	stream.indirect.gather [hbm4b:s4+s18], $0x80, s23, s18, $0xb8;
	[tilespmem:$0x1E800] =	vst v63  }
0xca: {  	_ =	swait.ge [sflag:s21], $0x4000  }
0xcb: {  	[sflag:s21] =	ssyncset.done $0x0  }
0xcc: {  	[sflag:s21] =	ssyncadd.s32 $0xFFFFC000  }
0xcd: {  	[spmem:s2] =	stream.indirect.scatter.add.f32 [tilespmem:s19], [sflag:$0x3], $0x80, s24, s18, $0xb8;
	[tilespmem:$0x1E800] =	vst v63  }
0xce: {  	_ =	swait.ge [sflag:s16], $0x4000  }
0xcf: {  	[sflag:s16] =	ssyncset.done $0x0  }
0xd0: {  	[sflag:s16] =	ssyncadd.s32 $0xFFFFC000  }
0xd1: {  	_ =	swait.ge [sflag:s22], $0x4000  }
0xd2: {  	[sflag:s22] =	ssyncset.done $0x0  }
0xd3: {  	[sflag:s22] =	ssyncadd.s32 $0xFFFFC000  }
0xd4: {  	[spmem:s2] =	stream.indirect.scatter.add.f32 [tilespmem:s20], [sflag:$0x3], $0x80, s25, s18, $0xb8;
	[tilespmem:$0x1E800] =	vst v63  }
0xd5: {  	_ =	swait.ge [sflag:s16], $0x4000  }
0xd6: {  	[sflag:s16] =	ssyncset.done $0x0  }
0xd7: {  	s31 =	simm.s32 $0x0;
	[sflag:s16] =	ssyncadd.s32 $0xFFFFC000  }
0xd8: {  	[tilespmem:s31], [sflag:$0x3] =	stream.linear.gather [hbm4b:s11+s31], $0x1400, $0x38;
	[tilespmem:$0x1E800] =	vst v63  }
0xd9: {  	_ =	swait.ge [sflag:s16], $0x1400  }
0xda: {  	[sflag:s16] =	ssyncset.done $0x0  }
0xdb: {  	[sflag:s16] =	ssyncadd.s32 $0xFFFFEC00  }
0xdc: {  	[tilespmem:s17], [sflag:$0x3] =	stream.linear.gather [hbm4b:s12+s31], $0x1400, $0x38;
	[tilespmem:$0x1E800] =	vst v63  }
0xdd: {  	_ =	swait.ge [sflag:s16], $0x1400  }
0xde: {  	[sflag:s16] =	ssyncset.done $0x0  }
0xdf: {  	[sflag:s16] =	ssyncadd.s32 $0xFFFFEC00  }
0xe0: {  	[tilespmem:s19], [sflag:$0x1] =	stream.indirect.gather [hbm4b:s4+s18], $0x80, s31, s18, $0xb8;
	[tilespmem:$0x1E800] =	vst v63  }
0xe1: {  	s30 =	simm.s32 $0x80  }
0xe2: {  	[tilespmem:s20], [sflag:$0x2] =	stream.indirect.gather [hbm4b:s4+s18], $0x80, s30, s18, $0xb8;
	[tilespmem:$0x1E800] =	vst v63  }
0xe3: {  	_ =	swait.ge [sflag:s21], $0x4000  }
0xe4: {  	[sflag:s21] =	ssyncset.done $0x0  }
0xe5: {  	s31 =	simm.s32 $0x1400;
	[sflag:s21] =	ssyncadd.s32 $0xFFFFC000  }
0xe6: {  	[spmem:s2] =	stream.indirect.scatter.add.f32 [tilespmem:s19], [sflag:$0x3], $0x80, s31, s18, $0xb8;
	[tilespmem:$0x1E800] =	vst v63  }
0xe7: {  	_ =	swait.ge [sflag:s16], $0x4000  }
0xe8: {  	[sflag:s16] =	ssyncset.done $0x0  }
0xe9: {  	s30 =	simm.s32 $0x100;
	[sflag:s16] =	ssyncadd.s32 $0xFFFFC000  }
0xea: {  	[tilespmem:s19], [sflag:$0x1] =	stream.indirect.gather [hbm4b:s4+s18], $0x80, s30, s18, $0xb8;
	[tilespmem:$0x1E800] =	vst v63  }
0xeb: {  	_ =	swait.ge [sflag:s22], $0x4000  }
0xec: {  	[sflag:s22] =	ssyncset.done $0x0  }
0xed: {  	s31 =	simm.s32 $0x1480;
	[sflag:s22] =	ssyncadd.s32 $0xFFFFC000  }
0xee: {  	[spmem:s2] =	stream.indirect.scatter.add.f32 [tilespmem:s20], [sflag:$0x3], $0x80, s31, s18, $0xb8;
	[tilespmem:$0x1E800] =	vst v63  }
0xef: {  	_ =	swait.ge [sflag:s16], $0x4000  }
0xf0: {  	s29 =	simm.s32 $0x800;
	s28 =	simm.s32 $0x100;
	[sflag:s16] =	ssyncset.done $0x0  }
.LBB2_7:
0xf1: {  	s0 =	sadd.s32 $0x80, s28  }
0xf2: {  	[sflag:s16] =	ssyncadd.s32 $0xFFFFC000;
	s30 =	smov.u32 s29;
	s31 =	sadd.s32 $0x400, s29  }
0xf3: {  	[tilespmem:s20], [sflag:$0x2] =	stream.indirect.gather [hbm4b:s4+s18], $0x80, s0, s18, $0xb8;
	[tilespmem:$0x1E800] =	vst v63  }
0xf4: {  	p1 =	sne.s32 s29, $0x4800;
	_ =	swait.ge [sflag:s21], $0x4000  }
0xf5: {  	[sflag:s21] =	ssyncset.done $0x0  }
0xf6: {  	s0 =	sadd.s32 $0x1400, s28;
	[sflag:s21] =	ssyncadd.s32 $0xFFFFC000  }
0xf7: {  	[spmem:s2] =	stream.indirect.scatter.add.f32 [tilespmem:s19], [sflag:$0x3], $0x80, s0, s18, $0xb8;
	[tilespmem:$0x1E800] =	vst v63  }
0xf8: {  	_ =	swait.ge [sflag:s16], $0x4000  }
0xf9: {  	[sflag:s16] =	ssyncset.done $0x0  }
0xfa: {  	s0 =	sadd.s32 $0x100, s28;
	[sflag:s16] =	ssyncadd.s32 $0xFFFFC000  }
0xfb: {  	[tilespmem:s19], [sflag:$0x1] =	stream.indirect.gather [hbm4b:s4+s18], $0x80, s0, s18, $0xb8;
	[tilespmem:$0x1E800] =	vst v63  }
0xfc: {  	_ =	swait.ge [sflag:s22], $0x4000  }
.Ltmp5:
0xfd: {  	[sflag:s22] =	ssyncset.done $0x0;
	(pc) =	sbr.rel @p1 .LBB2_7-.Ltmp5, $4  }
0xfe: {  	s0 =	sadd.s32 $0x1480, s28;
	[sflag:s22] =	ssyncadd.s32 $0xFFFFC000  }
0xff: {  	[spmem:s2] =	stream.indirect.scatter.add.f32 [tilespmem:s20], [sflag:$0x3], $0x80, s0, s18, $0xb8;
	[tilespmem:$0x1E800] =	vst v63  }
0x100: {  	_ =	swait.ge [sflag:s16], $0x4000  }
0x101: {  	s29 =	smov.u32 s31;
	s28 =	sshra.s32 s30, $0x2;
	[sflag:s16] =	ssyncset.done $0x0  }
.Ltmp6:
0x102: {  	_ = 	snop;
	(pc) =	sbr.rel .LBB2_8-.Ltmp6, $1  }
0x103: {  	_ =	sdelay $0x3  }
.LBB2_10:
0x104: {  	_ =	sfence.sel $0x180000  }
0x105: {  	[bflag:$0x0] =	sbarrier.arrive $0xFFFF  }
0x106: {  	_ =	strace $0x90000050  }
0x107: {  	[bflag:$0x2] =	sbarrier.arrive $0xFFFF  }
0x108: {  	p0 =	sne.s32 s1, $0x0;
	s0 =	rddreg [dreg:$0x3]  }
0x109: {  	s0 =	sadd.s32 @!p0 $0x100000, s0  }
0x10a: {  	[sflag:s0] =	ssyncadd.tile.s32 @!p0 $0x1;
	_ =	shalt  }
.Lfunc_end2:
_tile_overlayer_lowered:
.L_overlay_start_2:
0x10b: {  	(tag) =	ssettag $0x2  }
0x10c: {  	s0 =	rddreg [dreg:$0x0];
	s2 =	stileid.u32  }
0x10d: {  	s1 =	rddreg [dreg:$0x1];
	p0 =	sne.s32 s2, $0x0  }
0x10e: {  	s3 =	rddreg [dreg:$0x2];
	[bflag:$0x3] =	sbarrier.arrive $0xFFFF;
	s2 =	simm.s32 @!p0 $0x1C03  }
0x10f: {  	[timem:s3], [sflag:s2] =	dma.local @!p0 [hbm:s0], s1  }
0x110: {  	s0 =	simm.s32 @!p0 $0x3  }
0x111: {  	_ =	swait.ge @!p0 [sflag:s0], s1  }
0x112: {  	s1 =	ssub.s32 @!p0 $0x0, s1;
	[sflag:s0] =	ssyncset.done @!p0 $0x0  }
0x113: {  	[sflag:s0] =	ssyncadd.s32 @!p0 s1  }
0x114: {  	[bflag:$0x3] =	sbarrier.arrive $0xFFFF  }
0x115: {  	_ =	shalt  }

</sc_bundles>
